<compile_context>
chip_gen: v7x
topology: tpu7x:2x2x1
jax: 0.10.2.dev20260603
libtpu: 0.0.44.dev20260713+nightly
codegen_flags: <defaults>
</compile_context>

<pallas_src>
import functools

import jax
import jax.numpy as jnp
from jax import lax
from jax.experimental import pallas as pl
from jax.experimental.pallas import tpu as pltpu
from jax.experimental.pallas import tpu_sc as plsc

N = 10000
E = 160000
NFEAT = 256
NHID = 256
NCLASS = 64

NC = 2
NS = 16
CH = 128

NP = 10112
RPT = NP // NS

NCH1 = 80
EPT1 = NCH1 * CH

NCH2 = 40
EPT2 = NCH2 * CH

BS = 1000
NBLK = N // BS

_mesh = plsc.VectorSubcoreMesh(
    core_axis_name="c", subcore_axis_name="s", num_cores=NC, num_subcores=NS
)

_RCHUNKS = [(i * CH, min(CH, RPT - i * CH)) for i in range((RPT + CH - 1) // CH)]


def _zero_spmem(rows, acc, rbase, sem):
    for off, n in _RCHUNKS:
        pltpu.async_copy(rows.at[pl.ds(0, n)], acc.at[pl.ds(rbase + off, n)], sem)
    for off, n in _RCHUNKS:
        pltpu.make_async_copy(rows.at[pl.ds(0, n)], acc.at[pl.ds(rbase + off, n)], sem).wait()


def _writeout_spmem(rows_a, rows_b, acc, rbase, out_slice_fn, sem_a, sem_b):
    bufs = [(rows_a, sem_a), (rows_b, sem_b)]

    def sp2vm(k, issue):
        off, n = _RCHUNKS[k]
        buf, sem = bufs[k % 2]
        cp = pltpu.async_copy if issue else pltpu.make_async_copy
        r = cp(acc.at[pl.ds(rbase + off, n)], buf.at[pl.ds(0, n)], sem)
        if not issue:
            r.wait()

    def push(k, issue):
        off, n = _RCHUNKS[k]
        buf, sem = bufs[k % 2]
        cp = pltpu.async_copy if issue else pltpu.make_async_copy
        r = cp(buf.at[pl.ds(0, n)], out_slice_fn(rbase + off, n), sem)
        if not issue:
            r.wait()

    n_ch = len(_RCHUNKS)
    sp2vm(0, True)
    sp2vm(1, True)
    for k in range(n_ch):
        if k >= 2:
            push(k - 2, False)
            sp2vm(k, True)
        sp2vm(k, False)
        push(k, True)
    push(n_ch - 2, False)
    push(n_ch - 1, False)


def _seg_loop(table, edges, w, nch, rows, esidx, gsem, ssem, isem, acc,
              deg_scatter=None):
    def g_issue(q, r):
        pltpu.async_copy(table.at[esidx.at[q, 0]], rows[r], gsem[r])

    def g_wait(r):
        pltpu.make_async_copy(table.at[esidx.at[0, 0]], rows[r], gsem[r]).wait()

    def s_issue(q, r):
        pltpu.async_copy(rows[r], acc.at[esidx.at[q, 1]], ssem[r], add=True)
        if deg_scatter is not None:
            ones_r, dacc, dsem = deg_scatter
            pltpu.async_copy(ones_r, dacc.at[esidx.at[q, 1]], dsem[r], add=True)

    def s_wait(r):
        pltpu.make_async_copy(rows[r], acc.at[esidx.at[0, 1]], ssem[r]).wait()
        if deg_scatter is not None:
            ones_r, dacc, dsem = deg_scatter
            pltpu.make_async_copy(ones_r, dacc.at[esidx.at[0, 1]], dsem[r]).wait()

    def i_issue(j, q):
        jc = jnp.where(j < nch, j, 0)
        pltpu.async_copy(edges.at[w, jc], esidx.at[q], isem[q])

    def i_wait(q):
        pltpu.make_async_copy(edges.at[w, 0], esidx.at[q], isem[q]).wait()

    pltpu.sync_copy(edges.at[w, 0], esidx.at[0])
    g_issue(0, 0)
    i_issue(1, 1)
    i_issue(2, 2)

    def body(i, carry):
        j_base = i * 4
        for t in range(4):
            j = j_base + t
            r = t % 2
            nr = (t + 1) % 2
            nq = (t + 1) % 4
            pq = (t + 3) % 4
            g_wait(r)
            s_issue(t, r)
            if t == 0:
                @pl.when(i > 0)
                def _():
                    s_wait(nr)
            else:
                s_wait(nr)
            i_issue(j + 3, pq)
            i_wait(nq)
            g_issue(nq, nr)
        return carry

    lax.fori_loop(0, nch // 4, body, 0)
    g_wait(0)
    s_wait(1)
    i_wait(1)
    i_wait(2)


def _sc1_body(table, edges, zrows, zdeg, ones1,
              agg_out, deg_out,
              esidx, rows_a, rows_b, ones_r, degb, acc, dacc,
              g0, g1, s0, s1, d0, d1, i0, i1, i2, i3):
    c = lax.axis_index("c")
    s = lax.axis_index("s")
    rbase = pl.multiple_of(s * RPT, 8)
    w = c * NS + s
    pltpu.sync_copy(zrows, rows_b)
    _zero_spmem(rows_b, acc, rbase, g1)
    pltpu.sync_copy(zdeg, degb)
    pltpu.sync_copy(degb, dacc.at[pl.ds(rbase, RPT)])
    pltpu.sync_copy(ones1, ones_r)
    plsc.subcore_barrier()

    _seg_loop(table, edges, w, NCH1,
              [rows_a, rows_b], esidx,
              [g0, g1], [s0, s1], [i0, i1, i2, i3],
              acc, deg_scatter=(ones_r, dacc, [d0, d1]))
    plsc.subcore_barrier()

    _writeout_spmem(rows_a, rows_b, acc, rbase,
                    lambda r, n: agg_out.at[c, pl.ds(r, n)], g0, g1)

    @pl.when(c == 0)
    def _():
        pltpu.sync_copy(dacc.at[pl.ds(rbase, RPT)], degb)
        pltpu.sync_copy(degb, deg_out.at[pl.ds(rbase, RPT)])


@functools.cache
def _sc1():
  return pl.kernel(
    _sc1_body,
    out_type=(
        jax.ShapeDtypeStruct((NC, NP, 128), jnp.float32),
        jax.ShapeDtypeStruct((NP,), jnp.float32),
    ),
    mesh=_mesh,
    scratch_types=[
        pltpu.VMEM((4, 2, CH), jnp.int32),
        pltpu.VMEM((CH, 128), jnp.float32),
        pltpu.VMEM((CH, 128), jnp.float32),
        pltpu.VMEM((CH,), jnp.float32),
        pltpu.VMEM((RPT,), jnp.float32),
        pltpu.VMEM_SHARED((NP, 128), jnp.float32),
        pltpu.VMEM_SHARED((NP,), jnp.float32),
    ] + [pltpu.SemaphoreType.DMA] * 10,
  )


def _sc2_body(table, edges, zrows,
              agg_out,
              esidx, rows_a, rows_b, acc,
              g0, g1, s0, s1, i0, i1, i2, i3):
    c = lax.axis_index("c")
    s = lax.axis_index("s")
    rbase = pl.multiple_of(s * RPT, 8)
    w = c * NS + s
    pltpu.sync_copy(zrows, rows_b)
    _zero_spmem(rows_b, acc, rbase, g1)
    plsc.subcore_barrier()

    _seg_loop(table, edges, w, NCH2,
              [rows_a, rows_b], esidx,
              [g0, g1], [s0, s1], [i0, i1, i2, i3],
              acc)
    plsc.subcore_barrier()

    _writeout_spmem(rows_a, rows_b, acc, rbase,
                    lambda r, n: agg_out.at[c, pl.ds(r, n)], g0, g1)


@functools.cache
def _sc2():
  return pl.kernel(
    _sc2_body,
    out_type=jax.ShapeDtypeStruct((NC, NP, 128), jnp.float32),
    mesh=_mesh,
    scratch_types=[
        pltpu.VMEM((4, 2, CH), jnp.int32),
        pltpu.VMEM((CH, 128), jnp.float32),
        pltpu.VMEM((CH, 128), jnp.float32),
        pltpu.VMEM_SHARED((NP, 128), jnp.float32),
    ] + [pltpu.SemaphoreType.DMA] * 8,
  )


def _k1_body(x_ref, w_ref, out_ref):
    out_ref[...] = jnp.dot(
        x_ref[...], w_ref[...], preferred_element_type=jnp.float32
    )[None]


def _k1(x, W1):
    return pl.pallas_call(
        _k1_body,
        grid=(4, NBLK),
        in_specs=[
            pl.BlockSpec((BS, NFEAT), lambda c, nb: (nb, 0)),
            pl.BlockSpec((NFEAT, 128), lambda c, nb: (0, c // 2)),
        ],
        out_specs=pl.BlockSpec((1, BS, 128), lambda c, nb: (c, nb, 0)),
        out_shape=jax.ShapeDtypeStruct((4, N, 128), jnp.float32),
    )(x, W1)


def _k2_body(a0_ref, a1_ref, s0_ref, s1_ref, deg_ref, b1_ref, w2_ref, out_ref):
    inv = 1.0 / (deg_ref[...] + 1.0)
    h0 = jnp.maximum((a0_ref[0] + s0_ref[0]) * inv + b1_ref[:, :128], 0.0)
    h1 = jnp.maximum((a1_ref[0] + s1_ref[0]) * inv + b1_ref[:, 128:], 0.0)
    h = jnp.concatenate([h0, h1], axis=1)
    out_ref[...] = jnp.dot(
        h, w2_ref[...], preferred_element_type=jnp.float32
    )[None]


def _k2(agg1, sup1, deg, b1, W2p):
    return pl.pallas_call(
        _k2_body,
        grid=(4, NBLK),
        in_specs=[
            pl.BlockSpec((1, BS, 128), lambda c, nb: (0, nb, 0)),
            pl.BlockSpec((1, BS, 128), lambda c, nb: (1, nb, 0)),
            pl.BlockSpec((1, BS, 128), lambda c, nb: (0, nb, 0)),
            pl.BlockSpec((1, BS, 128), lambda c, nb: (2, nb, 0)),
            pl.BlockSpec((BS, 1), lambda c, nb: (nb, 0)),
            pl.BlockSpec((1, NHID), lambda c, nb: (0, 0)),
            pl.BlockSpec((NHID, 128), lambda c, nb: (0, 0)),
        ],
        out_specs=pl.BlockSpec((1, BS, 128), lambda c, nb: (c, nb, 0)),
        out_shape=jax.ShapeDtypeStruct((4, N, 128), jnp.float32),
    )(agg1, agg1, sup1, sup1, deg, b1, W2p)


def _k3_body(p0_ref, p1_ref, s_ref, deg_ref, b2_ref, out_ref):
    inv = 1.0 / (deg_ref[...] + 1.0)
    o = (p0_ref[0, :, :64] + p1_ref[0, :, :64] + s_ref[:, :64]) * inv + b2_ref[...]
    m = jnp.max(o, axis=1, keepdims=True)
    e = o - m
    lse = jnp.log(jnp.sum(jnp.exp(e), axis=1, keepdims=True))
    out_ref[...] = e - lse


def _k3(agg2, sup2, deg, b2):
    return pl.pallas_call(
        _k3_body,
        grid=(NBLK,),
        in_specs=[
            pl.BlockSpec((1, BS, 128), lambda nb: (0, nb, 0)),
            pl.BlockSpec((1, BS, 128), lambda nb: (1, nb, 0)),
            pl.BlockSpec((BS, 128), lambda nb: (nb, 0)),
            pl.BlockSpec((BS, 1), lambda nb: (nb, 0)),
            pl.BlockSpec((1, NCLASS), lambda nb: (0, 0)),
        ],
        out_specs=pl.BlockSpec((BS, NCLASS), lambda nb: (nb, 0)),
        out_shape=jax.ShapeDtypeStruct((N, NCLASS), jnp.float32),
    )(agg2, agg2, sup2, deg, b2)


def _pad_edges(arr, n_parts, ept, fill):
    per = E // n_parts
    a = arr.reshape(n_parts, per)
    return jnp.pad(a, ((0, 0), (0, ept - per)), constant_values=fill)


@jax.jit
def kernel(x, adj, W1, b1, W2, b2):
    src = adj[0].astype(jnp.int32)
    dst = adj[1].astype(jnp.int32)

    wids = jnp.arange(NC * NS, dtype=jnp.int32)
    toff = ((wids // NS * 2 + wids % NS // 8) * N).reshape(-1, 1, 1, 1)

    src1 = _pad_edges(src, NS, EPT1, 0).reshape(NS, NCH1, 1, CH)
    dst1 = _pad_edges(dst, NS, EPT1, N).reshape(NS, NCH1, 1, CH)
    src1 = jnp.concatenate([src1, src1], axis=0) + toff
    dst1 = jnp.concatenate([dst1, dst1], axis=0)
    edges1 = jnp.concatenate([src1, dst1], axis=2)
    src2 = _pad_edges(src, NC * NS, EPT2, 0).reshape(NC * NS, NCH2, 1, CH)
    src2 = src2 + toff
    dst2 = _pad_edges(dst, NC * NS, EPT2, N).reshape(NC * NS, NCH2, 1, CH)
    edges2 = jnp.concatenate([src2, dst2], axis=2)

    zrows = jnp.zeros((CH, 128), jnp.float32)
    zdeg = jnp.zeros((RPT,), jnp.float32)
    ones1 = jnp.ones((CH,), jnp.float32)

    sup1 = _k1(x, W1)
    table1 = sup1.reshape(4 * N, 128)
    agg1, deg = _sc1()(table1, edges1, zrows, zdeg, ones1)
    deg_col = deg[:N].reshape(N, 1)
    b1r = b1.reshape(1, NHID)

    W2p = jnp.pad(W2, ((0, 0), (0, 128 - NCLASS)))
    sup2 = _k2(agg1, sup1, deg_col, b1r, W2p)
    table2 = sup2.reshape(4 * N, 128)
    agg2 = _sc2()(table2, edges2, zrows)
    return _k3(agg2, sup2[0], deg_col, b2.reshape(1, NCLASS))

# --- scband reference (transcript-rebuilt; emitter-appended) ---
"""Pipeline reference for scband-gcn-5102421148100 (READ-ONLY COPY).

The authoritative reference and input builder live on the scoring server;
editing this copy changes nothing except your own understanding.
"""

import jax, jax.numpy as jnp
import numpy as np

N_NODES = 10000
N_EDGES = 160000
NFEAT = 256
NHID = 256
NCLASS = 64


def setup_inputs(seed: int = 0) -> dict:
    key = jax.random.key(seed)
    k_x, k_e, k_w1, k_b1, k_w2, k_b2 = jax.random.split(key, 6)
    x = jax.random.normal(k_x, (N_NODES, NFEAT), dtype=jnp.float32)
    adj = jax.random.randint(k_e, (2, N_EDGES), 0, N_NODES, dtype=jnp.int64)
    stdv1 = 1.0 / np.sqrt(NHID)
    W1 = jax.random.uniform(k_w1, (NFEAT, NHID), minval=-stdv1, maxval=stdv1, dtype=jnp.float32)
    b1 = jax.random.uniform(k_b1, (NHID,), minval=-stdv1, maxval=stdv1, dtype=jnp.float32)
    stdv2 = 1.0 / np.sqrt(NCLASS)
    W2 = jax.random.uniform(k_w2, (NHID, NCLASS), minval=-stdv2, maxval=stdv2, dtype=jnp.float32)
    b2 = jax.random.uniform(k_b2, (NCLASS,), minval=-stdv2, maxval=stdv2, dtype=jnp.float32)
    return {"x": x, "adj": adj, "W1": W1, "b1": b1, "W2": W2, "b2": b2}


def _gcn_layer(h, edge_index, W, b):
    # support = input @ weight  (torch.mm)
    support = h @ W
    # output = spmm(adj_normalized_with_self_loops, support)
    # adj_hat = D^{-1} (A + I); implemented as gather(src) -> scatter-add(dst) + self-loop,
    # then row-normalize by (deg + 1).
    src = edge_index[0]
    dst = edge_index[1]
    n = support.shape[0]
    msgs = jnp.take(support, src, axis=0)
    agg = jax.ops.segment_sum(msgs, dst, num_segments=n)
    agg = agg + support  # self-loop contribution
    deg = jax.ops.segment_sum(jnp.ones(src.shape[0], dtype=support.dtype), dst, num_segments=n)
    inv_deg = 1.0 / (deg + 1.0)
    out = agg * inv_deg[:, None]
    return out + b


def reference(x, adj, W1, b1, W2, b2):
    h = _gcn_layer(x, adj, W1, b1)
    h = jax.nn.relu(h)
    # F.dropout(..., training=self.training): eval mode -> identity
    h = _gcn_layer(h, adj, W2, b2)
    return jax.nn.log_softmax(h, axis=1)

if __name__ == "__main__":
    import jax
    _d = setup_inputs()
    print(jax.jit(kernel)(*tuple(_d.values())))

</pallas_src>

<mosaic_0001>
#map = affine_map<(d0, d1) -> (0, 0)>
#map1 = affine_map<(d0, d1) -> (0, 0, 0, 0)>
#map2 = affine_map<(d0, d1) -> (0)>
#map3 = affine_map<(d0, d1) -> (0, 0, 0)>
module attributes {stable_mosaic.version = 14 : i64} {
  func.func @_sc1_body(%arg0: i32, %arg1: i32, %arg2: memref<40000x128xf32, #tpu.memory_space<hbm>>, %arg3: memref<32x80x2x128xi32, #tpu.memory_space<hbm>>, %arg4: memref<128x128xf32, #tpu.memory_space<hbm>>, %arg5: memref<632xf32, #tpu.memory_space<hbm>>, %arg6: memref<128xf32, #tpu.memory_space<hbm>>, %arg7: memref<2x10112x128xf32, #tpu.memory_space<hbm>>, %arg8: memref<10112xf32, #tpu.memory_space<hbm>>, %arg9: memref<4x2x128xi32, #tpu.memory_space<vmem>>, %arg10: memref<128x128xf32, #tpu.memory_space<vmem>>, %arg11: memref<128x128xf32, #tpu.memory_space<vmem>>, %arg12: memref<128xf32, #tpu.memory_space<vmem>>, %arg13: memref<632xf32, #tpu.memory_space<vmem>>, %arg14: memref<10112x128xf32, #tpu.memory_space<vmem_shared>>, %arg15: memref<10112xf32, #tpu.memory_space<vmem_shared>>, %arg16: memref<!tpu.dma_semaphore, #tpu.memory_space<semaphore_mem>>, %arg17: memref<!tpu.dma_semaphore, #tpu.memory_space<semaphore_mem>>, %arg18: memref<!tpu.dma_semaphore, #tpu.memory_space<semaphore_mem>>, %arg19: memref<!tpu.dma_semaphore, #tpu.memory_space<semaphore_mem>>, %arg20: memref<!tpu.dma_semaphore, #tpu.memory_space<semaphore_mem>>, %arg21: memref<!tpu.dma_semaphore, #tpu.memory_space<semaphore_mem>>, %arg22: memref<!tpu.dma_semaphore, #tpu.memory_space<semaphore_mem>>, %arg23: memref<!tpu.dma_semaphore, #tpu.memory_space<semaphore_mem>>, %arg24: memref<!tpu.dma_semaphore, #tpu.memory_space<semaphore_mem>>, %arg25: memref<!tpu.dma_semaphore, #tpu.memory_space<semaphore_mem>>) attributes {dimension_semantics = [#tpu.dimension_semantics<core_parallel>, #tpu.dimension_semantics<subcore_parallel>], iteration_bounds = array<i64: 2, 16>, scalar_prefetch = 0 : i64, scratch_operands = 17 : i64, tpu.core_type = #tpu.core_type<sc_vector_subcore>, window_params = [{transform_indices = #map}, {transform_indices = #map1}, {transform_indices = #map}, {transform_indices = #map2}, {transform_indices = #map2}, {transform_indices = #map3}, {transform_indices = #map2}]} {
    %mul3A = arith.constant 632 : i32
    %mul3A_0 = arith.muli %arg1, %mul3A : i32
    %multiple_of3A = tpu.assume_multiple %mul3A_0, 8 : i32
    %mul3A_1 = arith.constant 16 : i32
    %mul3A_2 = arith.muli %arg0, %mul3A_1 : i32
    %add3A = arith.addi %mul3A_2, %arg1 : i32
    "tpu.region"() ({
      %run_scoped3A_497 = tpu.sem_alloc : memref<!tpu.dma_semaphore, #tpu.memory_space<semaphore_mem>>
      tpu.enqueue_dma source(%arg4 : memref<128x128xf32, #tpu.memory_space<hbm>>) target(%arg11 : memref<128x128xf32, #tpu.memory_space<vmem>>) target_semaphore(%run_scoped3A_497 : memref<!tpu.dma_semaphore, #tpu.memory_space<semaphore_mem>>)
      tpu.wait_dma2 semaphore(%run_scoped3A_497 : memref<!tpu.dma_semaphore, #tpu.memory_space<semaphore_mem>>) src(%arg4 : memref<128x128xf32, #tpu.memory_space<hbm>>) dst(%arg11 : memref<128x128xf32, #tpu.memory_space<vmem>>)
      tpu.yield
    }) : () -> ()
    %add3A_3 = arith.constant 0 : i32
    %add3A_4 = arith.addi %multiple_of3A, %add3A_3 : i32
    %dma_start3A = arith.constant 0 : i32
    %dma_start3A_5 = arith.constant 0 : i32
    %dma_start3A_6 = tpu.memref_slice %arg11[%dma_start3A, %dma_start3A_5] : memref<128x128xf32, #tpu.memory_space<vmem>> -> memref<128x128xf32, #tpu.memory_space<vmem>>
    %dma_start3A_7 = arith.constant 0 : i32
    %dma_start3A_8 = tpu.memref_slice %arg14[%add3A_4, %dma_start3A_7] : memref<10112x128xf32, #tpu.memory_space<vmem_shared>> -> memref<128x128xf32, #tpu.memory_space<vmem_shared>>
    %dma_start3A_9 = arith.constant 0 : i32
    %dma_start3A_10 = tpu.memref_slice %arg14[%add3A_4, %dma_start3A_9] : memref<10112x128xf32, #tpu.memory_space<vmem_shared>> -> memref<128x128xf32, #tpu.memory_space<vmem_shared>>
    %dma_start3A_11 = arith.constant 0 : i32
    %dma_start3A_12 = arith.constant 0 : i32
    %dma_start3A_13 = tpu.memref_slice %arg11[%dma_start3A_11, %dma_start3A_12] : memref<128x128xf32, #tpu.memory_space<vmem>> -> memref<128x128xf32, #tpu.memory_space<vmem>>
    tpu.enqueue_dma source(%dma_start3A_13 : memref<128x128xf32, #tpu.memory_space<vmem>>) target(%dma_start3A_10 : memref<128x128xf32, #tpu.memory_space<vmem_shared>>) target_semaphore(%arg17 : memref<!tpu.dma_semaphore, #tpu.memory_space<semaphore_mem>>)
    %add3A_14 = arith.constant 128 : i32
    %add3A_15 = arith.addi %multiple_of3A, %add3A_14 : i32
    %dma_start3A_16 = arith.constant 0 : i32
    %dma_start3A_17 = arith.constant 0 : i32
    %dma_start3A_18 = tpu.memref_slice %arg11[%dma_start3A_16, %dma_start3A_17] : memref<128x128xf32, #tpu.memory_space<vmem>> -> memref<128x128xf32, #tpu.memory_space<vmem>>
    %dma_start3A_19 = arith.constant 0 : i32
    %dma_start3A_20 = tpu.memref_slice %arg14[%add3A_15, %dma_start3A_19] : memref<10112x128xf32, #tpu.memory_space<vmem_shared>> -> memref<128x128xf32, #tpu.memory_space<vmem_shared>>
    %dma_start3A_21 = arith.constant 0 : i32
    %dma_start3A_22 = tpu.memref_slice %arg14[%add3A_15, %dma_start3A_21] : memref<10112x128xf32, #tpu.memory_space<vmem_shared>> -> memref<128x128xf32, #tpu.memory_space<vmem_shared>>
    %dma_start3A_23 = arith.constant 0 : i32
    %dma_start3A_24 = arith.constant 0 : i32
    %dma_start3A_25 = tpu.memref_slice %arg11[%dma_start3A_23, %dma_start3A_24] : memref<128x128xf32, #tpu.memory_space<vmem>> -> memref<128x128xf32, #tpu.memory_space<vmem>>
    tpu.enqueue_dma source(%dma_start3A_25 : memref<128x128xf32, #tpu.memory_space<vmem>>) target(%dma_start3A_22 : memref<128x128xf32, #tpu.memory_space<vmem_shared>>) target_semaphore(%arg17 : memref<!tpu.dma_semaphore, #tpu.memory_space<semaphore_mem>>)
    %add3A_26 = arith.constant 256 : i32
    %add3A_27 = arith.addi %multiple_of3A, %add3A_26 : i32
    %dma_start3A_28 = arith.constant 0 : i32
    %dma_start3A_29 = arith.constant 0 : i32
    %dma_start3A_30 = tpu.memref_slice %arg11[%dma_start3A_28, %dma_start3A_29] : memref<128x128xf32, #tpu.memory_space<vmem>> -> memref<128x128xf32, #tpu.memory_space<vmem>>
    %dma_start3A_31 = arith.constant 0 : i32
    %dma_start3A_32 = tpu.memref_slice %arg14[%add3A_27, %dma_start3A_31] : memref<10112x128xf32, #tpu.memory_space<vmem_shared>> -> memref<128x128xf32, #tpu.memory_space<vmem_shared>>
    %dma_start3A_33 = arith.constant 0 : i32
    %dma_start3A_34 = tpu.memref_slice %arg14[%add3A_27, %dma_start3A_33] : memref<10112x128xf32, #tpu.memory_space<vmem_shared>> -> memref<128x128xf32, #tpu.memory_space<vmem_shared>>
    %dma_start3A_35 = arith.constant 0 : i32
    %dma_start3A_36 = arith.constant 0 : i32
    %dma_start3A_37 = tpu.memref_slice %arg11[%dma_start3A_35, %dma_start3A_36] : memref<128x128xf32, #tpu.memory_space<vmem>> -> memref<128x128xf32, #tpu.memory_space<vmem>>
    tpu.enqueue_dma source(%dma_start3A_37 : memref<128x128xf32, #tpu.memory_space<vmem>>) target(%dma_start3A_34 : memref<128x128xf32, #tpu.memory_space<vmem_shared>>) target_semaphore(%arg17 : memref<!tpu.dma_semaphore, #tpu.memory_space<semaphore_mem>>)
    %add3A_38 = arith.constant 384 : i32
    %add3A_39 = arith.addi %multiple_of3A, %add3A_38 : i32
    %dma_start3A_40 = arith.constant 0 : i32
    %dma_start3A_41 = arith.constant 0 : i32
    %dma_start3A_42 = tpu.memref_slice %arg11[%dma_start3A_40, %dma_start3A_41] : memref<128x128xf32, #tpu.memory_space<vmem>> -> memref<128x128xf32, #tpu.memory_space<vmem>>
    %dma_start3A_43 = arith.constant 0 : i32
    %dma_start3A_44 = tpu.memref_slice %arg14[%add3A_39, %dma_start3A_43] : memref<10112x128xf32, #tpu.memory_space<vmem_shared>> -> memref<128x128xf32, #tpu.memory_space<vmem_shared>>
    %dma_start3A_45 = arith.constant 0 : i32
    %dma_start3A_46 = tpu.memref_slice %arg14[%add3A_39, %dma_start3A_45] : memref<10112x128xf32, #tpu.memory_space<vmem_shared>> -> memref<128x128xf32, #tpu.memory_space<vmem_shared>>
    %dma_start3A_47 = arith.constant 0 : i32
    %dma_start3A_48 = arith.constant 0 : i32
    %dma_start3A_49 = tpu.memref_slice %arg11[%dma_start3A_47, %dma_start3A_48] : memref<128x128xf32, #tpu.memory_space<vmem>> -> memref<128x128xf32, #tpu.memory_space<vmem>>
    tpu.enqueue_dma source(%dma_start3A_49 : memref<128x128xf32, #tpu.memory_space<vmem>>) target(%dma_start3A_46 : memref<128x128xf32, #tpu.memory_space<vmem_shared>>) target_semaphore(%arg17 : memref<!tpu.dma_semaphore, #tpu.memory_space<semaphore_mem>>)
    %add3A_50 = arith.constant 512 : i32
    %add3A_51 = arith.addi %multiple_of3A, %add3A_50 : i32
    %dma_start3A_52 = arith.constant 0 : i32
    %dma_start3A_53 = arith.constant 0 : i32
    %dma_start3A_54 = tpu.memref_slice %arg11[%dma_start3A_52, %dma_start3A_53] : memref<128x128xf32, #tpu.memory_space<vmem>> -> memref<120x128xf32, #tpu.memory_space<vmem>>
    %dma_start3A_55 = arith.constant 0 : i32
    %dma_start3A_56 = tpu.memref_slice %arg14[%add3A_51, %dma_start3A_55] : memref<10112x128xf32, #tpu.memory_space<vmem_shared>> -> memref<120x128xf32, #tpu.memory_space<vmem_shared>>
    %dma_start3A_57 = arith.constant 0 : i32
    %dma_start3A_58 = tpu.memref_slice %arg14[%add3A_51, %dma_start3A_57] : memref<10112x128xf32, #tpu.memory_space<vmem_shared>> -> memref<120x128xf32, #tpu.memory_space<vmem_shared>>
    %dma_start3A_59 = arith.constant 0 : i32
    %dma_start3A_60 = arith.constant 0 : i32
    %dma_start3A_61 = tpu.memref_slice %arg11[%dma_start3A_59, %dma_start3A_60] : memref<128x128xf32, #tpu.memory_space<vmem>> -> memref<120x128xf32, #tpu.memory_space<vmem>>
    tpu.enqueue_dma source(%dma_start3A_61 : memref<120x128xf32, #tpu.memory_space<vmem>>) target(%dma_start3A_58 : memref<120x128xf32, #tpu.memory_space<vmem_shared>>) target_semaphore(%arg17 : memref<!tpu.dma_semaphore, #tpu.memory_space<semaphore_mem>>)
    %add3A_62 = arith.constant 0 : i32
    %add3A_63 = arith.addi %multiple_of3A, %add3A_62 : i32
    %dma_wait3A = arith.constant 0 : i32
    %dma_wait3A_64 = arith.constant 0 : i32
    %dma_wait3A_65 = tpu.memref_slice %arg11[%dma_wait3A, %dma_wait3A_64] : memref<128x128xf32, #tpu.memory_space<vmem>> -> memref<128x128xf32, #tpu.memory_space<vmem>>
    %dma_wait3A_66 = arith.constant 0 : i32
    %dma_wait3A_67 = tpu.memref_slice %arg14[%add3A_63, %dma_wait3A_66] : memref<10112x128xf32, #tpu.memory_space<vmem_shared>> -> memref<128x128xf32, #tpu.memory_space<vmem_shared>>
    %dma_wait3A_68 = arith.constant 0 : i32
    %dma_wait3A_69 = tpu.memref_slice %arg14[%add3A_63, %dma_wait3A_68] : memref<10112x128xf32, #tpu.memory_space<vmem_shared>> -> memref<128x128xf32, #tpu.memory_space<vmem_shared>>
    %dma_wait3A_70 = arith.constant 0 : i32
    %dma_wait3A_71 = arith.constant 0 : i32
    %dma_wait3A_72 = tpu.memref_slice %arg11[%dma_wait3A_70, %dma_wait3A_71] : memref<128x128xf32, #tpu.memory_space<vmem>> -> memref<128x128xf32, #tpu.memory_space<vmem>>
    tpu.wait_dma2 semaphore(%arg17 : memref<!tpu.dma_semaphore, #tpu.memory_space<semaphore_mem>>) src(%dma_wait3A_72 : memref<128x128xf32, #tpu.memory_space<vmem>>) dst(%dma_wait3A_69 : memref<128x128xf32, #tpu.memory_space<vmem_shared>>)
    %add3A_73 = arith.constant 128 : i32
    %add3A_74 = arith.addi %multiple_of3A, %add3A_73 : i32
    %dma_wait3A_75 = arith.constant 0 : i32
    %dma_wait3A_76 = arith.constant 0 : i32
    %dma_wait3A_77 = tpu.memref_slice %arg11[%dma_wait3A_75, %dma_wait3A_76] : memref<128x128xf32, #tpu.memory_space<vmem>> -> memref<128x128xf32, #tpu.memory_space<vmem>>
    %dma_wait3A_78 = arith.constant 0 : i32
    %dma_wait3A_79 = tpu.memref_slice %arg14[%add3A_74, %dma_wait3A_78] : memref<10112x128xf32, #tpu.memory_space<vmem_shared>> -> memref<128x128xf32, #tpu.memory_space<vmem_shared>>
    %dma_wait3A_80 = arith.constant 0 : i32
    %dma_wait3A_81 = tpu.memref_slice %arg14[%add3A_74, %dma_wait3A_80] : memref<10112x128xf32, #tpu.memory_space<vmem_shared>> -> memref<128x128xf32, #tpu.memory_space<vmem_shared>>
    %dma_wait3A_82 = arith.constant 0 : i32
    %dma_wait3A_83 = arith.constant 0 : i32
    %dma_wait3A_84 = tpu.memref_slice %arg11[%dma_wait3A_82, %dma_wait3A_83] : memref<128x128xf32, #tpu.memory_space<vmem>> -> memref<128x128xf32, #tpu.memory_space<vmem>>
    tpu.wait_dma2 semaphore(%arg17 : memref<!tpu.dma_semaphore, #tpu.memory_space<semaphore_mem>>) src(%dma_wait3A_84 : memref<128x128xf32, #tpu.memory_space<vmem>>) dst(%dma_wait3A_81 : memref<128x128xf32, #tpu.memory_space<vmem_shared>>)
    %add3A_85 = arith.constant 256 : i32
    %add3A_86 = arith.addi %multiple_of3A, %add3A_85 : i32
    %dma_wait3A_87 = arith.constant 0 : i32
    %dma_wait3A_88 = arith.constant 0 : i32
    %dma_wait3A_89 = tpu.memref_slice %arg11[%dma_wait3A_87, %dma_wait3A_88] : memref<128x128xf32, #tpu.memory_space<vmem>> -> memref<128x128xf32, #tpu.memory_space<vmem>>
    %dma_wait3A_90 = arith.constant 0 : i32
    %dma_wait3A_91 = tpu.memref_slice %arg14[%add3A_86, %dma_wait3A_90] : memref<10112x128xf32, #tpu.memory_space<vmem_shared>> -> memref<128x128xf32, #tpu.memory_space<vmem_shared>>
    %dma_wait3A_92 = arith.constant 0 : i32
    %dma_wait3A_93 = tpu.memref_slice %arg14[%add3A_86, %dma_wait3A_92] : memref<10112x128xf32, #tpu.memory_space<vmem_shared>> -> memref<128x128xf32, #tpu.memory_space<vmem_shared>>
    %dma_wait3A_94 = arith.constant 0 : i32
    %dma_wait3A_95 = arith.constant 0 : i32
    %dma_wait3A_96 = tpu.memref_slice %arg11[%dma_wait3A_94, %dma_wait3A_95] : memref<128x128xf32, #tpu.memory_space<vmem>> -> memref<128x128xf32, #tpu.memory_space<vmem>>
    tpu.wait_dma2 semaphore(%arg17 : memref<!tpu.dma_semaphore, #tpu.memory_space<semaphore_mem>>) src(%dma_wait3A_96 : memref<128x128xf32, #tpu.memory_space<vmem>>) dst(%dma_wait3A_93 : memref<128x128xf32, #tpu.memory_space<vmem_shared>>)
    %add3A_97 = arith.constant 384 : i32
    %add3A_98 = arith.addi %multiple_of3A, %add3A_97 : i32
    %dma_wait3A_99 = arith.constant 0 : i32
    %dma_wait3A_100 = arith.constant 0 : i32
    %dma_wait3A_101 = tpu.memref_slice %arg11[%dma_wait3A_99, %dma_wait3A_100] : memref<128x128xf32, #tpu.memory_space<vmem>> -> memref<128x128xf32, #tpu.memory_space<vmem>>
    %dma_wait3A_102 = arith.constant 0 : i32
    %dma_wait3A_103 = tpu.memref_slice %arg14[%add3A_98, %dma_wait3A_102] : memref<10112x128xf32, #tpu.memory_space<vmem_shared>> -> memref<128x128xf32, #tpu.memory_space<vmem_shared>>
    %dma_wait3A_104 = arith.constant 0 : i32
    %dma_wait3A_105 = tpu.memref_slice %arg14[%add3A_98, %dma_wait3A_104] : memref<10112x128xf32, #tpu.memory_space<vmem_shared>> -> memref<128x128xf32, #tpu.memory_space<vmem_shared>>
    %dma_wait3A_106 = arith.constant 0 : i32
    %dma_wait3A_107 = arith.constant 0 : i32
    %dma_wait3A_108 = tpu.memref_slice %arg11[%dma_wait3A_106, %dma_wait3A_107] : memref<128x128xf32, #tpu.memory_space<vmem>> -> memref<128x128xf32, #tpu.memory_space<vmem>>
    tpu.wait_dma2 semaphore(%arg17 : memref<!tpu.dma_semaphore, #tpu.memory_space<semaphore_mem>>) src(%dma_wait3A_108 : memref<128x128xf32, #tpu.memory_space<vmem>>) dst(%dma_wait3A_105 : memref<128x128xf32, #tpu.memory_space<vmem_shared>>)
    %add3A_109 = arith.constant 512 : i32
    %add3A_110 = arith.addi %multiple_of3A, %add3A_109 : i32
    %dma_wait3A_111 = arith.constant 0 : i32
    %dma_wait3A_112 = arith.constant 0 : i32
    %dma_wait3A_113 = tpu.memref_slice %arg11[%dma_wait3A_111, %dma_wait3A_112] : memref<128x128xf32, #tpu.memory_space<vmem>> -> memref<120x128xf32, #tpu.memory_space<vmem>>
    %dma_wait3A_114 = arith.constant 0 : i32
    %dma_wait3A_115 = tpu.memref_slice %arg14[%add3A_110, %dma_wait3A_114] : memref<10112x128xf32, #tpu.memory_space<vmem_shared>> -> memref<120x128xf32, #tpu.memory_space<vmem_shared>>
    %dma_wait3A_116 = arith.constant 0 : i32
    %dma_wait3A_117 = tpu.memref_slice %arg14[%add3A_110, %dma_wait3A_116] : memref<10112x128xf32, #tpu.memory_space<vmem_shared>> -> memref<120x128xf32, #tpu.memory_space<vmem_shared>>
    %dma_wait3A_118 = arith.constant 0 : i32
    %dma_wait3A_119 = arith.constant 0 : i32
    %dma_wait3A_120 = tpu.memref_slice %arg11[%dma_wait3A_118, %dma_wait3A_119] : memref<128x128xf32, #tpu.memory_space<vmem>> -> memref<120x128xf32, #tpu.memory_space<vmem>>
    tpu.wait_dma2 semaphore(%arg17 : memref<!tpu.dma_semaphore, #tpu.memory_space<semaphore_mem>>) src(%dma_wait3A_120 : memref<120x128xf32, #tpu.memory_space<vmem>>) dst(%dma_wait3A_117 : memref<120x128xf32, #tpu.memory_space<vmem_shared>>)
    "tpu.region"() ({
      %run_scoped3A_497 = tpu.sem_alloc : memref<!tpu.dma_semaphore, #tpu.memory_space<semaphore_mem>>
      tpu.enqueue_dma source(%arg5 : memref<632xf32, #tpu.memory_space<hbm>>) target(%arg13 : memref<632xf32, #tpu.memory_space<vmem>>) target_semaphore(%run_scoped3A_497 : memref<!tpu.dma_semaphore, #tpu.memory_space<semaphore_mem>>)
      tpu.wait_dma2 semaphore(%run_scoped3A_497 : memref<!tpu.dma_semaphore, #tpu.memory_space<semaphore_mem>>) src(%arg5 : memref<632xf32, #tpu.memory_space<hbm>>) dst(%arg13 : memref<632xf32, #tpu.memory_space<vmem>>)
      tpu.yield
    }) : () -> ()
    "tpu.region"() ({
      %run_scoped3A_497 = tpu.sem_alloc : memref<!tpu.dma_semaphore, #tpu.memory_space<semaphore_mem>>
      %dma_start3A_498 = tpu.memref_slice %arg15[%multiple_of3A] : memref<10112xf32, #tpu.memory_space<vmem_shared>> -> memref<632xf32, #tpu.memory_space<vmem_shared>>
      %dma_start3A_499 = tpu.memref_slice %arg15[%multiple_of3A] : memref<10112xf32, #tpu.memory_space<vmem_shared>> -> memref<632xf32, #tpu.memory_space<vmem_shared>>
      tpu.enqueue_dma source(%arg13 : memref<632xf32, #tpu.memory_space<vmem>>) target(%dma_start3A_499 : memref<632xf32, #tpu.memory_space<vmem_shared>>) target_semaphore(%run_scoped3A_497 : memref<!tpu.dma_semaphore, #tpu.memory_space<semaphore_mem>>)
      %dma_wait3A_500 = tpu.memref_slice %arg15[%multiple_of3A] : memref<10112xf32, #tpu.memory_space<vmem_shared>> -> memref<632xf32, #tpu.memory_space<vmem_shared>>
      %dma_wait3A_501 = tpu.memref_slice %arg15[%multiple_of3A] : memref<10112xf32, #tpu.memory_space<vmem_shared>> -> memref<632xf32, #tpu.memory_space<vmem_shared>>
      tpu.wait_dma2 semaphore(%run_scoped3A_497 : memref<!tpu.dma_semaphore, #tpu.memory_space<semaphore_mem>>) src(%arg13 : memref<632xf32, #tpu.memory_space<vmem>>) dst(%dma_wait3A_501 : memref<632xf32, #tpu.memory_space<vmem_shared>>)
      tpu.yield
    }) : () -> ()
    "tpu.region"() ({
      %run_scoped3A_497 = tpu.sem_alloc : memref<!tpu.dma_semaphore, #tpu.memory_space<semaphore_mem>>
      tpu.enqueue_dma source(%arg6 : memref<128xf32, #tpu.memory_space<hbm>>) target(%arg12 : memref<128xf32, #tpu.memory_space<vmem>>) target_semaphore(%run_scoped3A_497 : memref<!tpu.dma_semaphore, #tpu.memory_space<semaphore_mem>>)
      tpu.wait_dma2 semaphore(%run_scoped3A_497 : memref<!tpu.dma_semaphore, #tpu.memory_space<semaphore_mem>>) src(%arg6 : memref<128xf32, #tpu.memory_space<hbm>>) dst(%arg12 : memref<128xf32, #tpu.memory_space<vmem>>)
      tpu.yield
    }) : () -> ()
    %barrier3A = arith.constant 0 : index
    tpu.barrier barrier_id(%barrier3A)
    %run_scoped3A = arith.constant 0 : i32
    %run_scoped3A_121 = arith.constant 0 : i32
    "tpu.region"() ({
      %run_scoped3A_497 = tpu.sem_alloc : memref<!tpu.dma_semaphore, #tpu.memory_space<semaphore_mem>>
      %dma_start3A_498 = arith.constant 0 : i32
      %dma_start3A_499 = arith.constant 0 : i32
      %dma_start3A_500 = tpu.memref_slice %arg9[%run_scoped3A_121, %dma_start3A_498, %dma_start3A_499] : memref<4x2x128xi32, #tpu.memory_space<vmem>> -> memref<1x2x128xi32, #tpu.memory_space<vmem>>
      %dma_start3A_501 = tpu.memref_squeeze %dma_start3A_500 : memref<1x2x128xi32, #tpu.memory_space<vmem>> -> memref<2x128xi32, #tpu.memory_space<vmem>>
      %dma_start3A_502 = arith.constant 0 : i32
      %dma_start3A_503 = arith.constant 0 : i32
      %dma_start3A_504 = tpu.memref_slice %arg3[%add3A, %run_scoped3A, %dma_start3A_502, %dma_start3A_503] : memref<32x80x2x128xi32, #tpu.memory_space<hbm>> -> memref<1x1x2x128xi32, #tpu.memory_space<hbm>>
      %dma_start3A_505 = tpu.memref_squeeze %dma_start3A_504 : memref<1x1x2x128xi32, #tpu.memory_space<hbm>> -> memref<2x128xi32, #tpu.memory_space<hbm>>
      %dma_start3A_506 = arith.constant 0 : i32
      %dma_start3A_507 = arith.constant 0 : i32
      %dma_start3A_508 = tpu.memref_slice %arg9[%run_scoped3A_121, %dma_start3A_506, %dma_start3A_507] : memref<4x2x128xi32, #tpu.memory_space<vmem>> -> memref<1x2x128xi32, #tpu.memory_space<vmem>>
      %dma_start3A_509 = tpu.memref_squeeze %dma_start3A_508 : memref<1x2x128xi32, #tpu.memory_space<vmem>> -> memref<2x128xi32, #tpu.memory_space<vmem>>
      %dma_start3A_510 = arith.constant 0 : i32
      %dma_start3A_511 = arith.constant 0 : i32
      %dma_start3A_512 = tpu.memref_slice %arg3[%add3A, %run_scoped3A, %dma_start3A_510, %dma_start3A_511] : memref<32x80x2x128xi32, #tpu.memory_space<hbm>> -> memref<1x1x2x128xi32, #tpu.memory_space<hbm>>
      %dma_start3A_513 = tpu.memref_squeeze %dma_start3A_512 : memref<1x1x2x128xi32, #tpu.memory_space<hbm>> -> memref<2x128xi32, #tpu.memory_space<hbm>>
      tpu.enqueue_dma source(%dma_start3A_513 : memref<2x128xi32, #tpu.memory_space<hbm>>) target(%dma_start3A_509 : memref<2x128xi32, #tpu.memory_space<vmem>>) target_semaphore(%run_scoped3A_497 : memref<!tpu.dma_semaphore, #tpu.memory_space<semaphore_mem>>)
      %dma_wait3A_514 = arith.constant 0 : i32
      %dma_wait3A_515 = arith.constant 0 : i32
      %dma_wait3A_516 = tpu.memref_slice %arg9[%run_scoped3A_121, %dma_wait3A_514, %dma_wait3A_515] : memref<4x2x128xi32, #tpu.memory_space<vmem>> -> memref<1x2x128xi32, #tpu.memory_space<vmem>>
      %dma_wait3A_517 = tpu.memref_squeeze %dma_wait3A_516 : memref<1x2x128xi32, #tpu.memory_space<vmem>> -> memref<2x128xi32, #tpu.memory_space<vmem>>
      %dma_wait3A_518 = arith.constant 0 : i32
      %dma_wait3A_519 = arith.constant 0 : i32
      %dma_wait3A_520 = tpu.memref_slice %arg3[%add3A, %run_scoped3A, %dma_wait3A_518, %dma_wait3A_519] : memref<32x80x2x128xi32, #tpu.memory_space<hbm>> -> memref<1x1x2x128xi32, #tpu.memory_space<hbm>>
      %dma_wait3A_521 = tpu.memref_squeeze %dma_wait3A_520 : memref<1x1x2x128xi32, #tpu.memory_space<hbm>> -> memref<2x128xi32, #tpu.memory_space<hbm>>
      %dma_wait3A_522 = arith.constant 0 : i32
      %dma_wait3A_523 = arith.constant 0 : i32
      %dma_wait3A_524 = tpu.memref_slice %arg9[%run_scoped3A_121, %dma_wait3A_522, %dma_wait3A_523] : memref<4x2x128xi32, #tpu.memory_space<vmem>> -> memref<1x2x128xi32, #tpu.memory_space<vmem>>
      %dma_wait3A_525 = tpu.memref_squeeze %dma_wait3A_524 : memref<1x2x128xi32, #tpu.memory_space<vmem>> -> memref<2x128xi32, #tpu.memory_space<vmem>>
      %dma_wait3A_526 = arith.constant 0 : i32
      %dma_wait3A_527 = arith.constant 0 : i32
      %dma_wait3A_528 = tpu.memref_slice %arg3[%add3A, %run_scoped3A, %dma_wait3A_526, %dma_wait3A_527] : memref<32x80x2x128xi32, #tpu.memory_space<hbm>> -> memref<1x1x2x128xi32, #tpu.memory_space<hbm>>
      %dma_wait3A_529 = tpu.memref_squeeze %dma_wait3A_528 : memref<1x1x2x128xi32, #tpu.memory_space<hbm>> -> memref<2x128xi32, #tpu.memory_space<hbm>>
      tpu.wait_dma2 semaphore(%run_scoped3A_497 : memref<!tpu.dma_semaphore, #tpu.memory_space<semaphore_mem>>) src(%dma_wait3A_529 : memref<2x128xi32, #tpu.memory_space<hbm>>) dst(%dma_wait3A_525 : memref<2x128xi32, #tpu.memory_space<vmem>>)
      tpu.yield
    }) : () -> ()
    %dma_start3A_122 = arith.constant 0 : i32
    %dma_start3A_123 = arith.constant 0 : i32
    %dma_start3A_124 = arith.constant 0 : i32
    %dma_start3A_125 = tpu.memref_slice %arg9[%dma_start3A_122, %dma_start3A_123, %dma_start3A_124] : memref<4x2x128xi32, #tpu.memory_space<vmem>> -> memref<1x1x128xi32, #tpu.memory_space<vmem>>
    %dma_start3A_126 = tpu.memref_squeeze %dma_start3A_125 : memref<1x1x128xi32, #tpu.memory_space<vmem>> -> memref<128xi32, #tpu.memory_space<vmem>>
    %dma_start3A_127 = arith.constant 0 : i32
    %dma_start3A_128 = arith.constant 0 : i32
    %dma_start3A_129 = tpu.memref_slice %arg2[%dma_start3A_127, %dma_start3A_128] : memref<40000x128xf32, #tpu.memory_space<hbm>> -> memref<40000x128xf32, #tpu.memory_space<hbm>>
    tpu.enqueue_indirect_dma source(%dma_start3A_129 : memref<40000x128xf32, #tpu.memory_space<hbm>>) target(%arg10 : memref<128x128xf32, #tpu.memory_space<vmem>>) offsets(%dma_start3A_126 : memref<128xi32, #tpu.memory_space<vmem>>) semaphore(%arg16 : memref<!tpu.dma_semaphore, #tpu.memory_space<semaphore_mem>>)
    %jit3A = arith.constant true
    %jit3A_130 = arith.constant 1 : i32
    %jit3A_131 = arith.constant 0 : i32
    %select_n3A = arith.select %jit3A, %jit3A_130, %jit3A_131 : i32
    %dma_start3A_132 = arith.constant 1 : i32
    %dma_start3A_133 = arith.constant 0 : i32
    %dma_start3A_134 = arith.constant 0 : i32
    %dma_start3A_135 = tpu.memref_slice %arg9[%dma_start3A_132, %dma_start3A_133, %dma_start3A_134] : memref<4x2x128xi32, #tpu.memory_space<vmem>> -> memref<1x2x128xi32, #tpu.memory_space<vmem>>
    %dma_start3A_136 = tpu.memref_squeeze %dma_start3A_135 : memref<1x2x128xi32, #tpu.memory_space<vmem>> -> memref<2x128xi32, #tpu.memory_space<vmem>>
    %dma_start3A_137 = arith.constant 0 : i32
    %dma_start3A_138 = arith.constant 0 : i32
    %dma_start3A_139 = tpu.memref_slice %arg3[%add3A, %select_n3A, %dma_start3A_137, %dma_start3A_138] : memref<32x80x2x128xi32, #tpu.memory_space<hbm>> -> memref<1x1x2x128xi32, #tpu.memory_space<hbm>>
    %dma_start3A_140 = tpu.memref_squeeze %dma_start3A_139 : memref<1x1x2x128xi32, #tpu.memory_space<hbm>> -> memref<2x128xi32, #tpu.memory_space<hbm>>
    %dma_start3A_141 = arith.constant 0 : i32
    %dma_start3A_142 = arith.constant 0 : i32
    %dma_start3A_143 = tpu.memref_slice %arg9[%dma_start3A_132, %dma_start3A_141, %dma_start3A_142] : memref<4x2x128xi32, #tpu.memory_space<vmem>> -> memref<1x2x128xi32, #tpu.memory_space<vmem>>
    %dma_start3A_144 = tpu.memref_squeeze %dma_start3A_143 : memref<1x2x128xi32, #tpu.memory_space<vmem>> -> memref<2x128xi32, #tpu.memory_space<vmem>>
    %dma_start3A_145 = arith.constant 0 : i32
    %dma_start3A_146 = arith.constant 0 : i32
    %dma_start3A_147 = tpu.memref_slice %arg3[%add3A, %select_n3A, %dma_start3A_145, %dma_start3A_146] : memref<32x80x2x128xi32, #tpu.memory_space<hbm>> -> memref<1x1x2x128xi32, #tpu.memory_space<hbm>>
    %dma_start3A_148 = tpu.memref_squeeze %dma_start3A_147 : memref<1x1x2x128xi32, #tpu.memory_space<hbm>> -> memref<2x128xi32, #tpu.memory_space<hbm>>
    tpu.enqueue_dma source(%dma_start3A_148 : memref<2x128xi32, #tpu.memory_space<hbm>>) target(%dma_start3A_144 : memref<2x128xi32, #tpu.memory_space<vmem>>) target_semaphore(%arg23 : memref<!tpu.dma_semaphore, #tpu.memory_space<semaphore_mem>>)
    %jit3A_149 = arith.constant true
    %jit3A_150 = arith.constant 2 : i32
    %jit3A_151 = arith.constant 0 : i32
    %select_n3A_152 = arith.select %jit3A_149, %jit3A_150, %jit3A_151 : i32
    %dma_start3A_153 = arith.constant 2 : i32
    %dma_start3A_154 = arith.constant 0 : i32
    %dma_start3A_155 = arith.constant 0 : i32
    %dma_start3A_156 = tpu.memref_slice %arg9[%dma_start3A_153, %dma_start3A_154, %dma_start3A_155] : memref<4x2x128xi32, #tpu.memory_space<vmem>> -> memref<1x2x128xi32, #tpu.memory_space<vmem>>
    %dma_start3A_157 = tpu.memref_squeeze %dma_start3A_156 : memref<1x2x128xi32, #tpu.memory_space<vmem>> -> memref<2x128xi32, #tpu.memory_space<vmem>>
    %dma_start3A_158 = arith.constant 0 : i32
    %dma_start3A_159 = arith.constant 0 : i32
    %dma_start3A_160 = tpu.memref_slice %arg3[%add3A, %select_n3A_152, %dma_start3A_158, %dma_start3A_159] : memref<32x80x2x128xi32, #tpu.memory_space<hbm>> -> memref<1x1x2x128xi32, #tpu.memory_space<hbm>>
    %dma_start3A_161 = tpu.memref_squeeze %dma_start3A_160 : memref<1x1x2x128xi32, #tpu.memory_space<hbm>> -> memref<2x128xi32, #tpu.memory_space<hbm>>
    %dma_start3A_162 = arith.constant 0 : i32
    %dma_start3A_163 = arith.constant 0 : i32
    %dma_start3A_164 = tpu.memref_slice %arg9[%dma_start3A_153, %dma_start3A_162, %dma_start3A_163] : memref<4x2x128xi32, #tpu.memory_space<vmem>> -> memref<1x2x128xi32, #tpu.memory_space<vmem>>
    %dma_start3A_165 = tpu.memref_squeeze %dma_start3A_164 : memref<1x2x128xi32, #tpu.memory_space<vmem>> -> memref<2x128xi32, #tpu.memory_space<vmem>>
    %dma_start3A_166 = arith.constant 0 : i32
    %dma_start3A_167 = arith.constant 0 : i32
    %dma_start3A_168 = tpu.memref_slice %arg3[%add3A, %select_n3A_152, %dma_start3A_166, %dma_start3A_167] : memref<32x80x2x128xi32, #tpu.memory_space<hbm>> -> memref<1x1x2x128xi32, #tpu.memory_space<hbm>>
    %dma_start3A_169 = tpu.memref_squeeze %dma_start3A_168 : memref<1x1x2x128xi32, #tpu.memory_space<hbm>> -> memref<2x128xi32, #tpu.memory_space<hbm>>
    tpu.enqueue_dma source(%dma_start3A_169 : memref<2x128xi32, #tpu.memory_space<hbm>>) target(%dma_start3A_165 : memref<2x128xi32, #tpu.memory_space<vmem>>) target_semaphore(%arg24 : memref<!tpu.dma_semaphore, #tpu.memory_space<semaphore_mem>>)
    %scan3A = arith.constant 0 : i32
    %scan3A_170 = arith.constant 0 : i32
    %scan3A_171 = arith.constant 20 : i32
    %scan3A_172 = arith.addi %scan3A_170, %scan3A_171 : i32
    %scan3A_173 = arith.constant 1 : i32
    scf.for %scan3A_497 = %scan3A_170 to %scan3A_172 step %scan3A_173  : i32 {
      %mul3A_498 = arith.constant 4 : i32
      %mul3A_499 = arith.muli %scan3A_497, %mul3A_498 : i32
      %add3A_500 = arith.constant 0 : i32
      %add3A_501 = arith.addi %mul3A_499, %add3A_500 : i32
      %dma_wait3A_502 = arith.constant 0 : i32
      %dma_wait3A_503 = arith.constant 0 : i32
      %dma_wait3A_504 = arith.constant 0 : i32
      %dma_wait3A_505 = tpu.memref_slice %arg9[%dma_wait3A_502, %dma_wait3A_503, %dma_wait3A_504] : memref<4x2x128xi32, #tpu.memory_space<vmem>> -> memref<1x1x128xi32, #tpu.memory_space<vmem>>
      %dma_wait3A_506 = tpu.memref_squeeze %dma_wait3A_505 : memref<1x1x128xi32, #tpu.memory_space<vmem>> -> memref<128xi32, #tpu.memory_space<vmem>>
      %dma_wait3A_507 = arith.constant 0 : i32
      %dma_wait3A_508 = arith.constant 0 : i32
      %dma_wait3A_509 = tpu.memref_slice %arg2[%dma_wait3A_507, %dma_wait3A_508] : memref<40000x128xf32, #tpu.memory_space<hbm>> -> memref<40000x128xf32, #tpu.memory_space<hbm>>
      tpu.wait_indirect_dma semaphore(%arg16 : memref<!tpu.dma_semaphore, #tpu.memory_space<semaphore_mem>>) src(%dma_wait3A_509 : memref<40000x128xf32, #tpu.memory_space<hbm>>) dst(%arg10 : memref<128x128xf32, #tpu.memory_space<vmem>>)
      %dma_start3A_510 = arith.constant 0 : i32
      %dma_start3A_511 = arith.constant 1 : i32
      %dma_start3A_512 = arith.constant 0 : i32
      %dma_start3A_513 = tpu.memref_slice %arg9[%dma_start3A_510, %dma_start3A_511, %dma_start3A_512] : memref<4x2x128xi32, #tpu.memory_space<vmem>> -> memref<1x1x128xi32, #tpu.memory_space<vmem>>
      %dma_start3A_514 = tpu.memref_squeeze %dma_start3A_513 : memref<1x1x128xi32, #tpu.memory_space<vmem>> -> memref<128xi32, #tpu.memory_space<vmem>>
      %dma_start3A_515 = arith.constant 0 : i32
      %dma_start3A_516 = arith.constant 0 : i32
      %dma_start3A_517 = tpu.memref_slice %arg14[%dma_start3A_515, %dma_start3A_516] : memref<10112x128xf32, #tpu.memory_space<vmem_shared>> -> memref<10112x128xf32, #tpu.memory_space<vmem_shared>>
      tpu.enqueue_indirect_dma source(%arg10 : memref<128x128xf32, #tpu.memory_space<vmem>>) target(%dma_start3A_517 : memref<10112x128xf32, #tpu.memory_space<vmem_shared>>) offsets(%dma_start3A_514 : memref<128xi32, #tpu.memory_space<vmem>>) semaphore(%arg18 : memref<!tpu.dma_semaphore, #tpu.memory_space<semaphore_mem>>) {add = true}
      %dma_start3A_518 = arith.constant 0 : i32
      %dma_start3A_519 = arith.constant 1 : i32
      %dma_start3A_520 = arith.constant 0 : i32
      %dma_start3A_521 = tpu.memref_slice %arg9[%dma_start3A_518, %dma_start3A_519, %dma_start3A_520] : memref<4x2x128xi32, #tpu.memory_space<vmem>> -> memref<1x1x128xi32, #tpu.memory_space<vmem>>
      %dma_start3A_522 = tpu.memref_squeeze %dma_start3A_521 : memref<1x1x128xi32, #tpu.memory_space<vmem>> -> memref<128xi32, #tpu.memory_space<vmem>>
      %dma_start3A_523 = arith.constant 0 : i32
      %dma_start3A_524 = tpu.memref_slice %arg15[%dma_start3A_523] : memref<10112xf32, #tpu.memory_space<vmem_shared>> -> memref<10112xf32, #tpu.memory_space<vmem_shared>>
      tpu.enqueue_indirect_dma source(%arg12 : memref<128xf32, #tpu.memory_space<vmem>>) target(%dma_start3A_524 : memref<10112xf32, #tpu.memory_space<vmem_shared>>) offsets(%dma_start3A_522 : memref<128xi32, #tpu.memory_space<vmem>>) semaphore(%arg20 : memref<!tpu.dma_semaphore, #tpu.memory_space<semaphore_mem>>) {add = true}
      %gt3A = arith.constant 0 : i32
      %gt3A_525 = arith.cmpi sgt, %scan3A_497, %gt3A : i32
      %convert_element_type3A_526 = arith.extui %gt3A_525 : i1 to i32
      %cond3A_527 = arith.constant 0 : i32
      %cond3A_528 = arith.cmpi ne, %convert_element_type3A_526, %cond3A_527 : i32
      scf.if %cond3A_528 {
        %dma_wait3A_844 = arith.constant 0 : i32
        %dma_wait3A_845 = arith.constant 1 : i32
        %dma_wait3A_846 = arith.constant 0 : i32
        %dma_wait3A_847 = tpu.memref_slice %arg9[%dma_wait3A_844, %dma_wait3A_845, %dma_wait3A_846] : memref<4x2x128xi32, #tpu.memory_space<vmem>> -> memref<1x1x128xi32, #tpu.memory_space<vmem>>
        %dma_wait3A_848 = tpu.memref_squeeze %dma_wait3A_847 : memref<1x1x128xi32, #tpu.memory_space<vmem>> -> memref<128xi32, #tpu.memory_space<vmem>>
        %dma_wait3A_849 = arith.constant 0 : i32
        %dma_wait3A_850 = arith.constant 0 : i32
        %dma_wait3A_851 = tpu.memref_slice %arg14[%dma_wait3A_849, %dma_wait3A_850] : memref<10112x128xf32, #tpu.memory_space<vmem_shared>> -> memref<10112x128xf32, #tpu.memory_space<vmem_shared>>
        tpu.wait_indirect_dma semaphore(%arg19 : memref<!tpu.dma_semaphore, #tpu.memory_space<semaphore_mem>>) src(%arg11 : memref<128x128xf32, #tpu.memory_space<vmem>>) dst(%dma_wait3A_851 : memref<10112x128xf32, #tpu.memory_space<vmem_shared>>)
        %dma_wait3A_852 = arith.constant 0 : i32
        %dma_wait3A_853 = arith.constant 1 : i32
        %dma_wait3A_854 = arith.constant 0 : i32
        %dma_wait3A_855 = tpu.memref_slice %arg9[%dma_wait3A_852, %dma_wait3A_853, %dma_wait3A_854] : memref<4x2x128xi32, #tpu.memory_space<vmem>> -> memref<1x1x128xi32, #tpu.memory_space<vmem>>
        %dma_wait3A_856 = tpu.memref_squeeze %dma_wait3A_855 : memref<1x1x128xi32, #tpu.memory_space<vmem>> -> memref<128xi32, #tpu.memory_space<vmem>>
        %dma_wait3A_857 = arith.constant 0 : i32
        %dma_wait3A_858 = tpu.memref_slice %arg15[%dma_wait3A_857] : memref<10112xf32, #tpu.memory_space<vmem_shared>> -> memref<10112xf32, #tpu.memory_space<vmem_shared>>
        tpu.wait_indirect_dma semaphore(%arg21 : memref<!tpu.dma_semaphore, #tpu.memory_space<semaphore_mem>>) src(%arg12 : memref<128xf32, #tpu.memory_space<vmem>>) dst(%dma_wait3A_858 : memref<10112xf32, #tpu.memory_space<vmem_shared>>)
      } else {
      }
      %add3A_529 = arith.constant 3 : i32
      %add3A_530 = arith.addi %add3A_501, %add3A_529 : i32
      %lt3A = arith.constant 80 : i32
      %lt3A_531 = arith.cmpi slt, %add3A_530, %lt3A : i32
      %jit3A_532 = arith.constant 0 : i32
      %select_n3A_533 = arith.select %lt3A_531, %add3A_530, %jit3A_532 : i32
      %dma_start3A_534 = arith.constant 3 : i32
      %dma_start3A_535 = arith.constant 0 : i32
      %dma_start3A_536 = arith.constant 0 : i32
      %dma_start3A_537 = tpu.memref_slice %arg9[%dma_start3A_534, %dma_start3A_535, %dma_start3A_536] : memref<4x2x128xi32, #tpu.memory_space<vmem>> -> memref<1x2x128xi32, #tpu.memory_space<vmem>>
      %dma_start3A_538 = tpu.memref_squeeze %dma_start3A_537 : memref<1x2x128xi32, #tpu.memory_space<vmem>> -> memref<2x128xi32, #tpu.memory_space<vmem>>
      %dma_start3A_539 = arith.constant 0 : i32
      %dma_start3A_540 = arith.constant 0 : i32
      %dma_start3A_541 = tpu.memref_slice %arg3[%add3A, %select_n3A_533, %dma_start3A_539, %dma_start3A_540] : memref<32x80x2x128xi32, #tpu.memory_space<hbm>> -> memref<1x1x2x128xi32, #tpu.memory_space<hbm>>
      %dma_start3A_542 = tpu.memref_squeeze %dma_start3A_541 : memref<1x1x2x128xi32, #tpu.memory_space<hbm>> -> memref<2x128xi32, #tpu.memory_space<hbm>>
      %dma_start3A_543 = arith.constant 0 : i32
      %dma_start3A_544 = arith.constant 0 : i32
      %dma_start3A_545 = tpu.memref_slice %arg9[%dma_start3A_534, %dma_start3A_543, %dma_start3A_544] : memref<4x2x128xi32, #tpu.memory_space<vmem>> -> memref<1x2x128xi32, #tpu.memory_space<vmem>>
      %dma_start3A_546 = tpu.memref_squeeze %dma_start3A_545 : memref<1x2x128xi32, #tpu.memory_space<vmem>> -> memref<2x128xi32, #tpu.memory_space<vmem>>
      %dma_start3A_547 = arith.constant 0 : i32
      %dma_start3A_548 = arith.constant 0 : i32
      %dma_start3A_549 = tpu.memref_slice %arg3[%add3A, %select_n3A_533, %dma_start3A_547, %dma_start3A_548] : memref<32x80x2x128xi32, #tpu.memory_space<hbm>> -> memref<1x1x2x128xi32, #tpu.memory_space<hbm>>
      %dma_start3A_550 = tpu.memref_squeeze %dma_start3A_549 : memref<1x1x2x128xi32, #tpu.memory_space<hbm>> -> memref<2x128xi32, #tpu.memory_space<hbm>>
      tpu.enqueue_dma source(%dma_start3A_550 : memref<2x128xi32, #tpu.memory_space<hbm>>) target(%dma_start3A_546 : memref<2x128xi32, #tpu.memory_space<vmem>>) target_semaphore(%arg25 : memref<!tpu.dma_semaphore, #tpu.memory_space<semaphore_mem>>)
      %dma_wait3A_551 = arith.constant 0 : i32
      %dma_wait3A_552 = arith.constant 1 : i32
      %dma_wait3A_553 = arith.constant 0 : i32
      %dma_wait3A_554 = arith.constant 0 : i32
      %dma_wait3A_555 = tpu.memref_slice %arg9[%dma_wait3A_552, %dma_wait3A_553, %dma_wait3A_554] : memref<4x2x128xi32, #tpu.memory_space<vmem>> -> memref<1x2x128xi32, #tpu.memory_space<vmem>>
      %dma_wait3A_556 = tpu.memref_squeeze %dma_wait3A_555 : memref<1x2x128xi32, #tpu.memory_space<vmem>> -> memref<2x128xi32, #tpu.memory_space<vmem>>
      %dma_wait3A_557 = arith.constant 0 : i32
      %dma_wait3A_558 = arith.constant 0 : i32
      %dma_wait3A_559 = tpu.memref_slice %arg3[%add3A, %dma_wait3A_551, %dma_wait3A_557, %dma_wait3A_558] : memref<32x80x2x128xi32, #tpu.memory_space<hbm>> -> memref<1x1x2x128xi32, #tpu.memory_space<hbm>>
      %dma_wait3A_560 = tpu.memref_squeeze %dma_wait3A_559 : memref<1x1x2x128xi32, #tpu.memory_space<hbm>> -> memref<2x128xi32, #tpu.memory_space<hbm>>
      %dma_wait3A_561 = arith.constant 0 : i32
      %dma_wait3A_562 = arith.constant 0 : i32
      %dma_wait3A_563 = tpu.memref_slice %arg9[%dma_wait3A_552, %dma_wait3A_561, %dma_wait3A_562] : memref<4x2x128xi32, #tpu.memory_space<vmem>> -> memref<1x2x128xi32, #tpu.memory_space<vmem>>
      %dma_wait3A_564 = tpu.memref_squeeze %dma_wait3A_563 : memref<1x2x128xi32, #tpu.memory_space<vmem>> -> memref<2x128xi32, #tpu.memory_space<vmem>>
      %dma_wait3A_565 = arith.constant 0 : i32
      %dma_wait3A_566 = arith.constant 0 : i32
      %dma_wait3A_567 = tpu.memref_slice %arg3[%add3A, %dma_wait3A_551, %dma_wait3A_565, %dma_wait3A_566] : memref<32x80x2x128xi32, #tpu.memory_space<hbm>> -> memref<1x1x2x128xi32, #tpu.memory_space<hbm>>
      %dma_wait3A_568 = tpu.memref_squeeze %dma_wait3A_567 : memref<1x1x2x128xi32, #tpu.memory_space<hbm>> -> memref<2x128xi32, #tpu.memory_space<hbm>>
      tpu.wait_dma2 semaphore(%arg23 : memref<!tpu.dma_semaphore, #tpu.memory_space<semaphore_mem>>) src(%dma_wait3A_568 : memref<2x128xi32, #tpu.memory_space<hbm>>) dst(%dma_wait3A_564 : memref<2x128xi32, #tpu.memory_space<vmem>>)
      %dma_start3A_569 = arith.constant 1 : i32
      %dma_start3A_570 = arith.constant 0 : i32
      %dma_start3A_571 = arith.constant 0 : i32
      %dma_start3A_572 = tpu.memref_slice %arg9[%dma_start3A_569, %dma_start3A_570, %dma_start3A_571] : memref<4x2x128xi32, #tpu.memory_space<vmem>> -> memref<1x1x128xi32, #tpu.memory_space<vmem>>
      %dma_start3A_573 = tpu.memref_squeeze %dma_start3A_572 : memref<1x1x128xi32, #tpu.memory_space<vmem>> -> memref<128xi32, #tpu.memory_space<vmem>>
      %dma_start3A_574 = arith.constant 0 : i32
      %dma_start3A_575 = arith.constant 0 : i32
      %dma_start3A_576 = tpu.memref_slice %arg2[%dma_start3A_574, %dma_start3A_575] : memref<40000x128xf32, #tpu.memory_space<hbm>> -> memref<40000x128xf32, #tpu.memory_space<hbm>>
      tpu.enqueue_indirect_dma source(%dma_start3A_576 : memref<40000x128xf32, #tpu.memory_space<hbm>>) target(%arg11 : memref<128x128xf32, #tpu.memory_space<vmem>>) offsets(%dma_start3A_573 : memref<128xi32, #tpu.memory_space<vmem>>) semaphore(%arg17 : memref<!tpu.dma_semaphore, #tpu.memory_space<semaphore_mem>>)
      %add3A_577 = arith.constant 1 : i32
      %add3A_578 = arith.addi %mul3A_499, %add3A_577 : i32
      %dma_wait3A_579 = arith.constant 0 : i32
      %dma_wait3A_580 = arith.constant 0 : i32
      %dma_wait3A_581 = arith.constant 0 : i32
      %dma_wait3A_582 = tpu.memref_slice %arg9[%dma_wait3A_579, %dma_wait3A_580, %dma_wait3A_581] : memref<4x2x128xi32, #tpu.memory_space<vmem>> -> memref<1x1x128xi32, #tpu.memory_space<vmem>>
      %dma_wait3A_583 = tpu.memref_squeeze %dma_wait3A_582 : memref<1x1x128xi32, #tpu.memory_space<vmem>> -> memref<128xi32, #tpu.memory_space<vmem>>
      %dma_wait3A_584 = arith.constant 0 : i32
      %dma_wait3A_585 = arith.constant 0 : i32
      %dma_wait3A_586 = tpu.memref_slice %arg2[%dma_wait3A_584, %dma_wait3A_585] : memref<40000x128xf32, #tpu.memory_space<hbm>> -> memref<40000x128xf32, #tpu.memory_space<hbm>>
      tpu.wait_indirect_dma semaphore(%arg17 : memref<!tpu.dma_semaphore, #tpu.memory_space<semaphore_mem>>) src(%dma_wait3A_586 : memref<40000x128xf32, #tpu.memory_space<hbm>>) dst(%arg11 : memref<128x128xf32, #tpu.memory_space<vmem>>)
      %dma_start3A_587 = arith.constant 1 : i32
      %dma_start3A_588 = arith.constant 1 : i32
      %dma_start3A_589 = arith.constant 0 : i32
      %dma_start3A_590 = tpu.memref_slice %arg9[%dma_start3A_587, %dma_start3A_588, %dma_start3A_589] : memref<4x2x128xi32, #tpu.memory_space<vmem>> -> memref<1x1x128xi32, #tpu.memory_space<vmem>>
      %dma_start3A_591 = tpu.memref_squeeze %dma_start3A_590 : memref<1x1x128xi32, #tpu.memory_space<vmem>> -> memref<128xi32, #tpu.memory_space<vmem>>
      %dma_start3A_592 = arith.constant 0 : i32
      %dma_start3A_593 = arith.constant 0 : i32
      %dma_start3A_594 = tpu.memref_slice %arg14[%dma_start3A_592, %dma_start3A_593] : memref<10112x128xf32, #tpu.memory_space<vmem_shared>> -> memref<10112x128xf32, #tpu.memory_space<vmem_shared>>
      tpu.enqueue_indirect_dma source(%arg11 : memref<128x128xf32, #tpu.memory_space<vmem>>) target(%dma_start3A_594 : memref<10112x128xf32, #tpu.memory_space<vmem_shared>>) offsets(%dma_start3A_591 : memref<128xi32, #tpu.memory_space<vmem>>) semaphore(%arg19 : memref<!tpu.dma_semaphore, #tpu.memory_space<semaphore_mem>>) {add = true}
      %dma_start3A_595 = arith.constant 1 : i32
      %dma_start3A_596 = arith.constant 1 : i32
      %dma_start3A_597 = arith.constant 0 : i32
      %dma_start3A_598 = tpu.memref_slice %arg9[%dma_start3A_595, %dma_start3A_596, %dma_start3A_597] : memref<4x2x128xi32, #tpu.memory_space<vmem>> -> memref<1x1x128xi32, #tpu.memory_space<vmem>>
      %dma_start3A_599 = tpu.memref_squeeze %dma_start3A_598 : memref<1x1x128xi32, #tpu.memory_space<vmem>> -> memref<128xi32, #tpu.memory_space<vmem>>
      %dma_start3A_600 = arith.constant 0 : i32
      %dma_start3A_601 = tpu.memref_slice %arg15[%dma_start3A_600] : memref<10112xf32, #tpu.memory_space<vmem_shared>> -> memref<10112xf32, #tpu.memory_space<vmem_shared>>
      tpu.enqueue_indirect_dma source(%arg12 : memref<128xf32, #tpu.memory_space<vmem>>) target(%dma_start3A_601 : memref<10112xf32, #tpu.memory_space<vmem_shared>>) offsets(%dma_start3A_599 : memref<128xi32, #tpu.memory_space<vmem>>) semaphore(%arg21 : memref<!tpu.dma_semaphore, #tpu.memory_space<semaphore_mem>>) {add = true}
      %dma_wait3A_602 = arith.constant 0 : i32
      %dma_wait3A_603 = arith.constant 1 : i32
      %dma_wait3A_604 = arith.constant 0 : i32
      %dma_wait3A_605 = tpu.memref_slice %arg9[%dma_wait3A_602, %dma_wait3A_603, %dma_wait3A_604] : memref<4x2x128xi32, #tpu.memory_space<vmem>> -> memref<1x1x128xi32, #tpu.memory_space<vmem>>
      %dma_wait3A_606 = tpu.memref_squeeze %dma_wait3A_605 : memref<1x1x128xi32, #tpu.memory_space<vmem>> -> memref<128xi32, #tpu.memory_space<vmem>>
      %dma_wait3A_607 = arith.constant 0 : i32
      %dma_wait3A_608 = arith.constant 0 : i32
      %dma_wait3A_609 = tpu.memref_slice %arg14[%dma_wait3A_607, %dma_wait3A_608] : memref<10112x128xf32, #tpu.memory_space<vmem_shared>> -> memref<10112x128xf32, #tpu.memory_space<vmem_shared>>
      tpu.wait_indirect_dma semaphore(%arg18 : memref<!tpu.dma_semaphore, #tpu.memory_space<semaphore_mem>>) src(%arg10 : memref<128x128xf32, #tpu.memory_space<vmem>>) dst(%dma_wait3A_609 : memref<10112x128xf32, #tpu.memory_space<vmem_shared>>)
      %dma_wait3A_610 = arith.constant 0 : i32
      %dma_wait3A_611 = arith.constant 1 : i32
      %dma_wait3A_612 = arith.constant 0 : i32
      %dma_wait3A_613 = tpu.memref_slice %arg9[%dma_wait3A_610, %dma_wait3A_611, %dma_wait3A_612] : memref<4x2x128xi32, #tpu.memory_space<vmem>> -> memref<1x1x128xi32, #tpu.memory_space<vmem>>
      %dma_wait3A_614 = tpu.memref_squeeze %dma_wait3A_613 : memref<1x1x128xi32, #tpu.memory_space<vmem>> -> memref<128xi32, #tpu.memory_space<vmem>>
      %dma_wait3A_615 = arith.constant 0 : i32
      %dma_wait3A_616 = tpu.memref_slice %arg15[%dma_wait3A_615] : memref<10112xf32, #tpu.memory_space<vmem_shared>> -> memref<10112xf32, #tpu.memory_space<vmem_shared>>
      tpu.wait_indirect_dma semaphore(%arg20 : memref<!tpu.dma_semaphore, #tpu.memory_space<semaphore_mem>>) src(%arg12 : memref<128xf32, #tpu.memory_space<vmem>>) dst(%dma_wait3A_616 : memref<10112xf32, #tpu.memory_space<vmem_shared>>)
      %add3A_617 = arith.constant 3 : i32
      %add3A_618 = arith.addi %add3A_578, %add3A_617 : i32
      %lt3A_619 = arith.constant 80 : i32
      %lt3A_620 = arith.cmpi slt, %add3A_618, %lt3A_619 : i32
      %jit3A_621 = arith.constant 0 : i32
      %select_n3A_622 = arith.select %lt3A_620, %add3A_618, %jit3A_621 : i32
      %dma_start3A_623 = arith.constant 0 : i32
      %dma_start3A_624 = arith.constant 0 : i32
      %dma_start3A_625 = arith.constant 0 : i32
      %dma_start3A_626 = tpu.memref_slice %arg9[%dma_start3A_623, %dma_start3A_624, %dma_start3A_625] : memref<4x2x128xi32, #tpu.memory_space<vmem>> -> memref<1x2x128xi32, #tpu.memory_space<vmem>>
      %dma_start3A_627 = tpu.memref_squeeze %dma_start3A_626 : memref<1x2x128xi32, #tpu.memory_space<vmem>> -> memref<2x128xi32, #tpu.memory_space<vmem>>
      %dma_start3A_628 = arith.constant 0 : i32
      %dma_start3A_629 = arith.constant 0 : i32
      %dma_start3A_630 = tpu.memref_slice %arg3[%add3A, %select_n3A_622, %dma_start3A_628, %dma_start3A_629] : memref<32x80x2x128xi32, #tpu.memory_space<hbm>> -> memref<1x1x2x128xi32, #tpu.memory_space<hbm>>
      %dma_start3A_631 = tpu.memref_squeeze %dma_start3A_630 : memref<1x1x2x128xi32, #tpu.memory_space<hbm>> -> memref<2x128xi32, #tpu.memory_space<hbm>>
      %dma_start3A_632 = arith.constant 0 : i32
      %dma_start3A_633 = arith.constant 0 : i32
      %dma_start3A_634 = tpu.memref_slice %arg9[%dma_start3A_623, %dma_start3A_632, %dma_start3A_633] : memref<4x2x128xi32, #tpu.memory_space<vmem>> -> memref<1x2x128xi32, #tpu.memory_space<vmem>>
      %dma_start3A_635 = tpu.memref_squeeze %dma_start3A_634 : memref<1x2x128xi32, #tpu.memory_space<vmem>> -> memref<2x128xi32, #tpu.memory_space<vmem>>
      %dma_start3A_636 = arith.constant 0 : i32
      %dma_start3A_637 = arith.constant 0 : i32
      %dma_start3A_638 = tpu.memref_slice %arg3[%add3A, %select_n3A_622, %dma_start3A_636, %dma_start3A_637] : memref<32x80x2x128xi32, #tpu.memory_space<hbm>> -> memref<1x1x2x128xi32, #tpu.memory_space<hbm>>
      %dma_start3A_639 = tpu.memref_squeeze %dma_start3A_638 : memref<1x1x2x128xi32, #tpu.memory_space<hbm>> -> memref<2x128xi32, #tpu.memory_space<hbm>>
      tpu.enqueue_dma source(%dma_start3A_639 : memref<2x128xi32, #tpu.memory_space<hbm>>) target(%dma_start3A_635 : memref<2x128xi32, #tpu.memory_space<vmem>>) target_semaphore(%arg22 : memref<!tpu.dma_semaphore, #tpu.memory_space<semaphore_mem>>)
      %dma_wait3A_640 = arith.constant 0 : i32
      %dma_wait3A_641 = arith.constant 2 : i32
      %dma_wait3A_642 = arith.constant 0 : i32
      %dma_wait3A_643 = arith.constant 0 : i32
      %dma_wait3A_644 = tpu.memref_slice %arg9[%dma_wait3A_641, %dma_wait3A_642, %dma_wait3A_643] : memref<4x2x128xi32, #tpu.memory_space<vmem>> -> memref<1x2x128xi32, #tpu.memory_space<vmem>>
      %dma_wait3A_645 = tpu.memref_squeeze %dma_wait3A_644 : memref<1x2x128xi32, #tpu.memory_space<vmem>> -> memref<2x128xi32, #tpu.memory_space<vmem>>
      %dma_wait3A_646 = arith.constant 0 : i32
      %dma_wait3A_647 = arith.constant 0 : i32
      %dma_wait3A_648 = tpu.memref_slice %arg3[%add3A, %dma_wait3A_640, %dma_wait3A_646, %dma_wait3A_647] : memref<32x80x2x128xi32, #tpu.memory_space<hbm>> -> memref<1x1x2x128xi32, #tpu.memory_space<hbm>>
      %dma_wait3A_649 = tpu.memref_squeeze %dma_wait3A_648 : memref<1x1x2x128xi32, #tpu.memory_space<hbm>> -> memref<2x128xi32, #tpu.memory_space<hbm>>
      %dma_wait3A_650 = arith.constant 0 : i32
      %dma_wait3A_651 = arith.constant 0 : i32
      %dma_wait3A_652 = tpu.memref_slice %arg9[%dma_wait3A_641, %dma_wait3A_650, %dma_wait3A_651] : memref<4x2x128xi32, #tpu.memory_space<vmem>> -> memref<1x2x128xi32, #tpu.memory_space<vmem>>
      %dma_wait3A_653 = tpu.memref_squeeze %dma_wait3A_652 : memref<1x2x128xi32, #tpu.memory_space<vmem>> -> memref<2x128xi32, #tpu.memory_space<vmem>>
      %dma_wait3A_654 = arith.constant 0 : i32
      %dma_wait3A_655 = arith.constant 0 : i32
      %dma_wait3A_656 = tpu.memref_slice %arg3[%add3A, %dma_wait3A_640, %dma_wait3A_654, %dma_wait3A_655] : memref<32x80x2x128xi32, #tpu.memory_space<hbm>> -> memref<1x1x2x128xi32, #tpu.memory_space<hbm>>
      %dma_wait3A_657 = tpu.memref_squeeze %dma_wait3A_656 : memref<1x1x2x128xi32, #tpu.memory_space<hbm>> -> memref<2x128xi32, #tpu.memory_space<hbm>>
      tpu.wait_dma2 semaphore(%arg24 : memref<!tpu.dma_semaphore, #tpu.memory_space<semaphore_mem>>) src(%dma_wait3A_657 : memref<2x128xi32, #tpu.memory_space<hbm>>) dst(%dma_wait3A_653 : memref<2x128xi32, #tpu.memory_space<vmem>>)
      %dma_start3A_658 = arith.constant 2 : i32
      %dma_start3A_659 = arith.constant 0 : i32
      %dma_start3A_660 = arith.constant 0 : i32
      %dma_start3A_661 = tpu.memref_slice %arg9[%dma_start3A_658, %dma_start3A_659, %dma_start3A_660] : memref<4x2x128xi32, #tpu.memory_space<vmem>> -> memref<1x1x128xi32, #tpu.memory_space<vmem>>
      %dma_start3A_662 = tpu.memref_squeeze %dma_start3A_661 : memref<1x1x128xi32, #tpu.memory_space<vmem>> -> memref<128xi32, #tpu.memory_space<vmem>>
      %dma_start3A_663 = arith.constant 0 : i32
      %dma_start3A_664 = arith.constant 0 : i32
      %dma_start3A_665 = tpu.memref_slice %arg2[%dma_start3A_663, %dma_start3A_664] : memref<40000x128xf32, #tpu.memory_space<hbm>> -> memref<40000x128xf32, #tpu.memory_space<hbm>>
      tpu.enqueue_indirect_dma source(%dma_start3A_665 : memref<40000x128xf32, #tpu.memory_space<hbm>>) target(%arg10 : memref<128x128xf32, #tpu.memory_space<vmem>>) offsets(%dma_start3A_662 : memref<128xi32, #tpu.memory_space<vmem>>) semaphore(%arg16 : memref<!tpu.dma_semaphore, #tpu.memory_space<semaphore_mem>>)
      %add3A_666 = arith.constant 2 : i32
      %add3A_667 = arith.addi %mul3A_499, %add3A_666 : i32
      %dma_wait3A_668 = arith.constant 0 : i32
      %dma_wait3A_669 = arith.constant 0 : i32
      %dma_wait3A_670 = arith.constant 0 : i32
      %dma_wait3A_671 = tpu.memref_slice %arg9[%dma_wait3A_668, %dma_wait3A_669, %dma_wait3A_670] : memref<4x2x128xi32, #tpu.memory_space<vmem>> -> memref<1x1x128xi32, #tpu.memory_space<vmem>>
      %dma_wait3A_672 = tpu.memref_squeeze %dma_wait3A_671 : memref<1x1x128xi32, #tpu.memory_space<vmem>> -> memref<128xi32, #tpu.memory_space<vmem>>
      %dma_wait3A_673 = arith.constant 0 : i32
      %dma_wait3A_674 = arith.constant 0 : i32
      %dma_wait3A_675 = tpu.memref_slice %arg2[%dma_wait3A_673, %dma_wait3A_674] : memref<40000x128xf32, #tpu.memory_space<hbm>> -> memref<40000x128xf32, #tpu.memory_space<hbm>>
      tpu.wait_indirect_dma semaphore(%arg16 : memref<!tpu.dma_semaphore, #tpu.memory_space<semaphore_mem>>) src(%dma_wait3A_675 : memref<40000x128xf32, #tpu.memory_space<hbm>>) dst(%arg10 : memref<128x128xf32, #tpu.memory_space<vmem>>)
      %dma_start3A_676 = arith.constant 2 : i32
      %dma_start3A_677 = arith.constant 1 : i32
      %dma_start3A_678 = arith.constant 0 : i32
      %dma_start3A_679 = tpu.memref_slice %arg9[%dma_start3A_676, %dma_start3A_677, %dma_start3A_678] : memref<4x2x128xi32, #tpu.memory_space<vmem>> -> memref<1x1x128xi32, #tpu.memory_space<vmem>>
      %dma_start3A_680 = tpu.memref_squeeze %dma_start3A_679 : memref<1x1x128xi32, #tpu.memory_space<vmem>> -> memref<128xi32, #tpu.memory_space<vmem>>
      %dma_start3A_681 = arith.constant 0 : i32
      %dma_start3A_682 = arith.constant 0 : i32
      %dma_start3A_683 = tpu.memref_slice %arg14[%dma_start3A_681, %dma_start3A_682] : memref<10112x128xf32, #tpu.memory_space<vmem_shared>> -> memref<10112x128xf32, #tpu.memory_space<vmem_shared>>
      tpu.enqueue_indirect_dma source(%arg10 : memref<128x128xf32, #tpu.memory_space<vmem>>) target(%dma_start3A_683 : memref<10112x128xf32, #tpu.memory_space<vmem_shared>>) offsets(%dma_start3A_680 : memref<128xi32, #tpu.memory_space<vmem>>) semaphore(%arg18 : memref<!tpu.dma_semaphore, #tpu.memory_space<semaphore_mem>>) {add = true}
      %dma_start3A_684 = arith.constant 2 : i32
      %dma_start3A_685 = arith.constant 1 : i32
      %dma_start3A_686 = arith.constant 0 : i32
      %dma_start3A_687 = tpu.memref_slice %arg9[%dma_start3A_684, %dma_start3A_685, %dma_start3A_686] : memref<4x2x128xi32, #tpu.memory_space<vmem>> -> memref<1x1x128xi32, #tpu.memory_space<vmem>>
      %dma_start3A_688 = tpu.memref_squeeze %dma_start3A_687 : memref<1x1x128xi32, #tpu.memory_space<vmem>> -> memref<128xi32, #tpu.memory_space<vmem>>
      %dma_start3A_689 = arith.constant 0 : i32
      %dma_start3A_690 = tpu.memref_slice %arg15[%dma_start3A_689] : memref<10112xf32, #tpu.memory_space<vmem_shared>> -> memref<10112xf32, #tpu.memory_space<vmem_shared>>
      tpu.enqueue_indirect_dma source(%arg12 : memref<128xf32, #tpu.memory_space<vmem>>) target(%dma_start3A_690 : memref<10112xf32, #tpu.memory_space<vmem_shared>>) offsets(%dma_start3A_688 : memref<128xi32, #tpu.memory_space<vmem>>) semaphore(%arg20 : memref<!tpu.dma_semaphore, #tpu.memory_space<semaphore_mem>>) {add = true}
      %dma_wait3A_691 = arith.constant 0 : i32
      %dma_wait3A_692 = arith.constant 1 : i32
      %dma_wait3A_693 = arith.constant 0 : i32
      %dma_wait3A_694 = tpu.memref_slice %arg9[%dma_wait3A_691, %dma_wait3A_692, %dma_wait3A_693] : memref<4x2x128xi32, #tpu.memory_space<vmem>> -> memref<1x1x128xi32, #tpu.memory_space<vmem>>
      %dma_wait3A_695 = tpu.memref_squeeze %dma_wait3A_694 : memref<1x1x128xi32, #tpu.memory_space<vmem>> -> memref<128xi32, #tpu.memory_space<vmem>>
      %dma_wait3A_696 = arith.constant 0 : i32
      %dma_wait3A_697 = arith.constant 0 : i32
      %dma_wait3A_698 = tpu.memref_slice %arg14[%dma_wait3A_696, %dma_wait3A_697] : memref<10112x128xf32, #tpu.memory_space<vmem_shared>> -> memref<10112x128xf32, #tpu.memory_space<vmem_shared>>
      tpu.wait_indirect_dma semaphore(%arg19 : memref<!tpu.dma_semaphore, #tpu.memory_space<semaphore_mem>>) src(%arg11 : memref<128x128xf32, #tpu.memory_space<vmem>>) dst(%dma_wait3A_698 : memref<10112x128xf32, #tpu.memory_space<vmem_shared>>)
      %dma_wait3A_699 = arith.constant 0 : i32
      %dma_wait3A_700 = arith.constant 1 : i32
      %dma_wait3A_701 = arith.constant 0 : i32
      %dma_wait3A_702 = tpu.memref_slice %arg9[%dma_wait3A_699, %dma_wait3A_700, %dma_wait3A_701] : memref<4x2x128xi32, #tpu.memory_space<vmem>> -> memref<1x1x128xi32, #tpu.memory_space<vmem>>
      %dma_wait3A_703 = tpu.memref_squeeze %dma_wait3A_702 : memref<1x1x128xi32, #tpu.memory_space<vmem>> -> memref<128xi32, #tpu.memory_space<vmem>>
      %dma_wait3A_704 = arith.constant 0 : i32
      %dma_wait3A_705 = tpu.memref_slice %arg15[%dma_wait3A_704] : memref<10112xf32, #tpu.memory_space<vmem_shared>> -> memref<10112xf32, #tpu.memory_space<vmem_shared>>
      tpu.wait_indirect_dma semaphore(%arg21 : memref<!tpu.dma_semaphore, #tpu.memory_space<semaphore_mem>>) src(%arg12 : memref<128xf32, #tpu.memory_space<vmem>>) dst(%dma_wait3A_705 : memref<10112xf32, #tpu.memory_space<vmem_shared>>)
      %add3A_706 = arith.constant 3 : i32
      %add3A_707 = arith.addi %add3A_667, %add3A_706 : i32
      %lt3A_708 = arith.constant 80 : i32
      %lt3A_709 = arith.cmpi slt, %add3A_707, %lt3A_708 : i32
      %jit3A_710 = arith.constant 0 : i32
      %select_n3A_711 = arith.select %lt3A_709, %add3A_707, %jit3A_710 : i32
      %dma_start3A_712 = arith.constant 1 : i32
      %dma_start3A_713 = arith.constant 0 : i32
      %dma_start3A_714 = arith.constant 0 : i32
      %dma_start3A_715 = tpu.memref_slice %arg9[%dma_start3A_712, %dma_start3A_713, %dma_start3A_714] : memref<4x2x128xi32, #tpu.memory_space<vmem>> -> memref<1x2x128xi32, #tpu.memory_space<vmem>>
      %dma_start3A_716 = tpu.memref_squeeze %dma_start3A_715 : memref<1x2x128xi32, #tpu.memory_space<vmem>> -> memref<2x128xi32, #tpu.memory_space<vmem>>
      %dma_start3A_717 = arith.constant 0 : i32
      %dma_start3A_718 = arith.constant 0 : i32
      %dma_start3A_719 = tpu.memref_slice %arg3[%add3A, %select_n3A_711, %dma_start3A_717, %dma_start3A_718] : memref<32x80x2x128xi32, #tpu.memory_space<hbm>> -> memref<1x1x2x128xi32, #tpu.memory_space<hbm>>
      %dma_start3A_720 = tpu.memref_squeeze %dma_start3A_719 : memref<1x1x2x128xi32, #tpu.memory_space<hbm>> -> memref<2x128xi32, #tpu.memory_space<hbm>>
      %dma_start3A_721 = arith.constant 0 : i32
      %dma_start3A_722 = arith.constant 0 : i32
      %dma_start3A_723 = tpu.memref_slice %arg9[%dma_start3A_712, %dma_start3A_721, %dma_start3A_722] : memref<4x2x128xi32, #tpu.memory_space<vmem>> -> memref<1x2x128xi32, #tpu.memory_space<vmem>>
      %dma_start3A_724 = tpu.memref_squeeze %dma_start3A_723 : memref<1x2x128xi32, #tpu.memory_space<vmem>> -> memref<2x128xi32, #tpu.memory_space<vmem>>
      %dma_start3A_725 = arith.constant 0 : i32
      %dma_start3A_726 = arith.constant 0 : i32
      %dma_start3A_727 = tpu.memref_slice %arg3[%add3A, %select_n3A_711, %dma_start3A_725, %dma_start3A_726] : memref<32x80x2x128xi32, #tpu.memory_space<hbm>> -> memref<1x1x2x128xi32, #tpu.memory_space<hbm>>
      %dma_start3A_728 = tpu.memref_squeeze %dma_start3A_727 : memref<1x1x2x128xi32, #tpu.memory_space<hbm>> -> memref<2x128xi32, #tpu.memory_space<hbm>>
      tpu.enqueue_dma source(%dma_start3A_728 : memref<2x128xi32, #tpu.memory_space<hbm>>) target(%dma_start3A_724 : memref<2x128xi32, #tpu.memory_space<vmem>>) target_semaphore(%arg23 : memref<!tpu.dma_semaphore, #tpu.memory_space<semaphore_mem>>)
      %dma_wait3A_729 = arith.constant 0 : i32
      %dma_wait3A_730 = arith.constant 3 : i32
      %dma_wait3A_731 = arith.constant 0 : i32
      %dma_wait3A_732 = arith.constant 0 : i32
      %dma_wait3A_733 = tpu.memref_slice %arg9[%dma_wait3A_730, %dma_wait3A_731, %dma_wait3A_732] : memref<4x2x128xi32, #tpu.memory_space<vmem>> -> memref<1x2x128xi32, #tpu.memory_space<vmem>>
      %dma_wait3A_734 = tpu.memref_squeeze %dma_wait3A_733 : memref<1x2x128xi32, #tpu.memory_space<vmem>> -> memref<2x128xi32, #tpu.memory_space<vmem>>
      %dma_wait3A_735 = arith.constant 0 : i32
      %dma_wait3A_736 = arith.constant 0 : i32
      %dma_wait3A_737 = tpu.memref_slice %arg3[%add3A, %dma_wait3A_729, %dma_wait3A_735, %dma_wait3A_736] : memref<32x80x2x128xi32, #tpu.memory_space<hbm>> -> memref<1x1x2x128xi32, #tpu.memory_space<hbm>>
      %dma_wait3A_738 = tpu.memref_squeeze %dma_wait3A_737 : memref<1x1x2x128xi32, #tpu.memory_space<hbm>> -> memref<2x128xi32, #tpu.memory_space<hbm>>
      %dma_wait3A_739 = arith.constant 0 : i32
      %dma_wait3A_740 = arith.constant 0 : i32
      %dma_wait3A_741 = tpu.memref_slice %arg9[%dma_wait3A_730, %dma_wait3A_739, %dma_wait3A_740] : memref<4x2x128xi32, #tpu.memory_space<vmem>> -> memref<1x2x128xi32, #tpu.memory_space<vmem>>
      %dma_wait3A_742 = tpu.memref_squeeze %dma_wait3A_741 : memref<1x2x128xi32, #tpu.memory_space<vmem>> -> memref<2x128xi32, #tpu.memory_space<vmem>>
      %dma_wait3A_743 = arith.constant 0 : i32
      %dma_wait3A_744 = arith.constant 0 : i32
      %dma_wait3A_745 = tpu.memref_slice %arg3[%add3A, %dma_wait3A_729, %dma_wait3A_743, %dma_wait3A_744] : memref<32x80x2x128xi32, #tpu.memory_space<hbm>> -> memref<1x1x2x128xi32, #tpu.memory_space<hbm>>
      %dma_wait3A_746 = tpu.memref_squeeze %dma_wait3A_745 : memref<1x1x2x128xi32, #tpu.memory_space<hbm>> -> memref<2x128xi32, #tpu.memory_space<hbm>>
      tpu.wait_dma2 semaphore(%arg25 : memref<!tpu.dma_semaphore, #tpu.memory_space<semaphore_mem>>) src(%dma_wait3A_746 : memref<2x128xi32, #tpu.memory_space<hbm>>) dst(%dma_wait3A_742 : memref<2x128xi32, #tpu.memory_space<vmem>>)
      %dma_start3A_747 = arith.constant 3 : i32
      %dma_start3A_748 = arith.constant 0 : i32
      %dma_start3A_749 = arith.constant 0 : i32
      %dma_start3A_750 = tpu.memref_slice %arg9[%dma_start3A_747, %dma_start3A_748, %dma_start3A_749] : memref<4x2x128xi32, #tpu.memory_space<vmem>> -> memref<1x1x128xi32, #tpu.memory_space<vmem>>
      %dma_start3A_751 = tpu.memref_squeeze %dma_start3A_750 : memref<1x1x128xi32, #tpu.memory_space<vmem>> -> memref<128xi32, #tpu.memory_space<vmem>>
      %dma_start3A_752 = arith.constant 0 : i32
      %dma_start3A_753 = arith.constant 0 : i32
      %dma_start3A_754 = tpu.memref_slice %arg2[%dma_start3A_752, %dma_start3A_753] : memref<40000x128xf32, #tpu.memory_space<hbm>> -> memref<40000x128xf32, #tpu.memory_space<hbm>>
      tpu.enqueue_indirect_dma source(%dma_start3A_754 : memref<40000x128xf32, #tpu.memory_space<hbm>>) target(%arg11 : memref<128x128xf32, #tpu.memory_space<vmem>>) offsets(%dma_start3A_751 : memref<128xi32, #tpu.memory_space<vmem>>) semaphore(%arg17 : memref<!tpu.dma_semaphore, #tpu.memory_space<semaphore_mem>>)
      %add3A_755 = arith.constant 3 : i32
      %add3A_756 = arith.addi %mul3A_499, %add3A_755 : i32
      %dma_wait3A_757 = arith.constant 0 : i32
      %dma_wait3A_758 = arith.constant 0 : i32
      %dma_wait3A_759 = arith.constant 0 : i32
      %dma_wait3A_760 = tpu.memref_slice %arg9[%dma_wait3A_757, %dma_wait3A_758, %dma_wait3A_759] : memref<4x2x128xi32, #tpu.memory_space<vmem>> -> memref<1x1x128xi32, #tpu.memory_space<vmem>>
      %dma_wait3A_761 = tpu.memref_squeeze %dma_wait3A_760 : memref<1x1x128xi32, #tpu.memory_space<vmem>> -> memref<128xi32, #tpu.memory_space<vmem>>
      %dma_wait3A_762 = arith.constant 0 : i32
      %dma_wait3A_763 = arith.constant 0 : i32
      %dma_wait3A_764 = tpu.memref_slice %arg2[%dma_wait3A_762, %dma_wait3A_763] : memref<40000x128xf32, #tpu.memory_space<hbm>> -> memref<40000x128xf32, #tpu.memory_space<hbm>>
      tpu.wait_indirect_dma semaphore(%arg17 : memref<!tpu.dma_semaphore, #tpu.memory_space<semaphore_mem>>) src(%dma_wait3A_764 : memref<40000x128xf32, #tpu.memory_space<hbm>>) dst(%arg11 : memref<128x128xf32, #tpu.memory_space<vmem>>)
      %dma_start3A_765 = arith.constant 3 : i32
      %dma_start3A_766 = arith.constant 1 : i32
      %dma_start3A_767 = arith.constant 0 : i32
      %dma_start3A_768 = tpu.memref_slice %arg9[%dma_start3A_765, %dma_start3A_766, %dma_start3A_767] : memref<4x2x128xi32, #tpu.memory_space<vmem>> -> memref<1x1x128xi32, #tpu.memory_space<vmem>>
      %dma_start3A_769 = tpu.memref_squeeze %dma_start3A_768 : memref<1x1x128xi32, #tpu.memory_space<vmem>> -> memref<128xi32, #tpu.memory_space<vmem>>
      %dma_start3A_770 = arith.constant 0 : i32
      %dma_start3A_771 = arith.constant 0 : i32
      %dma_start3A_772 = tpu.memref_slice %arg14[%dma_start3A_770, %dma_start3A_771] : memref<10112x128xf32, #tpu.memory_space<vmem_shared>> -> memref<10112x128xf32, #tpu.memory_space<vmem_shared>>
      tpu.enqueue_indirect_dma source(%arg11 : memref<128x128xf32, #tpu.memory_space<vmem>>) target(%dma_start3A_772 : memref<10112x128xf32, #tpu.memory_space<vmem_shared>>) offsets(%dma_start3A_769 : memref<128xi32, #tpu.memory_space<vmem>>) semaphore(%arg19 : memref<!tpu.dma_semaphore, #tpu.memory_space<semaphore_mem>>) {add = true}
      %dma_start3A_773 = arith.constant 3 : i32
      %dma_start3A_774 = arith.constant 1 : i32
      %dma_start3A_775 = arith.constant 0 : i32
      %dma_start3A_776 = tpu.memref_slice %arg9[%dma_start3A_773, %dma_start3A_774, %dma_start3A_775] : memref<4x2x128xi32, #tpu.memory_space<vmem>> -> memref<1x1x128xi32, #tpu.memory_space<vmem>>
      %dma_start3A_777 = tpu.memref_squeeze %dma_start3A_776 : memref<1x1x128xi32, #tpu.memory_space<vmem>> -> memref<128xi32, #tpu.memory_space<vmem>>
      %dma_start3A_778 = arith.constant 0 : i32
      %dma_start3A_779 = tpu.memref_slice %arg15[%dma_start3A_778] : memref<10112xf32, #tpu.memory_space<vmem_shared>> -> memref<10112xf32, #tpu.memory_space<vmem_shared>>
      tpu.enqueue_indirect_dma source(%arg12 : memref<128xf32, #tpu.memory_space<vmem>>) target(%dma_start3A_779 : memref<10112xf32, #tpu.memory_space<vmem_shared>>) offsets(%dma_start3A_777 : memref<128xi32, #tpu.memory_space<vmem>>) semaphore(%arg21 : memref<!tpu.dma_semaphore, #tpu.memory_space<semaphore_mem>>) {add = true}
      %dma_wait3A_780 = arith.constant 0 : i32
      %dma_wait3A_781 = arith.constant 1 : i32
      %dma_wait3A_782 = arith.constant 0 : i32
      %dma_wait3A_783 = tpu.memref_slice %arg9[%dma_wait3A_780, %dma_wait3A_781, %dma_wait3A_782] : memref<4x2x128xi32, #tpu.memory_space<vmem>> -> memref<1x1x128xi32, #tpu.memory_space<vmem>>
      %dma_wait3A_784 = tpu.memref_squeeze %dma_wait3A_783 : memref<1x1x128xi32, #tpu.memory_space<vmem>> -> memref<128xi32, #tpu.memory_space<vmem>>
      %dma_wait3A_785 = arith.constant 0 : i32
      %dma_wait3A_786 = arith.constant 0 : i32
      %dma_wait3A_787 = tpu.memref_slice %arg14[%dma_wait3A_785, %dma_wait3A_786] : memref<10112x128xf32, #tpu.memory_space<vmem_shared>> -> memref<10112x128xf32, #tpu.memory_space<vmem_shared>>
      tpu.wait_indirect_dma semaphore(%arg18 : memref<!tpu.dma_semaphore, #tpu.memory_space<semaphore_mem>>) src(%arg10 : memref<128x128xf32, #tpu.memory_space<vmem>>) dst(%dma_wait3A_787 : memref<10112x128xf32, #tpu.memory_space<vmem_shared>>)
      %dma_wait3A_788 = arith.constant 0 : i32
      %dma_wait3A_789 = arith.constant 1 : i32
      %dma_wait3A_790 = arith.constant 0 : i32
      %dma_wait3A_791 = tpu.memref_slice %arg9[%dma_wait3A_788, %dma_wait3A_789, %dma_wait3A_790] : memref<4x2x128xi32, #tpu.memory_space<vmem>> -> memref<1x1x128xi32, #tpu.memory_space<vmem>>
      %dma_wait3A_792 = tpu.memref_squeeze %dma_wait3A_791 : memref<1x1x128xi32, #tpu.memory_space<vmem>> -> memref<128xi32, #tpu.memory_space<vmem>>
      %dma_wait3A_793 = arith.constant 0 : i32
      %dma_wait3A_794 = tpu.memref_slice %arg15[%dma_wait3A_793] : memref<10112xf32, #tpu.memory_space<vmem_shared>> -> memref<10112xf32, #tpu.memory_space<vmem_shared>>
      tpu.wait_indirect_dma semaphore(%arg20 : memref<!tpu.dma_semaphore, #tpu.memory_space<semaphore_mem>>) src(%arg12 : memref<128xf32, #tpu.memory_space<vmem>>) dst(%dma_wait3A_794 : memref<10112xf32, #tpu.memory_space<vmem_shared>>)
      %add3A_795 = arith.constant 3 : i32
      %add3A_796 = arith.addi %add3A_756, %add3A_795 : i32
      %lt3A_797 = arith.constant 80 : i32
      %lt3A_798 = arith.cmpi slt, %add3A_796, %lt3A_797 : i32
      %jit3A_799 = arith.constant 0 : i32
      %select_n3A_800 = arith.select %lt3A_798, %add3A_796, %jit3A_799 : i32
      %dma_start3A_801 = arith.constant 2 : i32
      %dma_start3A_802 = arith.constant 0 : i32
      %dma_start3A_803 = arith.constant 0 : i32
      %dma_start3A_804 = tpu.memref_slice %arg9[%dma_start3A_801, %dma_start3A_802, %dma_start3A_803] : memref<4x2x128xi32, #tpu.memory_space<vmem>> -> memref<1x2x128xi32, #tpu.memory_space<vmem>>
      %dma_start3A_805 = tpu.memref_squeeze %dma_start3A_804 : memref<1x2x128xi32, #tpu.memory_space<vmem>> -> memref<2x128xi32, #tpu.memory_space<vmem>>
      %dma_start3A_806 = arith.constant 0 : i32
      %dma_start3A_807 = arith.constant 0 : i32
      %dma_start3A_808 = tpu.memref_slice %arg3[%add3A, %select_n3A_800, %dma_start3A_806, %dma_start3A_807] : memref<32x80x2x128xi32, #tpu.memory_space<hbm>> -> memref<1x1x2x128xi32, #tpu.memory_space<hbm>>
      %dma_start3A_809 = tpu.memref_squeeze %dma_start3A_808 : memref<1x1x2x128xi32, #tpu.memory_space<hbm>> -> memref<2x128xi32, #tpu.memory_space<hbm>>
      %dma_start3A_810 = arith.constant 0 : i32
      %dma_start3A_811 = arith.constant 0 : i32
      %dma_start3A_812 = tpu.memref_slice %arg9[%dma_start3A_801, %dma_start3A_810, %dma_start3A_811] : memref<4x2x128xi32, #tpu.memory_space<vmem>> -> memref<1x2x128xi32, #tpu.memory_space<vmem>>
      %dma_start3A_813 = tpu.memref_squeeze %dma_start3A_812 : memref<1x2x128xi32, #tpu.memory_space<vmem>> -> memref<2x128xi32, #tpu.memory_space<vmem>>
      %dma_start3A_814 = arith.constant 0 : i32
      %dma_start3A_815 = arith.constant 0 : i32
      %dma_start3A_816 = tpu.memref_slice %arg3[%add3A, %select_n3A_800, %dma_start3A_814, %dma_start3A_815] : memref<32x80x2x128xi32, #tpu.memory_space<hbm>> -> memref<1x1x2x128xi32, #tpu.memory_space<hbm>>
      %dma_start3A_817 = tpu.memref_squeeze %dma_start3A_816 : memref<1x1x2x128xi32, #tpu.memory_space<hbm>> -> memref<2x128xi32, #tpu.memory_space<hbm>>
      tpu.enqueue_dma source(%dma_start3A_817 : memref<2x128xi32, #tpu.memory_space<hbm>>) target(%dma_start3A_813 : memref<2x128xi32, #tpu.memory_space<vmem>>) target_semaphore(%arg24 : memref<!tpu.dma_semaphore, #tpu.memory_space<semaphore_mem>>)
      %dma_wait3A_818 = arith.constant 0 : i32
      %dma_wait3A_819 = arith.constant 0 : i32
      %dma_wait3A_820 = arith.constant 0 : i32
      %dma_wait3A_821 = arith.constant 0 : i32
      %dma_wait3A_822 = tpu.memref_slice %arg9[%dma_wait3A_819, %dma_wait3A_820, %dma_wait3A_821] : memref<4x2x128xi32, #tpu.memory_space<vmem>> -> memref<1x2x128xi32, #tpu.memory_space<vmem>>
      %dma_wait3A_823 = tpu.memref_squeeze %dma_wait3A_822 : memref<1x2x128xi32, #tpu.memory_space<vmem>> -> memref<2x128xi32, #tpu.memory_space<vmem>>
      %dma_wait3A_824 = arith.constant 0 : i32
      %dma_wait3A_825 = arith.constant 0 : i32
      %dma_wait3A_826 = tpu.memref_slice %arg3[%add3A, %dma_wait3A_818, %dma_wait3A_824, %dma_wait3A_825] : memref<32x80x2x128xi32, #tpu.memory_space<hbm>> -> memref<1x1x2x128xi32, #tpu.memory_space<hbm>>
      %dma_wait3A_827 = tpu.memref_squeeze %dma_wait3A_826 : memref<1x1x2x128xi32, #tpu.memory_space<hbm>> -> memref<2x128xi32, #tpu.memory_space<hbm>>
      %dma_wait3A_828 = arith.constant 0 : i32
      %dma_wait3A_829 = arith.constant 0 : i32
      %dma_wait3A_830 = tpu.memref_slice %arg9[%dma_wait3A_819, %dma_wait3A_828, %dma_wait3A_829] : memref<4x2x128xi32, #tpu.memory_space<vmem>> -> memref<1x2x128xi32, #tpu.memory_space<vmem>>
      %dma_wait3A_831 = tpu.memref_squeeze %dma_wait3A_830 : memref<1x2x128xi32, #tpu.memory_space<vmem>> -> memref<2x128xi32, #tpu.memory_space<vmem>>
      %dma_wait3A_832 = arith.constant 0 : i32
      %dma_wait3A_833 = arith.constant 0 : i32
      %dma_wait3A_834 = tpu.memref_slice %arg3[%add3A, %dma_wait3A_818, %dma_wait3A_832, %dma_wait3A_833] : memref<32x80x2x128xi32, #tpu.memory_space<hbm>> -> memref<1x1x2x128xi32, #tpu.memory_space<hbm>>
      %dma_wait3A_835 = tpu.memref_squeeze %dma_wait3A_834 : memref<1x1x2x128xi32, #tpu.memory_space<hbm>> -> memref<2x128xi32, #tpu.memory_space<hbm>>
      tpu.wait_dma2 semaphore(%arg22 : memref<!tpu.dma_semaphore, #tpu.memory_space<semaphore_mem>>) src(%dma_wait3A_835 : memref<2x128xi32, #tpu.memory_space<hbm>>) dst(%dma_wait3A_831 : memref<2x128xi32, #tpu.memory_space<vmem>>)
      %dma_start3A_836 = arith.constant 0 : i32
      %dma_start3A_837 = arith.constant 0 : i32
      %dma_start3A_838 = arith.constant 0 : i32
      %dma_start3A_839 = tpu.memref_slice %arg9[%dma_start3A_836, %dma_start3A_837, %dma_start3A_838] : memref<4x2x128xi32, #tpu.memory_space<vmem>> -> memref<1x1x128xi32, #tpu.memory_space<vmem>>
      %dma_start3A_840 = tpu.memref_squeeze %dma_start3A_839 : memref<1x1x128xi32, #tpu.memory_space<vmem>> -> memref<128xi32, #tpu.memory_space<vmem>>
      %dma_start3A_841 = arith.constant 0 : i32
      %dma_start3A_842 = arith.constant 0 : i32
      %dma_start3A_843 = tpu.memref_slice %arg2[%dma_start3A_841, %dma_start3A_842] : memref<40000x128xf32, #tpu.memory_space<hbm>> -> memref<40000x128xf32, #tpu.memory_space<hbm>>
      tpu.enqueue_indirect_dma source(%dma_start3A_843 : memref<40000x128xf32, #tpu.memory_space<hbm>>) target(%arg10 : memref<128x128xf32, #tpu.memory_space<vmem>>) offsets(%dma_start3A_840 : memref<128xi32, #tpu.memory_space<vmem>>) semaphore(%arg16 : memref<!tpu.dma_semaphore, #tpu.memory_space<semaphore_mem>>)
    }
    %scan3A_174 = arith.constant 20 : i32
    %dma_wait3A_175 = arith.constant 0 : i32
    %dma_wait3A_176 = arith.constant 0 : i32
    %dma_wait3A_177 = arith.constant 0 : i32
    %dma_wait3A_178 = tpu.memref_slice %arg9[%dma_wait3A_175, %dma_wait3A_176, %dma_wait3A_177] : memref<4x2x128xi32, #tpu.memory_space<vmem>> -> memref<1x1x128xi32, #tpu.memory_space<vmem>>
    %dma_wait3A_179 = tpu.memref_squeeze %dma_wait3A_178 : memref<1x1x128xi32, #tpu.memory_space<vmem>> -> memref<128xi32, #tpu.memory_space<vmem>>
    %dma_wait3A_180 = arith.constant 0 : i32
    %dma_wait3A_181 = arith.constant 0 : i32
    %dma_wait3A_182 = tpu.memref_slice %arg2[%dma_wait3A_180, %dma_wait3A_181] : memref<40000x128xf32, #tpu.memory_space<hbm>> -> memref<40000x128xf32, #tpu.memory_space<hbm>>
    tpu.wait_indirect_dma semaphore(%arg16 : memref<!tpu.dma_semaphore, #tpu.memory_space<semaphore_mem>>) src(%dma_wait3A_182 : memref<40000x128xf32, #tpu.memory_space<hbm>>) dst(%arg10 : memref<128x128xf32, #tpu.memory_space<vmem>>)
    %dma_wait3A_183 = arith.constant 0 : i32
    %dma_wait3A_184 = arith.constant 1 : i32
    %dma_wait3A_185 = arith.constant 0 : i32
    %dma_wait3A_186 = tpu.memref_slice %arg9[%dma_wait3A_183, %dma_wait3A_184, %dma_wait3A_185] : memref<4x2x128xi32, #tpu.memory_space<vmem>> -> memref<1x1x128xi32, #tpu.memory_space<vmem>>
    %dma_wait3A_187 = tpu.memref_squeeze %dma_wait3A_186 : memref<1x1x128xi32, #tpu.memory_space<vmem>> -> memref<128xi32, #tpu.memory_space<vmem>>
    %dma_wait3A_188 = arith.constant 0 : i32
    %dma_wait3A_189 = arith.constant 0 : i32
    %dma_wait3A_190 = tpu.memref_slice %arg14[%dma_wait3A_188, %dma_wait3A_189] : memref<10112x128xf32, #tpu.memory_space<vmem_shared>> -> memref<10112x128xf32, #tpu.memory_space<vmem_shared>>
    tpu.wait_indirect_dma semaphore(%arg19 : memref<!tpu.dma_semaphore, #tpu.memory_space<semaphore_mem>>) src(%arg11 : memref<128x128xf32, #tpu.memory_space<vmem>>) dst(%dma_wait3A_190 : memref<10112x128xf32, #tpu.memory_space<vmem_shared>>)
    %dma_wait3A_191 = arith.constant 0 : i32
    %dma_wait3A_192 = arith.constant 1 : i32
    %dma_wait3A_193 = arith.constant 0 : i32
    %dma_wait3A_194 = tpu.memref_slice %arg9[%dma_wait3A_191, %dma_wait3A_192, %dma_wait3A_193] : memref<4x2x128xi32, #tpu.memory_space<vmem>> -> memref<1x1x128xi32, #tpu.memory_space<vmem>>
    %dma_wait3A_195 = tpu.memref_squeeze %dma_wait3A_194 : memref<1x1x128xi32, #tpu.memory_space<vmem>> -> memref<128xi32, #tpu.memory_space<vmem>>
    %dma_wait3A_196 = arith.constant 0 : i32
    %dma_wait3A_197 = tpu.memref_slice %arg15[%dma_wait3A_196] : memref<10112xf32, #tpu.memory_space<vmem_shared>> -> memref<10112xf32, #tpu.memory_space<vmem_shared>>
    tpu.wait_indirect_dma semaphore(%arg21 : memref<!tpu.dma_semaphore, #tpu.memory_space<semaphore_mem>>) src(%arg12 : memref<128xf32, #tpu.memory_space<vmem>>) dst(%dma_wait3A_197 : memref<10112xf32, #tpu.memory_space<vmem_shared>>)
    %dma_wait3A_198 = arith.constant 0 : i32
    %dma_wait3A_199 = arith.constant 1 : i32
    %dma_wait3A_200 = arith.constant 0 : i32
    %dma_wait3A_201 = arith.constant 0 : i32
    %dma_wait3A_202 = tpu.memref_slice %arg9[%dma_wait3A_199, %dma_wait3A_200, %dma_wait3A_201] : memref<4x2x128xi32, #tpu.memory_space<vmem>> -> memref<1x2x128xi32, #tpu.memory_space<vmem>>
    %dma_wait3A_203 = tpu.memref_squeeze %dma_wait3A_202 : memref<1x2x128xi32, #tpu.memory_space<vmem>> -> memref<2x128xi32, #tpu.memory_space<vmem>>
    %dma_wait3A_204 = arith.constant 0 : i32
    %dma_wait3A_205 = arith.constant 0 : i32
    %dma_wait3A_206 = tpu.memref_slice %arg3[%add3A, %dma_wait3A_198, %dma_wait3A_204, %dma_wait3A_205] : memref<32x80x2x128xi32, #tpu.memory_space<hbm>> -> memref<1x1x2x128xi32, #tpu.memory_space<hbm>>
    %dma_wait3A_207 = tpu.memref_squeeze %dma_wait3A_206 : memref<1x1x2x128xi32, #tpu.memory_space<hbm>> -> memref<2x128xi32, #tpu.memory_space<hbm>>
    %dma_wait3A_208 = arith.constant 0 : i32
    %dma_wait3A_209 = arith.constant 0 : i32
    %dma_wait3A_210 = tpu.memref_slice %arg9[%dma_wait3A_199, %dma_wait3A_208, %dma_wait3A_209] : memref<4x2x128xi32, #tpu.memory_space<vmem>> -> memref<1x2x128xi32, #tpu.memory_space<vmem>>
    %dma_wait3A_211 = tpu.memref_squeeze %dma_wait3A_210 : memref<1x2x128xi32, #tpu.memory_space<vmem>> -> memref<2x128xi32, #tpu.memory_space<vmem>>
    %dma_wait3A_212 = arith.constant 0 : i32
    %dma_wait3A_213 = arith.constant 0 : i32
    %dma_wait3A_214 = tpu.memref_slice %arg3[%add3A, %dma_wait3A_198, %dma_wait3A_212, %dma_wait3A_213] : memref<32x80x2x128xi32, #tpu.memory_space<hbm>> -> memref<1x1x2x128xi32, #tpu.memory_space<hbm>>
    %dma_wait3A_215 = tpu.memref_squeeze %dma_wait3A_214 : memref<1x1x2x128xi32, #tpu.memory_space<hbm>> -> memref<2x128xi32, #tpu.memory_space<hbm>>
    tpu.wait_dma2 semaphore(%arg23 : memref<!tpu.dma_semaphore, #tpu.memory_space<semaphore_mem>>) src(%dma_wait3A_215 : memref<2x128xi32, #tpu.memory_space<hbm>>) dst(%dma_wait3A_211 : memref<2x128xi32, #tpu.memory_space<vmem>>)
    %dma_wait3A_216 = arith.constant 0 : i32
    %dma_wait3A_217 = arith.constant 2 : i32
    %dma_wait3A_218 = arith.constant 0 : i32
    %dma_wait3A_219 = arith.constant 0 : i32
    %dma_wait3A_220 = tpu.memref_slice %arg9[%dma_wait3A_217, %dma_wait3A_218, %dma_wait3A_219] : memref<4x2x128xi32, #tpu.memory_space<vmem>> -> memref<1x2x128xi32, #tpu.memory_space<vmem>>
    %dma_wait3A_221 = tpu.memref_squeeze %dma_wait3A_220 : memref<1x2x128xi32, #tpu.memory_space<vmem>> -> memref<2x128xi32, #tpu.memory_space<vmem>>
    %dma_wait3A_222 = arith.constant 0 : i32
    %dma_wait3A_223 = arith.constant 0 : i32
    %dma_wait3A_224 = tpu.memref_slice %arg3[%add3A, %dma_wait3A_216, %dma_wait3A_222, %dma_wait3A_223] : memref<32x80x2x128xi32, #tpu.memory_space<hbm>> -> memref<1x1x2x128xi32, #tpu.memory_space<hbm>>
    %dma_wait3A_225 = tpu.memref_squeeze %dma_wait3A_224 : memref<1x1x2x128xi32, #tpu.memory_space<hbm>> -> memref<2x128xi32, #tpu.memory_space<hbm>>
    %dma_wait3A_226 = arith.constant 0 : i32
    %dma_wait3A_227 = arith.constant 0 : i32
    %dma_wait3A_228 = tpu.memref_slice %arg9[%dma_wait3A_217, %dma_wait3A_226, %dma_wait3A_227] : memref<4x2x128xi32, #tpu.memory_space<vmem>> -> memref<1x2x128xi32, #tpu.memory_space<vmem>>
    %dma_wait3A_229 = tpu.memref_squeeze %dma_wait3A_228 : memref<1x2x128xi32, #tpu.memory_space<vmem>> -> memref<2x128xi32, #tpu.memory_space<vmem>>
    %dma_wait3A_230 = arith.constant 0 : i32
    %dma_wait3A_231 = arith.constant 0 : i32
    %dma_wait3A_232 = tpu.memref_slice %arg3[%add3A, %dma_wait3A_216, %dma_wait3A_230, %dma_wait3A_231] : memref<32x80x2x128xi32, #tpu.memory_space<hbm>> -> memref<1x1x2x128xi32, #tpu.memory_space<hbm>>
    %dma_wait3A_233 = tpu.memref_squeeze %dma_wait3A_232 : memref<1x1x2x128xi32, #tpu.memory_space<hbm>> -> memref<2x128xi32, #tpu.memory_space<hbm>>
    tpu.wait_dma2 semaphore(%arg24 : memref<!tpu.dma_semaphore, #tpu.memory_space<semaphore_mem>>) src(%dma_wait3A_233 : memref<2x128xi32, #tpu.memory_space<hbm>>) dst(%dma_wait3A_229 : memref<2x128xi32, #tpu.memory_space<vmem>>)
    %barrier3A_234 = arith.constant 0 : index
    tpu.barrier barrier_id(%barrier3A_234)
    %add3A_235 = arith.constant 0 : i32
    %add3A_236 = arith.addi %multiple_of3A, %add3A_235 : i32
    %dma_start3A_237 = arith.constant 0 : i32
    %dma_start3A_238 = arith.constant 0 : i32
    %dma_start3A_239 = tpu.memref_slice %arg10[%dma_start3A_237, %dma_start3A_238] : memref<128x128xf32, #tpu.memory_space<vmem>> -> memref<128x128xf32, #tpu.memory_space<vmem>>
    %dma_start3A_240 = arith.constant 0 : i32
    %dma_start3A_241 = tpu.memref_slice %arg14[%add3A_236, %dma_start3A_240] : memref<10112x128xf32, #tpu.memory_space<vmem_shared>> -> memref<128x128xf32, #tpu.memory_space<vmem_shared>>
    %dma_start3A_242 = arith.constant 0 : i32
    %dma_start3A_243 = arith.constant 0 : i32
    %dma_start3A_244 = tpu.memref_slice %arg10[%dma_start3A_242, %dma_start3A_243] : memref<128x128xf32, #tpu.memory_space<vmem>> -> memref<128x128xf32, #tpu.memory_space<vmem>>
    %dma_start3A_245 = arith.constant 0 : i32
    %dma_start3A_246 = tpu.memref_slice %arg14[%add3A_236, %dma_start3A_245] : memref<10112x128xf32, #tpu.memory_space<vmem_shared>> -> memref<128x128xf32, #tpu.memory_space<vmem_shared>>
    tpu.enqueue_dma source(%dma_start3A_246 : memref<128x128xf32, #tpu.memory_space<vmem_shared>>) target(%dma_start3A_244 : memref<128x128xf32, #tpu.memory_space<vmem>>) target_semaphore(%arg16 : memref<!tpu.dma_semaphore, #tpu.memory_space<semaphore_mem>>)
    %add3A_247 = arith.constant 128 : i32
    %add3A_248 = arith.addi %multiple_of3A, %add3A_247 : i32
    %dma_start3A_249 = arith.constant 0 : i32
    %dma_start3A_250 = arith.constant 0 : i32
    %dma_start3A_251 = tpu.memref_slice %arg11[%dma_start3A_249, %dma_start3A_250] : memref<128x128xf32, #tpu.memory_space<vmem>> -> memref<128x128xf32, #tpu.memory_space<vmem>>
    %dma_start3A_252 = arith.constant 0 : i32
    %dma_start3A_253 = tpu.memref_slice %arg14[%add3A_248, %dma_start3A_252] : memref<10112x128xf32, #tpu.memory_space<vmem_shared>> -> memref<128x128xf32, #tpu.memory_space<vmem_shared>>
    %dma_start3A_254 = arith.constant 0 : i32
    %dma_start3A_255 = arith.constant 0 : i32
    %dma_start3A_256 = tpu.memref_slice %arg11[%dma_start3A_254, %dma_start3A_255] : memref<128x128xf32, #tpu.memory_space<vmem>> -> memref<128x128xf32, #tpu.memory_space<vmem>>
    %dma_start3A_257 = arith.constant 0 : i32
    %dma_start3A_258 = tpu.memref_slice %arg14[%add3A_248, %dma_start3A_257] : memref<10112x128xf32, #tpu.memory_space<vmem_shared>> -> memref<128x128xf32, #tpu.memory_space<vmem_shared>>
    tpu.enqueue_dma source(%dma_start3A_258 : memref<128x128xf32, #tpu.memory_space<vmem_shared>>) target(%dma_start3A_256 : memref<128x128xf32, #tpu.memory_space<vmem>>) target_semaphore(%arg17 : memref<!tpu.dma_semaphore, #tpu.memory_space<semaphore_mem>>)
    %add3A_259 = arith.constant 0 : i32
    %add3A_260 = arith.addi %multiple_of3A, %add3A_259 : i32
    %dma_wait3A_261 = arith.constant 0 : i32
    %dma_wait3A_262 = arith.constant 0 : i32
    %dma_wait3A_263 = tpu.memref_slice %arg10[%dma_wait3A_261, %dma_wait3A_262] : memref<128x128xf32, #tpu.memory_space<vmem>> -> memref<128x128xf32, #tpu.memory_space<vmem>>
    %dma_wait3A_264 = arith.constant 0 : i32
    %dma_wait3A_265 = tpu.memref_slice %arg14[%add3A_260, %dma_wait3A_264] : memref<10112x128xf32, #tpu.memory_space<vmem_shared>> -> memref<128x128xf32, #tpu.memory_space<vmem_shared>>
    %dma_wait3A_266 = arith.constant 0 : i32
    %dma_wait3A_267 = arith.constant 0 : i32
    %dma_wait3A_268 = tpu.memref_slice %arg10[%dma_wait3A_266, %dma_wait3A_267] : memref<128x128xf32, #tpu.memory_space<vmem>> -> memref<128x128xf32, #tpu.memory_space<vmem>>
    %dma_wait3A_269 = arith.constant 0 : i32
    %dma_wait3A_270 = tpu.memref_slice %arg14[%add3A_260, %dma_wait3A_269] : memref<10112x128xf32, #tpu.memory_space<vmem_shared>> -> memref<128x128xf32, #tpu.memory_space<vmem_shared>>
    tpu.wait_dma2 semaphore(%arg16 : memref<!tpu.dma_semaphore, #tpu.memory_space<semaphore_mem>>) src(%dma_wait3A_270 : memref<128x128xf32, #tpu.memory_space<vmem_shared>>) dst(%dma_wait3A_268 : memref<128x128xf32, #tpu.memory_space<vmem>>)
    %add3A_271 = arith.constant 0 : i32
    %add3A_272 = arith.addi %multiple_of3A, %add3A_271 : i32
    %dma_start3A_273 = arith.constant 0 : i32
    %dma_start3A_274 = arith.constant 0 : i32
    %dma_start3A_275 = tpu.memref_slice %arg10[%dma_start3A_273, %dma_start3A_274] : memref<128x128xf32, #tpu.memory_space<vmem>> -> memref<128x128xf32, #tpu.memory_space<vmem>>
    %dma_start3A_276 = arith.constant 0 : i32
    %dma_start3A_277 = tpu.memref_slice %arg7[%arg0, %add3A_272, %dma_start3A_276] : memref<2x10112x128xf32, #tpu.memory_space<hbm>> -> memref<1x128x128xf32, #tpu.memory_space<hbm>>
    %dma_start3A_278 = tpu.memref_squeeze %dma_start3A_277 : memref<1x128x128xf32, #tpu.memory_space<hbm>> -> memref<128x128xf32, #tpu.memory_space<hbm>>
    %dma_start3A_279 = arith.constant 0 : i32
    %dma_start3A_280 = tpu.memref_slice %arg7[%arg0, %add3A_272, %dma_start3A_279] : memref<2x10112x128xf32, #tpu.memory_space<hbm>> -> memref<1x128x128xf32, #tpu.memory_space<hbm>>
    %dma_start3A_281 = tpu.memref_squeeze %dma_start3A_280 : memref<1x128x128xf32, #tpu.memory_space<hbm>> -> memref<128x128xf32, #tpu.memory_space<hbm>>
    %dma_start3A_282 = arith.constant 0 : i32
    %dma_start3A_283 = arith.constant 0 : i32
    %dma_start3A_284 = tpu.memref_slice %arg10[%dma_start3A_282, %dma_start3A_283] : memref<128x128xf32, #tpu.memory_space<vmem>> -> memref<128x128xf32, #tpu.memory_space<vmem>>
    tpu.enqueue_dma source(%dma_start3A_284 : memref<128x128xf32, #tpu.memory_space<vmem>>) target(%dma_start3A_281 : memref<128x128xf32, #tpu.memory_space<hbm>>) target_semaphore(%arg16 : memref<!tpu.dma_semaphore, #tpu.memory_space<semaphore_mem>>)
    %add3A_285 = arith.constant 128 : i32
    %add3A_286 = arith.addi %multiple_of3A, %add3A_285 : i32
    %dma_wait3A_287 = arith.constant 0 : i32
    %dma_wait3A_288 = arith.constant 0 : i32
    %dma_wait3A_289 = tpu.memref_slice %arg11[%dma_wait3A_287, %dma_wait3A_288] : memref<128x128xf32, #tpu.memory_space<vmem>> -> memref<128x128xf32, #tpu.memory_space<vmem>>
    %dma_wait3A_290 = arith.constant 0 : i32
    %dma_wait3A_291 = tpu.memref_slice %arg14[%add3A_286, %dma_wait3A_290] : memref<10112x128xf32, #tpu.memory_space<vmem_shared>> -> memref<128x128xf32, #tpu.memory_space<vmem_shared>>
    %dma_wait3A_292 = arith.constant 0 : i32
    %dma_wait3A_293 = arith.constant 0 : i32
    %dma_wait3A_294 = tpu.memref_slice %arg11[%dma_wait3A_292, %dma_wait3A_293] : memref<128x128xf32, #tpu.memory_space<vmem>> -> memref<128x128xf32, #tpu.memory_space<vmem>>
    %dma_wait3A_295 = arith.constant 0 : i32
    %dma_wait3A_296 = tpu.memref_slice %arg14[%add3A_286, %dma_wait3A_295] : memref<10112x128xf32, #tpu.memory_space<vmem_shared>> -> memref<128x128xf32, #tpu.memory_space<vmem_shared>>
    tpu.wait_dma2 semaphore(%arg17 : memref<!tpu.dma_semaphore, #tpu.memory_space<semaphore_mem>>) src(%dma_wait3A_296 : memref<128x128xf32, #tpu.memory_space<vmem_shared>>) dst(%dma_wait3A_294 : memref<128x128xf32, #tpu.memory_space<vmem>>)
    %add3A_297 = arith.constant 128 : i32
    %add3A_298 = arith.addi %multiple_of3A, %add3A_297 : i32
    %dma_start3A_299 = arith.constant 0 : i32
    %dma_start3A_300 = arith.constant 0 : i32
    %dma_start3A_301 = tpu.memref_slice %arg11[%dma_start3A_299, %dma_start3A_300] : memref<128x128xf32, #tpu.memory_space<vmem>> -> memref<128x128xf32, #tpu.memory_space<vmem>>
    %dma_start3A_302 = arith.constant 0 : i32
    %dma_start3A_303 = tpu.memref_slice %arg7[%arg0, %add3A_298, %dma_start3A_302] : memref<2x10112x128xf32, #tpu.memory_space<hbm>> -> memref<1x128x128xf32, #tpu.memory_space<hbm>>
    %dma_start3A_304 = tpu.memref_squeeze %dma_start3A_303 : memref<1x128x128xf32, #tpu.memory_space<hbm>> -> memref<128x128xf32, #tpu.memory_space<hbm>>
    %dma_start3A_305 = arith.constant 0 : i32
    %dma_start3A_306 = tpu.memref_slice %arg7[%arg0, %add3A_298, %dma_start3A_305] : memref<2x10112x128xf32, #tpu.memory_space<hbm>> -> memref<1x128x128xf32, #tpu.memory_space<hbm>>
    %dma_start3A_307 = tpu.memref_squeeze %dma_start3A_306 : memref<1x128x128xf32, #tpu.memory_space<hbm>> -> memref<128x128xf32, #tpu.memory_space<hbm>>
    %dma_start3A_308 = arith.constant 0 : i32
    %dma_start3A_309 = arith.constant 0 : i32
    %dma_start3A_310 = tpu.memref_slice %arg11[%dma_start3A_308, %dma_start3A_309] : memref<128x128xf32, #tpu.memory_space<vmem>> -> memref<128x128xf32, #tpu.memory_space<vmem>>
    tpu.enqueue_dma source(%dma_start3A_310 : memref<128x128xf32, #tpu.memory_space<vmem>>) target(%dma_start3A_307 : memref<128x128xf32, #tpu.memory_space<hbm>>) target_semaphore(%arg17 : memref<!tpu.dma_semaphore, #tpu.memory_space<semaphore_mem>>)
    %add3A_311 = arith.constant 0 : i32
    %add3A_312 = arith.addi %multiple_of3A, %add3A_311 : i32
    %dma_wait3A_313 = arith.constant 0 : i32
    %dma_wait3A_314 = arith.constant 0 : i32
    %dma_wait3A_315 = tpu.memref_slice %arg10[%dma_wait3A_313, %dma_wait3A_314] : memref<128x128xf32, #tpu.memory_space<vmem>> -> memref<128x128xf32, #tpu.memory_space<vmem>>
    %dma_wait3A_316 = arith.constant 0 : i32
    %dma_wait3A_317 = tpu.memref_slice %arg7[%arg0, %add3A_312, %dma_wait3A_316] : memref<2x10112x128xf32, #tpu.memory_space<hbm>> -> memref<1x128x128xf32, #tpu.memory_space<hbm>>
    %dma_wait3A_318 = tpu.memref_squeeze %dma_wait3A_317 : memref<1x128x128xf32, #tpu.memory_space<hbm>> -> memref<128x128xf32, #tpu.memory_space<hbm>>
    %dma_wait3A_319 = arith.constant 0 : i32
    %dma_wait3A_320 = tpu.memref_slice %arg7[%arg0, %add3A_312, %dma_wait3A_319] : memref<2x10112x128xf32, #tpu.memory_space<hbm>> -> memref<1x128x128xf32, #tpu.memory_space<hbm>>
    %dma_wait3A_321 = tpu.memref_squeeze %dma_wait3A_320 : memref<1x128x128xf32, #tpu.memory_space<hbm>> -> memref<128x128xf32, #tpu.memory_space<hbm>>
    %dma_wait3A_322 = arith.constant 0 : i32
    %dma_wait3A_323 = arith.constant 0 : i32
    %dma_wait3A_324 = tpu.memref_slice %arg10[%dma_wait3A_322, %dma_wait3A_323] : memref<128x128xf32, #tpu.memory_space<vmem>> -> memref<128x128xf32, #tpu.memory_space<vmem>>
    tpu.wait_dma2 semaphore(%arg16 : memref<!tpu.dma_semaphore, #tpu.memory_space<semaphore_mem>>) src(%dma_wait3A_324 : memref<128x128xf32, #tpu.memory_space<vmem>>) dst(%dma_wait3A_321 : memref<128x128xf32, #tpu.memory_space<hbm>>)
    %add3A_325 = arith.constant 256 : i32
    %add3A_326 = arith.addi %multiple_of3A, %add3A_325 : i32
    %dma_start3A_327 = arith.constant 0 : i32
    %dma_start3A_328 = arith.constant 0 : i32
    %dma_start3A_329 = tpu.memref_slice %arg10[%dma_start3A_327, %dma_start3A_328] : memref<128x128xf32, #tpu.memory_space<vmem>> -> memref<128x128xf32, #tpu.memory_space<vmem>>
    %dma_start3A_330 = arith.constant 0 : i32
    %dma_start3A_331 = tpu.memref_slice %arg14[%add3A_326, %dma_start3A_330] : memref<10112x128xf32, #tpu.memory_space<vmem_shared>> -> memref<128x128xf32, #tpu.memory_space<vmem_shared>>
    %dma_start3A_332 = arith.constant 0 : i32
    %dma_start3A_333 = arith.constant 0 : i32
    %dma_start3A_334 = tpu.memref_slice %arg10[%dma_start3A_332, %dma_start3A_333] : memref<128x128xf32, #tpu.memory_space<vmem>> -> memref<128x128xf32, #tpu.memory_space<vmem>>
    %dma_start3A_335 = arith.constant 0 : i32
    %dma_start3A_336 = tpu.memref_slice %arg14[%add3A_326, %dma_start3A_335] : memref<10112x128xf32, #tpu.memory_space<vmem_shared>> -> memref<128x128xf32, #tpu.memory_space<vmem_shared>>
    tpu.enqueue_dma source(%dma_start3A_336 : memref<128x128xf32, #tpu.memory_space<vmem_shared>>) target(%dma_start3A_334 : memref<128x128xf32, #tpu.memory_space<vmem>>) target_semaphore(%arg16 : memref<!tpu.dma_semaphore, #tpu.memory_space<semaphore_mem>>)
    %add3A_337 = arith.constant 256 : i32
    %add3A_338 = arith.addi %multiple_of3A, %add3A_337 : i32
    %dma_wait3A_339 = arith.constant 0 : i32
    %dma_wait3A_340 = arith.constant 0 : i32
    %dma_wait3A_341 = tpu.memref_slice %arg10[%dma_wait3A_339, %dma_wait3A_340] : memref<128x128xf32, #tpu.memory_space<vmem>> -> memref<128x128xf32, #tpu.memory_space<vmem>>
    %dma_wait3A_342 = arith.constant 0 : i32
    %dma_wait3A_343 = tpu.memref_slice %arg14[%add3A_338, %dma_wait3A_342] : memref<10112x128xf32, #tpu.memory_space<vmem_shared>> -> memref<128x128xf32, #tpu.memory_space<vmem_shared>>
    %dma_wait3A_344 = arith.constant 0 : i32
    %dma_wait3A_345 = arith.constant 0 : i32
    %dma_wait3A_346 = tpu.memref_slice %arg10[%dma_wait3A_344, %dma_wait3A_345] : memref<128x128xf32, #tpu.memory_space<vmem>> -> memref<128x128xf32, #tpu.memory_space<vmem>>
    %dma_wait3A_347 = arith.constant 0 : i32
    %dma_wait3A_348 = tpu.memref_slice %arg14[%add3A_338, %dma_wait3A_347] : memref<10112x128xf32, #tpu.memory_space<vmem_shared>> -> memref<128x128xf32, #tpu.memory_space<vmem_shared>>
    tpu.wait_dma2 semaphore(%arg16 : memref<!tpu.dma_semaphore, #tpu.memory_space<semaphore_mem>>) src(%dma_wait3A_348 : memref<128x128xf32, #tpu.memory_space<vmem_shared>>) dst(%dma_wait3A_346 : memref<128x128xf32, #tpu.memory_space<vmem>>)
    %add3A_349 = arith.constant 256 : i32
    %add3A_350 = arith.addi %multiple_of3A, %add3A_349 : i32
    %dma_start3A_351 = arith.constant 0 : i32
    %dma_start3A_352 = arith.constant 0 : i32
    %dma_start3A_353 = tpu.memref_slice %arg10[%dma_start3A_351, %dma_start3A_352] : memref<128x128xf32, #tpu.memory_space<vmem>> -> memref<128x128xf32, #tpu.memory_space<vmem>>
    %dma_start3A_354 = arith.constant 0 : i32
    %dma_start3A_355 = tpu.memref_slice %arg7[%arg0, %add3A_350, %dma_start3A_354] : memref<2x10112x128xf32, #tpu.memory_space<hbm>> -> memref<1x128x128xf32, #tpu.memory_space<hbm>>
    %dma_start3A_356 = tpu.memref_squeeze %dma_start3A_355 : memref<1x128x128xf32, #tpu.memory_space<hbm>> -> memref<128x128xf32, #tpu.memory_space<hbm>>
    %dma_start3A_357 = arith.constant 0 : i32
    %dma_start3A_358 = tpu.memref_slice %arg7[%arg0, %add3A_350, %dma_start3A_357] : memref<2x10112x128xf32, #tpu.memory_space<hbm>> -> memref<1x128x128xf32, #tpu.memory_space<hbm>>
    %dma_start3A_359 = tpu.memref_squeeze %dma_start3A_358 : memref<1x128x128xf32, #tpu.memory_space<hbm>> -> memref<128x128xf32, #tpu.memory_space<hbm>>
    %dma_start3A_360 = arith.constant 0 : i32
    %dma_start3A_361 = arith.constant 0 : i32
    %dma_start3A_362 = tpu.memref_slice %arg10[%dma_start3A_360, %dma_start3A_361] : memref<128x128xf32, #tpu.memory_space<vmem>> -> memref<128x128xf32, #tpu.memory_space<vmem>>
    tpu.enqueue_dma source(%dma_start3A_362 : memref<128x128xf32, #tpu.memory_space<vmem>>) target(%dma_start3A_359 : memref<128x128xf32, #tpu.memory_space<hbm>>) target_semaphore(%arg16 : memref<!tpu.dma_semaphore, #tpu.memory_space<semaphore_mem>>)
    %add3A_363 = arith.constant 128 : i32
    %add3A_364 = arith.addi %multiple_of3A, %add3A_363 : i32
    %dma_wait3A_365 = arith.constant 0 : i32
    %dma_wait3A_366 = arith.constant 0 : i32
    %dma_wait3A_367 = tpu.memref_slice %arg11[%dma_wait3A_365, %dma_wait3A_366] : memref<128x128xf32, #tpu.memory_space<vmem>> -> memref<128x128xf32, #tpu.memory_space<vmem>>
    %dma_wait3A_368 = arith.constant 0 : i32
    %dma_wait3A_369 = tpu.memref_slice %arg7[%arg0, %add3A_364, %dma_wait3A_368] : memref<2x10112x128xf32, #tpu.memory_space<hbm>> -> memref<1x128x128xf32, #tpu.memory_space<hbm>>
    %dma_wait3A_370 = tpu.memref_squeeze %dma_wait3A_369 : memref<1x128x128xf32, #tpu.memory_space<hbm>> -> memref<128x128xf32, #tpu.memory_space<hbm>>
    %dma_wait3A_371 = arith.constant 0 : i32
    %dma_wait3A_372 = tpu.memref_slice %arg7[%arg0, %add3A_364, %dma_wait3A_371] : memref<2x10112x128xf32, #tpu.memory_space<hbm>> -> memref<1x128x128xf32, #tpu.memory_space<hbm>>
    %dma_wait3A_373 = tpu.memref_squeeze %dma_wait3A_372 : memref<1x128x128xf32, #tpu.memory_space<hbm>> -> memref<128x128xf32, #tpu.memory_space<hbm>>
    %dma_wait3A_374 = arith.constant 0 : i32
    %dma_wait3A_375 = arith.constant 0 : i32
    %dma_wait3A_376 = tpu.memref_slice %arg11[%dma_wait3A_374, %dma_wait3A_375] : memref<128x128xf32, #tpu.memory_space<vmem>> -> memref<128x128xf32, #tpu.memory_space<vmem>>
    tpu.wait_dma2 semaphore(%arg17 : memref<!tpu.dma_semaphore, #tpu.memory_space<semaphore_mem>>) src(%dma_wait3A_376 : memref<128x128xf32, #tpu.memory_space<vmem>>) dst(%dma_wait3A_373 : memref<128x128xf32, #tpu.memory_space<hbm>>)
    %add3A_377 = arith.constant 384 : i32
    %add3A_378 = arith.addi %multiple_of3A, %add3A_377 : i32
    %dma_start3A_379 = arith.constant 0 : i32
    %dma_start3A_380 = arith.constant 0 : i32
    %dma_start3A_381 = tpu.memref_slice %arg11[%dma_start3A_379, %dma_start3A_380] : memref<128x128xf32, #tpu.memory_space<vmem>> -> memref<128x128xf32, #tpu.memory_space<vmem>>
    %dma_start3A_382 = arith.constant 0 : i32
    %dma_start3A_383 = tpu.memref_slice %arg14[%add3A_378, %dma_start3A_382] : memref<10112x128xf32, #tpu.memory_space<vmem_shared>> -> memref<128x128xf32, #tpu.memory_space<vmem_shared>>
    %dma_start3A_384 = arith.constant 0 : i32
    %dma_start3A_385 = arith.constant 0 : i32
    %dma_start3A_386 = tpu.memref_slice %arg11[%dma_start3A_384, %dma_start3A_385] : memref<128x128xf32, #tpu.memory_space<vmem>> -> memref<128x128xf32, #tpu.memory_space<vmem>>
    %dma_start3A_387 = arith.constant 0 : i32
    %dma_start3A_388 = tpu.memref_slice %arg14[%add3A_378, %dma_start3A_387] : memref<10112x128xf32, #tpu.memory_space<vmem_shared>> -> memref<128x128xf32, #tpu.memory_space<vmem_shared>>
    tpu.enqueue_dma source(%dma_start3A_388 : memref<128x128xf32, #tpu.memory_space<vmem_shared>>) target(%dma_start3A_386 : memref<128x128xf32, #tpu.memory_space<vmem>>) target_semaphore(%arg17 : memref<!tpu.dma_semaphore, #tpu.memory_space<semaphore_mem>>)
    %add3A_389 = arith.constant 384 : i32
    %add3A_390 = arith.addi %multiple_of3A, %add3A_389 : i32
    %dma_wait3A_391 = arith.constant 0 : i32
    %dma_wait3A_392 = arith.constant 0 : i32
    %dma_wait3A_393 = tpu.memref_slice %arg11[%dma_wait3A_391, %dma_wait3A_392] : memref<128x128xf32, #tpu.memory_space<vmem>> -> memref<128x128xf32, #tpu.memory_space<vmem>>
    %dma_wait3A_394 = arith.constant 0 : i32
    %dma_wait3A_395 = tpu.memref_slice %arg14[%add3A_390, %dma_wait3A_394] : memref<10112x128xf32, #tpu.memory_space<vmem_shared>> -> memref<128x128xf32, #tpu.memory_space<vmem_shared>>
    %dma_wait3A_396 = arith.constant 0 : i32
    %dma_wait3A_397 = arith.constant 0 : i32
    %dma_wait3A_398 = tpu.memref_slice %arg11[%dma_wait3A_396, %dma_wait3A_397] : memref<128x128xf32, #tpu.memory_space<vmem>> -> memref<128x128xf32, #tpu.memory_space<vmem>>
    %dma_wait3A_399 = arith.constant 0 : i32
    %dma_wait3A_400 = tpu.memref_slice %arg14[%add3A_390, %dma_wait3A_399] : memref<10112x128xf32, #tpu.memory_space<vmem_shared>> -> memref<128x128xf32, #tpu.memory_space<vmem_shared>>
    tpu.wait_dma2 semaphore(%arg17 : memref<!tpu.dma_semaphore, #tpu.memory_space<semaphore_mem>>) src(%dma_wait3A_400 : memref<128x128xf32, #tpu.memory_space<vmem_shared>>) dst(%dma_wait3A_398 : memref<128x128xf32, #tpu.memory_space<vmem>>)
    %add3A_401 = arith.constant 384 : i32
    %add3A_402 = arith.addi %multiple_of3A, %add3A_401 : i32
    %dma_start3A_403 = arith.constant 0 : i32
    %dma_start3A_404 = arith.constant 0 : i32
    %dma_start3A_405 = tpu.memref_slice %arg11[%dma_start3A_403, %dma_start3A_404] : memref<128x128xf32, #tpu.memory_space<vmem>> -> memref<128x128xf32, #tpu.memory_space<vmem>>
    %dma_start3A_406 = arith.constant 0 : i32
    %dma_start3A_407 = tpu.memref_slice %arg7[%arg0, %add3A_402, %dma_start3A_406] : memref<2x10112x128xf32, #tpu.memory_space<hbm>> -> memref<1x128x128xf32, #tpu.memory_space<hbm>>
    %dma_start3A_408 = tpu.memref_squeeze %dma_start3A_407 : memref<1x128x128xf32, #tpu.memory_space<hbm>> -> memref<128x128xf32, #tpu.memory_space<hbm>>
    %dma_start3A_409 = arith.constant 0 : i32
    %dma_start3A_410 = tpu.memref_slice %arg7[%arg0, %add3A_402, %dma_start3A_409] : memref<2x10112x128xf32, #tpu.memory_space<hbm>> -> memref<1x128x128xf32, #tpu.memory_space<hbm>>
    %dma_start3A_411 = tpu.memref_squeeze %dma_start3A_410 : memref<1x128x128xf32, #tpu.memory_space<hbm>> -> memref<128x128xf32, #tpu.memory_space<hbm>>
    %dma_start3A_412 = arith.constant 0 : i32
    %dma_start3A_413 = arith.constant 0 : i32
    %dma_start3A_414 = tpu.memref_slice %arg11[%dma_start3A_412, %dma_start3A_413] : memref<128x128xf32, #tpu.memory_space<vmem>> -> memref<128x128xf32, #tpu.memory_space<vmem>>
    tpu.enqueue_dma source(%dma_start3A_414 : memref<128x128xf32, #tpu.memory_space<vmem>>) target(%dma_start3A_411 : memref<128x128xf32, #tpu.memory_space<hbm>>) target_semaphore(%arg17 : memref<!tpu.dma_semaphore, #tpu.memory_space<semaphore_mem>>)
    %add3A_415 = arith.constant 256 : i32
    %add3A_416 = arith.addi %multiple_of3A, %add3A_415 : i32
    %dma_wait3A_417 = arith.constant 0 : i32
    %dma_wait3A_418 = arith.constant 0 : i32
    %dma_wait3A_419 = tpu.memref_slice %arg10[%dma_wait3A_417, %dma_wait3A_418] : memref<128x128xf32, #tpu.memory_space<vmem>> -> memref<128x128xf32, #tpu.memory_space<vmem>>
    %dma_wait3A_420 = arith.constant 0 : i32
    %dma_wait3A_421 = tpu.memref_slice %arg7[%arg0, %add3A_416, %dma_wait3A_420] : memref<2x10112x128xf32, #tpu.memory_space<hbm>> -> memref<1x128x128xf32, #tpu.memory_space<hbm>>
    %dma_wait3A_422 = tpu.memref_squeeze %dma_wait3A_421 : memref<1x128x128xf32, #tpu.memory_space<hbm>> -> memref<128x128xf32, #tpu.memory_space<hbm>>
    %dma_wait3A_423 = arith.constant 0 : i32
    %dma_wait3A_424 = tpu.memref_slice %arg7[%arg0, %add3A_416, %dma_wait3A_423] : memref<2x10112x128xf32, #tpu.memory_space<hbm>> -> memref<1x128x128xf32, #tpu.memory_space<hbm>>
    %dma_wait3A_425 = tpu.memref_squeeze %dma_wait3A_424 : memref<1x128x128xf32, #tpu.memory_space<hbm>> -> memref<128x128xf32, #tpu.memory_space<hbm>>
    %dma_wait3A_426 = arith.constant 0 : i32
    %dma_wait3A_427 = arith.constant 0 : i32
    %dma_wait3A_428 = tpu.memref_slice %arg10[%dma_wait3A_426, %dma_wait3A_427] : memref<128x128xf32, #tpu.memory_space<vmem>> -> memref<128x128xf32, #tpu.memory_space<vmem>>
    tpu.wait_dma2 semaphore(%arg16 : memref<!tpu.dma_semaphore, #tpu.memory_space<semaphore_mem>>) src(%dma_wait3A_428 : memref<128x128xf32, #tpu.memory_space<vmem>>) dst(%dma_wait3A_425 : memref<128x128xf32, #tpu.memory_space<hbm>>)
    %add3A_429 = arith.constant 512 : i32
    %add3A_430 = arith.addi %multiple_of3A, %add3A_429 : i32
    %dma_start3A_431 = arith.constant 0 : i32
    %dma_start3A_432 = arith.constant 0 : i32
    %dma_start3A_433 = tpu.memref_slice %arg10[%dma_start3A_431, %dma_start3A_432] : memref<128x128xf32, #tpu.memory_space<vmem>> -> memref<120x128xf32, #tpu.memory_space<vmem>>
    %dma_start3A_434 = arith.constant 0 : i32
    %dma_start3A_435 = tpu.memref_slice %arg14[%add3A_430, %dma_start3A_434] : memref<10112x128xf32, #tpu.memory_space<vmem_shared>> -> memref<120x128xf32, #tpu.memory_space<vmem_shared>>
    %dma_start3A_436 = arith.constant 0 : i32
    %dma_start3A_437 = arith.constant 0 : i32
    %dma_start3A_438 = tpu.memref_slice %arg10[%dma_start3A_436, %dma_start3A_437] : memref<128x128xf32, #tpu.memory_space<vmem>> -> memref<120x128xf32, #tpu.memory_space<vmem>>
    %dma_start3A_439 = arith.constant 0 : i32
    %dma_start3A_440 = tpu.memref_slice %arg14[%add3A_430, %dma_start3A_439] : memref<10112x128xf32, #tpu.memory_space<vmem_shared>> -> memref<120x128xf32, #tpu.memory_space<vmem_shared>>
    tpu.enqueue_dma source(%dma_start3A_440 : memref<120x128xf32, #tpu.memory_space<vmem_shared>>) target(%dma_start3A_438 : memref<120x128xf32, #tpu.memory_space<vmem>>) target_semaphore(%arg16 : memref<!tpu.dma_semaphore, #tpu.memory_space<semaphore_mem>>)
    %add3A_441 = arith.constant 512 : i32
    %add3A_442 = arith.addi %multiple_of3A, %add3A_441 : i32
    %dma_wait3A_443 = arith.constant 0 : i32
    %dma_wait3A_444 = arith.constant 0 : i32
    %dma_wait3A_445 = tpu.memref_slice %arg10[%dma_wait3A_443, %dma_wait3A_444] : memref<128x128xf32, #tpu.memory_space<vmem>> -> memref<120x128xf32, #tpu.memory_space<vmem>>
    %dma_wait3A_446 = arith.constant 0 : i32
    %dma_wait3A_447 = tpu.memref_slice %arg14[%add3A_442, %dma_wait3A_446] : memref<10112x128xf32, #tpu.memory_space<vmem_shared>> -> memref<120x128xf32, #tpu.memory_space<vmem_shared>>
    %dma_wait3A_448 = arith.constant 0 : i32
    %dma_wait3A_449 = arith.constant 0 : i32
    %dma_wait3A_450 = tpu.memref_slice %arg10[%dma_wait3A_448, %dma_wait3A_449] : memref<128x128xf32, #tpu.memory_space<vmem>> -> memref<120x128xf32, #tpu.memory_space<vmem>>
    %dma_wait3A_451 = arith.constant 0 : i32
    %dma_wait3A_452 = tpu.memref_slice %arg14[%add3A_442, %dma_wait3A_451] : memref<10112x128xf32, #tpu.memory_space<vmem_shared>> -> memref<120x128xf32, #tpu.memory_space<vmem_shared>>
    tpu.wait_dma2 semaphore(%arg16 : memref<!tpu.dma_semaphore, #tpu.memory_space<semaphore_mem>>) src(%dma_wait3A_452 : memref<120x128xf32, #tpu.memory_space<vmem_shared>>) dst(%dma_wait3A_450 : memref<120x128xf32, #tpu.memory_space<vmem>>)
    %add3A_453 = arith.constant 512 : i32
    %add3A_454 = arith.addi %multiple_of3A, %add3A_453 : i32
    %dma_start3A_455 = arith.constant 0 : i32
    %dma_start3A_456 = arith.constant 0 : i32
    %dma_start3A_457 = tpu.memref_slice %arg10[%dma_start3A_455, %dma_start3A_456] : memref<128x128xf32, #tpu.memory_space<vmem>> -> memref<120x128xf32, #tpu.memory_space<vmem>>
    %dma_start3A_458 = arith.constant 0 : i32
    %dma_start3A_459 = tpu.memref_slice %arg7[%arg0, %add3A_454, %dma_start3A_458] : memref<2x10112x128xf32, #tpu.memory_space<hbm>> -> memref<1x120x128xf32, #tpu.memory_space<hbm>>
    %dma_start3A_460 = tpu.memref_squeeze %dma_start3A_459 : memref<1x120x128xf32, #tpu.memory_space<hbm>> -> memref<120x128xf32, #tpu.memory_space<hbm>>
    %dma_start3A_461 = arith.constant 0 : i32
    %dma_start3A_462 = tpu.memref_slice %arg7[%arg0, %add3A_454, %dma_start3A_461] : memref<2x10112x128xf32, #tpu.memory_space<hbm>> -> memref<1x120x128xf32, #tpu.memory_space<hbm>>
    %dma_start3A_463 = tpu.memref_squeeze %dma_start3A_462 : memref<1x120x128xf32, #tpu.memory_space<hbm>> -> memref<120x128xf32, #tpu.memory_space<hbm>>
    %dma_start3A_464 = arith.constant 0 : i32
    %dma_start3A_465 = arith.constant 0 : i32
    %dma_start3A_466 = tpu.memref_slice %arg10[%dma_start3A_464, %dma_start3A_465] : memref<128x128xf32, #tpu.memory_space<vmem>> -> memref<120x128xf32, #tpu.memory_space<vmem>>
    tpu.enqueue_dma source(%dma_start3A_466 : memref<120x128xf32, #tpu.memory_space<vmem>>) target(%dma_start3A_463 : memref<120x128xf32, #tpu.memory_space<hbm>>) target_semaphore(%arg16 : memref<!tpu.dma_semaphore, #tpu.memory_space<semaphore_mem>>)
    %add3A_467 = arith.constant 384 : i32
    %add3A_468 = arith.addi %multiple_of3A, %add3A_467 : i32
    %dma_wait3A_469 = arith.constant 0 : i32
    %dma_wait3A_470 = arith.constant 0 : i32
    %dma_wait3A_471 = tpu.memref_slice %arg11[%dma_wait3A_469, %dma_wait3A_470] : memref<128x128xf32, #tpu.memory_space<vmem>> -> memref<128x128xf32, #tpu.memory_space<vmem>>
    %dma_wait3A_472 = arith.constant 0 : i32
    %dma_wait3A_473 = tpu.memref_slice %arg7[%arg0, %add3A_468, %dma_wait3A_472] : memref<2x10112x128xf32, #tpu.memory_space<hbm>> -> memref<1x128x128xf32, #tpu.memory_space<hbm>>
    %dma_wait3A_474 = tpu.memref_squeeze %dma_wait3A_473 : memref<1x128x128xf32, #tpu.memory_space<hbm>> -> memref<128x128xf32, #tpu.memory_space<hbm>>
    %dma_wait3A_475 = arith.constant 0 : i32
    %dma_wait3A_476 = tpu.memref_slice %arg7[%arg0, %add3A_468, %dma_wait3A_475] : memref<2x10112x128xf32, #tpu.memory_space<hbm>> -> memref<1x128x128xf32, #tpu.memory_space<hbm>>
    %dma_wait3A_477 = tpu.memref_squeeze %dma_wait3A_476 : memref<1x128x128xf32, #tpu.memory_space<hbm>> -> memref<128x128xf32, #tpu.memory_space<hbm>>
    %dma_wait3A_478 = arith.constant 0 : i32
    %dma_wait3A_479 = arith.constant 0 : i32
    %dma_wait3A_480 = tpu.memref_slice %arg11[%dma_wait3A_478, %dma_wait3A_479] : memref<128x128xf32, #tpu.memory_space<vmem>> -> memref<128x128xf32, #tpu.memory_space<vmem>>
    tpu.wait_dma2 semaphore(%arg17 : memref<!tpu.dma_semaphore, #tpu.memory_space<semaphore_mem>>) src(%dma_wait3A_480 : memref<128x128xf32, #tpu.memory_space<vmem>>) dst(%dma_wait3A_477 : memref<128x128xf32, #tpu.memory_space<hbm>>)
    %add3A_481 = arith.constant 512 : i32
    %add3A_482 = arith.addi %multiple_of3A, %add3A_481 : i32
    %dma_wait3A_483 = arith.constant 0 : i32
    %dma_wait3A_484 = arith.constant 0 : i32
    %dma_wait3A_485 = tpu.memref_slice %arg10[%dma_wait3A_483, %dma_wait3A_484] : memref<128x128xf32, #tpu.memory_space<vmem>> -> memref<120x128xf32, #tpu.memory_space<vmem>>
    %dma_wait3A_486 = arith.constant 0 : i32
    %dma_wait3A_487 = tpu.memref_slice %arg7[%arg0, %add3A_482, %dma_wait3A_486] : memref<2x10112x128xf32, #tpu.memory_space<hbm>> -> memref<1x120x128xf32, #tpu.memory_space<hbm>>
    %dma_wait3A_488 = tpu.memref_squeeze %dma_wait3A_487 : memref<1x120x128xf32, #tpu.memory_space<hbm>> -> memref<120x128xf32, #tpu.memory_space<hbm>>
    %dma_wait3A_489 = arith.constant 0 : i32
    %dma_wait3A_490 = tpu.memref_slice %arg7[%arg0, %add3A_482, %dma_wait3A_489] : memref<2x10112x128xf32, #tpu.memory_space<hbm>> -> memref<1x120x128xf32, #tpu.memory_space<hbm>>
    %dma_wait3A_491 = tpu.memref_squeeze %dma_wait3A_490 : memref<1x120x128xf32, #tpu.memory_space<hbm>> -> memref<120x128xf32, #tpu.memory_space<hbm>>
    %dma_wait3A_492 = arith.constant 0 : i32
    %dma_wait3A_493 = arith.constant 0 : i32
    %dma_wait3A_494 = tpu.memref_slice %arg10[%dma_wait3A_492, %dma_wait3A_493] : memref<128x128xf32, #tpu.memory_space<vmem>> -> memref<120x128xf32, #tpu.memory_space<vmem>>
    tpu.wait_dma2 semaphore(%arg16 : memref<!tpu.dma_semaphore, #tpu.memory_space<semaphore_mem>>) src(%dma_wait3A_494 : memref<120x128xf32, #tpu.memory_space<vmem>>) dst(%dma_wait3A_491 : memref<120x128xf32, #tpu.memory_space<hbm>>)
    %eq3A = arith.constant 0 : i32
    %eq3A_495 = arith.cmpi eq, %arg0, %eq3A : i32
    %convert_element_type3A = arith.extui %eq3A_495 : i1 to i32
    %cond3A = arith.constant 0 : i32
    %cond3A_496 = arith.cmpi ne, %convert_element_type3A, %cond3A : i32
    scf.if %cond3A_496 {
      "tpu.region"() ({
        %run_scoped3A_497 = tpu.sem_alloc : memref<!tpu.dma_semaphore, #tpu.memory_space<semaphore_mem>>
        %dma_start3A_498 = tpu.memref_slice %arg15[%multiple_of3A] : memref<10112xf32, #tpu.memory_space<vmem_shared>> -> memref<632xf32, #tpu.memory_space<vmem_shared>>
        %dma_start3A_499 = tpu.memref_slice %arg15[%multiple_of3A] : memref<10112xf32, #tpu.memory_space<vmem_shared>> -> memref<632xf32, #tpu.memory_space<vmem_shared>>
        tpu.enqueue_dma source(%dma_start3A_499 : memref<632xf32, #tpu.memory_space<vmem_shared>>) target(%arg13 : memref<632xf32, #tpu.memory_space<vmem>>) target_semaphore(%run_scoped3A_497 : memref<!tpu.dma_semaphore, #tpu.memory_space<semaphore_mem>>)
        %dma_wait3A_500 = tpu.memref_slice %arg15[%multiple_of3A] : memref<10112xf32, #tpu.memory_space<vmem_shared>> -> memref<632xf32, #tpu.memory_space<vmem_shared>>
        %dma_wait3A_501 = tpu.memref_slice %arg15[%multiple_of3A] : memref<10112xf32, #tpu.memory_space<vmem_shared>> -> memref<632xf32, #tpu.memory_space<vmem_shared>>
        tpu.wait_dma2 semaphore(%run_scoped3A_497 : memref<!tpu.dma_semaphore, #tpu.memory_space<semaphore_mem>>) src(%dma_wait3A_501 : memref<632xf32, #tpu.memory_space<vmem_shared>>) dst(%arg13 : memref<632xf32, #tpu.memory_space<vmem>>)
        tpu.yield
      }) : () -> ()
      "tpu.region"() ({
        %run_scoped3A_497 = tpu.sem_alloc : memref<!tpu.dma_semaphore, #tpu.memory_space<semaphore_mem>>
        %dma_start3A_498 = tpu.memref_slice %arg8[%multiple_of3A] : memref<10112xf32, #tpu.memory_space<hbm>> -> memref<632xf32, #tpu.memory_space<hbm>>
        %dma_start3A_499 = tpu.memref_slice %arg8[%multiple_of3A] : memref<10112xf32, #tpu.memory_space<hbm>> -> memref<632xf32, #tpu.memory_space<hbm>>
        tpu.enqueue_dma source(%arg13 : memref<632xf32, #tpu.memory_space<vmem>>) target(%dma_start3A_499 : memref<632xf32, #tpu.memory_space<hbm>>) target_semaphore(%run_scoped3A_497 : memref<!tpu.dma_semaphore, #tpu.memory_space<semaphore_mem>>)
        %dma_wait3A_500 = tpu.memref_slice %arg8[%multiple_of3A] : memref<10112xf32, #tpu.memory_space<hbm>> -> memref<632xf32, #tpu.memory_space<hbm>>
        %dma_wait3A_501 = tpu.memref_slice %arg8[%multiple_of3A] : memref<10112xf32, #tpu.memory_space<hbm>> -> memref<632xf32, #tpu.memory_space<hbm>>
        tpu.wait_dma2 semaphore(%run_scoped3A_497 : memref<!tpu.dma_semaphore, #tpu.memory_space<semaphore_mem>>) src(%arg13 : memref<632xf32, #tpu.memory_space<vmem>>) dst(%dma_wait3A_501 : memref<632xf32, #tpu.memory_space<hbm>>)
        tpu.yield
      }) : () -> ()
    } else {
    }
    return
  }
}

#map = affine_map<(d0, d1) -> (0, 0)>
#map1 = affine_map<(d0, d1) -> (0, 0, 0, 0)>
#map2 = affine_map<(d0, d1) -> (0, 0, 0)>
module attributes {stable_mosaic.version = 14 : i64} {
  func.func @_sc2_body(%arg0: i32, %arg1: i32, %arg2: memref<40000x128xf32, #tpu.memory_space<hbm>>, %arg3: memref<32x40x2x128xi32, #tpu.memory_space<hbm>>, %arg4: memref<128x128xf32, #tpu.memory_space<hbm>>, %arg5: memref<2x10112x128xf32, #tpu.memory_space<hbm>>, %arg6: memref<4x2x128xi32, #tpu.memory_space<vmem>>, %arg7: memref<128x128xf32, #tpu.memory_space<vmem>>, %arg8: memref<128x128xf32, #tpu.memory_space<vmem>>, %arg9: memref<10112x128xf32, #tpu.memory_space<vmem_shared>>, %arg10: memref<!tpu.dma_semaphore, #tpu.memory_space<semaphore_mem>>, %arg11: memref<!tpu.dma_semaphore, #tpu.memory_space<semaphore_mem>>, %arg12: memref<!tpu.dma_semaphore, #tpu.memory_space<semaphore_mem>>, %arg13: memref<!tpu.dma_semaphore, #tpu.memory_space<semaphore_mem>>, %arg14: memref<!tpu.dma_semaphore, #tpu.memory_space<semaphore_mem>>, %arg15: memref<!tpu.dma_semaphore, #tpu.memory_space<semaphore_mem>>, %arg16: memref<!tpu.dma_semaphore, #tpu.memory_space<semaphore_mem>>, %arg17: memref<!tpu.dma_semaphore, #tpu.memory_space<semaphore_mem>>) attributes {dimension_semantics = [#tpu.dimension_semantics<core_parallel>, #tpu.dimension_semantics<subcore_parallel>], iteration_bounds = array<i64: 2, 16>, scalar_prefetch = 0 : i64, scratch_operands = 12 : i64, tpu.core_type = #tpu.core_type<sc_vector_subcore>, window_params = [{transform_indices = #map}, {transform_indices = #map1}, {transform_indices = #map}, {transform_indices = #map2}]} {
    %mul3A = arith.constant 632 : i32
    %mul3A_0 = arith.muli %arg1, %mul3A : i32
    %multiple_of3A = tpu.assume_multiple %mul3A_0, 8 : i32
    %mul3A_1 = arith.constant 16 : i32
    %mul3A_2 = arith.muli %arg0, %mul3A_1 : i32
    %add3A = arith.addi %mul3A_2, %arg1 : i32
    "tpu.region"() ({
      %run_scoped3A_488 = tpu.sem_alloc : memref<!tpu.dma_semaphore, #tpu.memory_space<semaphore_mem>>
      tpu.enqueue_dma source(%arg4 : memref<128x128xf32, #tpu.memory_space<hbm>>) target(%arg8 : memref<128x128xf32, #tpu.memory_space<vmem>>) target_semaphore(%run_scoped3A_488 : memref<!tpu.dma_semaphore, #tpu.memory_space<semaphore_mem>>)
      tpu.wait_dma2 semaphore(%run_scoped3A_488 : memref<!tpu.dma_semaphore, #tpu.memory_space<semaphore_mem>>) src(%arg4 : memref<128x128xf32, #tpu.memory_space<hbm>>) dst(%arg8 : memref<128x128xf32, #tpu.memory_space<vmem>>)
      tpu.yield
    }) : () -> ()
    %add3A_3 = arith.constant 0 : i32
    %add3A_4 = arith.addi %multiple_of3A, %add3A_3 : i32
    %dma_start3A = arith.constant 0 : i32
    %dma_start3A_5 = arith.constant 0 : i32
    %dma_start3A_6 = tpu.memref_slice %arg8[%dma_start3A, %dma_start3A_5] : memref<128x128xf32, #tpu.memory_space<vmem>> -> memref<128x128xf32, #tpu.memory_space<vmem>>
    %dma_start3A_7 = arith.constant 0 : i32
    %dma_start3A_8 = tpu.memref_slice %arg9[%add3A_4, %dma_start3A_7] : memref<10112x128xf32, #tpu.memory_space<vmem_shared>> -> memref<128x128xf32, #tpu.memory_space<vmem_shared>>
    %dma_start3A_9 = arith.constant 0 : i32
    %dma_start3A_10 = tpu.memref_slice %arg9[%add3A_4, %dma_start3A_9] : memref<10112x128xf32, #tpu.memory_space<vmem_shared>> -> memref<128x128xf32, #tpu.memory_space<vmem_shared>>
    %dma_start3A_11 = arith.constant 0 : i32
    %dma_start3A_12 = arith.constant 0 : i32
    %dma_start3A_13 = tpu.memref_slice %arg8[%dma_start3A_11, %dma_start3A_12] : memref<128x128xf32, #tpu.memory_space<vmem>> -> memref<128x128xf32, #tpu.memory_space<vmem>>
    tpu.enqueue_dma source(%dma_start3A_13 : memref<128x128xf32, #tpu.memory_space<vmem>>) target(%dma_start3A_10 : memref<128x128xf32, #tpu.memory_space<vmem_shared>>) target_semaphore(%arg11 : memref<!tpu.dma_semaphore, #tpu.memory_space<semaphore_mem>>)
    %add3A_14 = arith.constant 128 : i32
    %add3A_15 = arith.addi %multiple_of3A, %add3A_14 : i32
    %dma_start3A_16 = arith.constant 0 : i32
    %dma_start3A_17 = arith.constant 0 : i32
    %dma_start3A_18 = tpu.memref_slice %arg8[%dma_start3A_16, %dma_start3A_17] : memref<128x128xf32, #tpu.memory_space<vmem>> -> memref<128x128xf32, #tpu.memory_space<vmem>>
    %dma_start3A_19 = arith.constant 0 : i32
    %dma_start3A_20 = tpu.memref_slice %arg9[%add3A_15, %dma_start3A_19] : memref<10112x128xf32, #tpu.memory_space<vmem_shared>> -> memref<128x128xf32, #tpu.memory_space<vmem_shared>>
    %dma_start3A_21 = arith.constant 0 : i32
    %dma_start3A_22 = tpu.memref_slice %arg9[%add3A_15, %dma_start3A_21] : memref<10112x128xf32, #tpu.memory_space<vmem_shared>> -> memref<128x128xf32, #tpu.memory_space<vmem_shared>>
    %dma_start3A_23 = arith.constant 0 : i32
    %dma_start3A_24 = arith.constant 0 : i32
    %dma_start3A_25 = tpu.memref_slice %arg8[%dma_start3A_23, %dma_start3A_24] : memref<128x128xf32, #tpu.memory_space<vmem>> -> memref<128x128xf32, #tpu.memory_space<vmem>>
    tpu.enqueue_dma source(%dma_start3A_25 : memref<128x128xf32, #tpu.memory_space<vmem>>) target(%dma_start3A_22 : memref<128x128xf32, #tpu.memory_space<vmem_shared>>) target_semaphore(%arg11 : memref<!tpu.dma_semaphore, #tpu.memory_space<semaphore_mem>>)
    %add3A_26 = arith.constant 256 : i32
    %add3A_27 = arith.addi %multiple_of3A, %add3A_26 : i32
    %dma_start3A_28 = arith.constant 0 : i32
    %dma_start3A_29 = arith.constant 0 : i32
    %dma_start3A_30 = tpu.memref_slice %arg8[%dma_start3A_28, %dma_start3A_29] : memref<128x128xf32, #tpu.memory_space<vmem>> -> memref<128x128xf32, #tpu.memory_space<vmem>>
    %dma_start3A_31 = arith.constant 0 : i32
    %dma_start3A_32 = tpu.memref_slice %arg9[%add3A_27, %dma_start3A_31] : memref<10112x128xf32, #tpu.memory_space<vmem_shared>> -> memref<128x128xf32, #tpu.memory_space<vmem_shared>>
    %dma_start3A_33 = arith.constant 0 : i32
    %dma_start3A_34 = tpu.memref_slice %arg9[%add3A_27, %dma_start3A_33] : memref<10112x128xf32, #tpu.memory_space<vmem_shared>> -> memref<128x128xf32, #tpu.memory_space<vmem_shared>>
    %dma_start3A_35 = arith.constant 0 : i32
    %dma_start3A_36 = arith.constant 0 : i32
    %dma_start3A_37 = tpu.memref_slice %arg8[%dma_start3A_35, %dma_start3A_36] : memref<128x128xf32, #tpu.memory_space<vmem>> -> memref<128x128xf32, #tpu.memory_space<vmem>>
    tpu.enqueue_dma source(%dma_start3A_37 : memref<128x128xf32, #tpu.memory_space<vmem>>) target(%dma_start3A_34 : memref<128x128xf32, #tpu.memory_space<vmem_shared>>) target_semaphore(%arg11 : memref<!tpu.dma_semaphore, #tpu.memory_space<semaphore_mem>>)
    %add3A_38 = arith.constant 384 : i32
    %add3A_39 = arith.addi %multiple_of3A, %add3A_38 : i32
    %dma_start3A_40 = arith.constant 0 : i32
    %dma_start3A_41 = arith.constant 0 : i32
    %dma_start3A_42 = tpu.memref_slice %arg8[%dma_start3A_40, %dma_start3A_41] : memref<128x128xf32, #tpu.memory_space<vmem>> -> memref<128x128xf32, #tpu.memory_space<vmem>>
    %dma_start3A_43 = arith.constant 0 : i32
    %dma_start3A_44 = tpu.memref_slice %arg9[%add3A_39, %dma_start3A_43] : memref<10112x128xf32, #tpu.memory_space<vmem_shared>> -> memref<128x128xf32, #tpu.memory_space<vmem_shared>>
    %dma_start3A_45 = arith.constant 0 : i32
    %dma_start3A_46 = tpu.memref_slice %arg9[%add3A_39, %dma_start3A_45] : memref<10112x128xf32, #tpu.memory_space<vmem_shared>> -> memref<128x128xf32, #tpu.memory_space<vmem_shared>>
    %dma_start3A_47 = arith.constant 0 : i32
    %dma_start3A_48 = arith.constant 0 : i32
    %dma_start3A_49 = tpu.memref_slice %arg8[%dma_start3A_47, %dma_start3A_48] : memref<128x128xf32, #tpu.memory_space<vmem>> -> memref<128x128xf32, #tpu.memory_space<vmem>>
    tpu.enqueue_dma source(%dma_start3A_49 : memref<128x128xf32, #tpu.memory_space<vmem>>) target(%dma_start3A_46 : memref<128x128xf32, #tpu.memory_space<vmem_shared>>) target_semaphore(%arg11 : memref<!tpu.dma_semaphore, #tpu.memory_space<semaphore_mem>>)
    %add3A_50 = arith.constant 512 : i32
    %add3A_51 = arith.addi %multiple_of3A, %add3A_50 : i32
    %dma_start3A_52 = arith.constant 0 : i32
    %dma_start3A_53 = arith.constant 0 : i32
    %dma_start3A_54 = tpu.memref_slice %arg8[%dma_start3A_52, %dma_start3A_53] : memref<128x128xf32, #tpu.memory_space<vmem>> -> memref<120x128xf32, #tpu.memory_space<vmem>>
    %dma_start3A_55 = arith.constant 0 : i32
    %dma_start3A_56 = tpu.memref_slice %arg9[%add3A_51, %dma_start3A_55] : memref<10112x128xf32, #tpu.memory_space<vmem_shared>> -> memref<120x128xf32, #tpu.memory_space<vmem_shared>>
    %dma_start3A_57 = arith.constant 0 : i32
    %dma_start3A_58 = tpu.memref_slice %arg9[%add3A_51, %dma_start3A_57] : memref<10112x128xf32, #tpu.memory_space<vmem_shared>> -> memref<120x128xf32, #tpu.memory_space<vmem_shared>>
    %dma_start3A_59 = arith.constant 0 : i32
    %dma_start3A_60 = arith.constant 0 : i32
    %dma_start3A_61 = tpu.memref_slice %arg8[%dma_start3A_59, %dma_start3A_60] : memref<128x128xf32, #tpu.memory_space<vmem>> -> memref<120x128xf32, #tpu.memory_space<vmem>>
    tpu.enqueue_dma source(%dma_start3A_61 : memref<120x128xf32, #tpu.memory_space<vmem>>) target(%dma_start3A_58 : memref<120x128xf32, #tpu.memory_space<vmem_shared>>) target_semaphore(%arg11 : memref<!tpu.dma_semaphore, #tpu.memory_space<semaphore_mem>>)
    %add3A_62 = arith.constant 0 : i32
    %add3A_63 = arith.addi %multiple_of3A, %add3A_62 : i32
    %dma_wait3A = arith.constant 0 : i32
    %dma_wait3A_64 = arith.constant 0 : i32
    %dma_wait3A_65 = tpu.memref_slice %arg8[%dma_wait3A, %dma_wait3A_64] : memref<128x128xf32, #tpu.memory_space<vmem>> -> memref<128x128xf32, #tpu.memory_space<vmem>>
    %dma_wait3A_66 = arith.constant 0 : i32
    %dma_wait3A_67 = tpu.memref_slice %arg9[%add3A_63, %dma_wait3A_66] : memref<10112x128xf32, #tpu.memory_space<vmem_shared>> -> memref<128x128xf32, #tpu.memory_space<vmem_shared>>
    %dma_wait3A_68 = arith.constant 0 : i32
    %dma_wait3A_69 = tpu.memref_slice %arg9[%add3A_63, %dma_wait3A_68] : memref<10112x128xf32, #tpu.memory_space<vmem_shared>> -> memref<128x128xf32, #tpu.memory_space<vmem_shared>>
    %dma_wait3A_70 = arith.constant 0 : i32
    %dma_wait3A_71 = arith.constant 0 : i32
    %dma_wait3A_72 = tpu.memref_slice %arg8[%dma_wait3A_70, %dma_wait3A_71] : memref<128x128xf32, #tpu.memory_space<vmem>> -> memref<128x128xf32, #tpu.memory_space<vmem>>
    tpu.wait_dma2 semaphore(%arg11 : memref<!tpu.dma_semaphore, #tpu.memory_space<semaphore_mem>>) src(%dma_wait3A_72 : memref<128x128xf32, #tpu.memory_space<vmem>>) dst(%dma_wait3A_69 : memref<128x128xf32, #tpu.memory_space<vmem_shared>>)
    %add3A_73 = arith.constant 128 : i32
    %add3A_74 = arith.addi %multiple_of3A, %add3A_73 : i32
    %dma_wait3A_75 = arith.constant 0 : i32
    %dma_wait3A_76 = arith.constant 0 : i32
    %dma_wait3A_77 = tpu.memref_slice %arg8[%dma_wait3A_75, %dma_wait3A_76] : memref<128x128xf32, #tpu.memory_space<vmem>> -> memref<128x128xf32, #tpu.memory_space<vmem>>
    %dma_wait3A_78 = arith.constant 0 : i32
    %dma_wait3A_79 = tpu.memref_slice %arg9[%add3A_74, %dma_wait3A_78] : memref<10112x128xf32, #tpu.memory_space<vmem_shared>> -> memref<128x128xf32, #tpu.memory_space<vmem_shared>>
    %dma_wait3A_80 = arith.constant 0 : i32
    %dma_wait3A_81 = tpu.memref_slice %arg9[%add3A_74, %dma_wait3A_80] : memref<10112x128xf32, #tpu.memory_space<vmem_shared>> -> memref<128x128xf32, #tpu.memory_space<vmem_shared>>
    %dma_wait3A_82 = arith.constant 0 : i32
    %dma_wait3A_83 = arith.constant 0 : i32
    %dma_wait3A_84 = tpu.memref_slice %arg8[%dma_wait3A_82, %dma_wait3A_83] : memref<128x128xf32, #tpu.memory_space<vmem>> -> memref<128x128xf32, #tpu.memory_space<vmem>>
    tpu.wait_dma2 semaphore(%arg11 : memref<!tpu.dma_semaphore, #tpu.memory_space<semaphore_mem>>) src(%dma_wait3A_84 : memref<128x128xf32, #tpu.memory_space<vmem>>) dst(%dma_wait3A_81 : memref<128x128xf32, #tpu.memory_space<vmem_shared>>)
    %add3A_85 = arith.constant 256 : i32
    %add3A_86 = arith.addi %multiple_of3A, %add3A_85 : i32
    %dma_wait3A_87 = arith.constant 0 : i32
    %dma_wait3A_88 = arith.constant 0 : i32
    %dma_wait3A_89 = tpu.memref_slice %arg8[%dma_wait3A_87, %dma_wait3A_88] : memref<128x128xf32, #tpu.memory_space<vmem>> -> memref<128x128xf32, #tpu.memory_space<vmem>>
    %dma_wait3A_90 = arith.constant 0 : i32
    %dma_wait3A_91 = tpu.memref_slice %arg9[%add3A_86, %dma_wait3A_90] : memref<10112x128xf32, #tpu.memory_space<vmem_shared>> -> memref<128x128xf32, #tpu.memory_space<vmem_shared>>
    %dma_wait3A_92 = arith.constant 0 : i32
    %dma_wait3A_93 = tpu.memref_slice %arg9[%add3A_86, %dma_wait3A_92] : memref<10112x128xf32, #tpu.memory_space<vmem_shared>> -> memref<128x128xf32, #tpu.memory_space<vmem_shared>>
    %dma_wait3A_94 = arith.constant 0 : i32
    %dma_wait3A_95 = arith.constant 0 : i32
    %dma_wait3A_96 = tpu.memref_slice %arg8[%dma_wait3A_94, %dma_wait3A_95] : memref<128x128xf32, #tpu.memory_space<vmem>> -> memref<128x128xf32, #tpu.memory_space<vmem>>
    tpu.wait_dma2 semaphore(%arg11 : memref<!tpu.dma_semaphore, #tpu.memory_space<semaphore_mem>>) src(%dma_wait3A_96 : memref<128x128xf32, #tpu.memory_space<vmem>>) dst(%dma_wait3A_93 : memref<128x128xf32, #tpu.memory_space<vmem_shared>>)
    %add3A_97 = arith.constant 384 : i32
    %add3A_98 = arith.addi %multiple_of3A, %add3A_97 : i32
    %dma_wait3A_99 = arith.constant 0 : i32
    %dma_wait3A_100 = arith.constant 0 : i32
    %dma_wait3A_101 = tpu.memref_slice %arg8[%dma_wait3A_99, %dma_wait3A_100] : memref<128x128xf32, #tpu.memory_space<vmem>> -> memref<128x128xf32, #tpu.memory_space<vmem>>
    %dma_wait3A_102 = arith.constant 0 : i32
    %dma_wait3A_103 = tpu.memref_slice %arg9[%add3A_98, %dma_wait3A_102] : memref<10112x128xf32, #tpu.memory_space<vmem_shared>> -> memref<128x128xf32, #tpu.memory_space<vmem_shared>>
    %dma_wait3A_104 = arith.constant 0 : i32
    %dma_wait3A_105 = tpu.memref_slice %arg9[%add3A_98, %dma_wait3A_104] : memref<10112x128xf32, #tpu.memory_space<vmem_shared>> -> memref<128x128xf32, #tpu.memory_space<vmem_shared>>
    %dma_wait3A_106 = arith.constant 0 : i32
    %dma_wait3A_107 = arith.constant 0 : i32
    %dma_wait3A_108 = tpu.memref_slice %arg8[%dma_wait3A_106, %dma_wait3A_107] : memref<128x128xf32, #tpu.memory_space<vmem>> -> memref<128x128xf32, #tpu.memory_space<vmem>>
    tpu.wait_dma2 semaphore(%arg11 : memref<!tpu.dma_semaphore, #tpu.memory_space<semaphore_mem>>) src(%dma_wait3A_108 : memref<128x128xf32, #tpu.memory_space<vmem>>) dst(%dma_wait3A_105 : memref<128x128xf32, #tpu.memory_space<vmem_shared>>)
    %add3A_109 = arith.constant 512 : i32
    %add3A_110 = arith.addi %multiple_of3A, %add3A_109 : i32
    %dma_wait3A_111 = arith.constant 0 : i32
    %dma_wait3A_112 = arith.constant 0 : i32
    %dma_wait3A_113 = tpu.memref_slice %arg8[%dma_wait3A_111, %dma_wait3A_112] : memref<128x128xf32, #tpu.memory_space<vmem>> -> memref<120x128xf32, #tpu.memory_space<vmem>>
    %dma_wait3A_114 = arith.constant 0 : i32
    %dma_wait3A_115 = tpu.memref_slice %arg9[%add3A_110, %dma_wait3A_114] : memref<10112x128xf32, #tpu.memory_space<vmem_shared>> -> memref<120x128xf32, #tpu.memory_space<vmem_shared>>
    %dma_wait3A_116 = arith.constant 0 : i32
    %dma_wait3A_117 = tpu.memref_slice %arg9[%add3A_110, %dma_wait3A_116] : memref<10112x128xf32, #tpu.memory_space<vmem_shared>> -> memref<120x128xf32, #tpu.memory_space<vmem_shared>>
    %dma_wait3A_118 = arith.constant 0 : i32
    %dma_wait3A_119 = arith.constant 0 : i32
    %dma_wait3A_120 = tpu.memref_slice %arg8[%dma_wait3A_118, %dma_wait3A_119] : memref<128x128xf32, #tpu.memory_space<vmem>> -> memref<120x128xf32, #tpu.memory_space<vmem>>
    tpu.wait_dma2 semaphore(%arg11 : memref<!tpu.dma_semaphore, #tpu.memory_space<semaphore_mem>>) src(%dma_wait3A_120 : memref<120x128xf32, #tpu.memory_space<vmem>>) dst(%dma_wait3A_117 : memref<120x128xf32, #tpu.memory_space<vmem_shared>>)
    %barrier3A = arith.constant 0 : index
    tpu.barrier barrier_id(%barrier3A)
    %run_scoped3A = arith.constant 0 : i32
    %run_scoped3A_121 = arith.constant 0 : i32
    "tpu.region"() ({
      %run_scoped3A_488 = tpu.sem_alloc : memref<!tpu.dma_semaphore, #tpu.memory_space<semaphore_mem>>
      %dma_start3A_489 = arith.constant 0 : i32
      %dma_start3A_490 = arith.constant 0 : i32
      %dma_start3A_491 = tpu.memref_slice %arg6[%run_scoped3A_121, %dma_start3A_489, %dma_start3A_490] : memref<4x2x128xi32, #tpu.memory_space<vmem>> -> memref<1x2x128xi32, #tpu.memory_space<vmem>>
      %dma_start3A_492 = tpu.memref_squeeze %dma_start3A_491 : memref<1x2x128xi32, #tpu.memory_space<vmem>> -> memref<2x128xi32, #tpu.memory_space<vmem>>
      %dma_start3A_493 = arith.constant 0 : i32
      %dma_start3A_494 = arith.constant 0 : i32
      %dma_start3A_495 = tpu.memref_slice %arg3[%add3A, %run_scoped3A, %dma_start3A_493, %dma_start3A_494] : memref<32x40x2x128xi32, #tpu.memory_space<hbm>> -> memref<1x1x2x128xi32, #tpu.memory_space<hbm>>
      %dma_start3A_496 = tpu.memref_squeeze %dma_start3A_495 : memref<1x1x2x128xi32, #tpu.memory_space<hbm>> -> memref<2x128xi32, #tpu.memory_space<hbm>>
      %dma_start3A_497 = arith.constant 0 : i32
      %dma_start3A_498 = arith.constant 0 : i32
      %dma_start3A_499 = tpu.memref_slice %arg6[%run_scoped3A_121, %dma_start3A_497, %dma_start3A_498] : memref<4x2x128xi32, #tpu.memory_space<vmem>> -> memref<1x2x128xi32, #tpu.memory_space<vmem>>
      %dma_start3A_500 = tpu.memref_squeeze %dma_start3A_499 : memref<1x2x128xi32, #tpu.memory_space<vmem>> -> memref<2x128xi32, #tpu.memory_space<vmem>>
      %dma_start3A_501 = arith.constant 0 : i32
      %dma_start3A_502 = arith.constant 0 : i32
      %dma_start3A_503 = tpu.memref_slice %arg3[%add3A, %run_scoped3A, %dma_start3A_501, %dma_start3A_502] : memref<32x40x2x128xi32, #tpu.memory_space<hbm>> -> memref<1x1x2x128xi32, #tpu.memory_space<hbm>>
      %dma_start3A_504 = tpu.memref_squeeze %dma_start3A_503 : memref<1x1x2x128xi32, #tpu.memory_space<hbm>> -> memref<2x128xi32, #tpu.memory_space<hbm>>
      tpu.enqueue_dma source(%dma_start3A_504 : memref<2x128xi32, #tpu.memory_space<hbm>>) target(%dma_start3A_500 : memref<2x128xi32, #tpu.memory_space<vmem>>) target_semaphore(%run_scoped3A_488 : memref<!tpu.dma_semaphore, #tpu.memory_space<semaphore_mem>>)
      %dma_wait3A_505 = arith.constant 0 : i32
      %dma_wait3A_506 = arith.constant 0 : i32
      %dma_wait3A_507 = tpu.memref_slice %arg6[%run_scoped3A_121, %dma_wait3A_505, %dma_wait3A_506] : memref<4x2x128xi32, #tpu.memory_space<vmem>> -> memref<1x2x128xi32, #tpu.memory_space<vmem>>
      %dma_wait3A_508 = tpu.memref_squeeze %dma_wait3A_507 : memref<1x2x128xi32, #tpu.memory_space<vmem>> -> memref<2x128xi32, #tpu.memory_space<vmem>>
      %dma_wait3A_509 = arith.constant 0 : i32
      %dma_wait3A_510 = arith.constant 0 : i32
      %dma_wait3A_511 = tpu.memref_slice %arg3[%add3A, %run_scoped3A, %dma_wait3A_509, %dma_wait3A_510] : memref<32x40x2x128xi32, #tpu.memory_space<hbm>> -> memref<1x1x2x128xi32, #tpu.memory_space<hbm>>
      %dma_wait3A_512 = tpu.memref_squeeze %dma_wait3A_511 : memref<1x1x2x128xi32, #tpu.memory_space<hbm>> -> memref<2x128xi32, #tpu.memory_space<hbm>>
      %dma_wait3A_513 = arith.constant 0 : i32
      %dma_wait3A_514 = arith.constant 0 : i32
      %dma_wait3A_515 = tpu.memref_slice %arg6[%run_scoped3A_121, %dma_wait3A_513, %dma_wait3A_514] : memref<4x2x128xi32, #tpu.memory_space<vmem>> -> memref<1x2x128xi32, #tpu.memory_space<vmem>>
      %dma_wait3A_516 = tpu.memref_squeeze %dma_wait3A_515 : memref<1x2x128xi32, #tpu.memory_space<vmem>> -> memref<2x128xi32, #tpu.memory_space<vmem>>
      %dma_wait3A_517 = arith.constant 0 : i32
      %dma_wait3A_518 = arith.constant 0 : i32
      %dma_wait3A_519 = tpu.memref_slice %arg3[%add3A, %run_scoped3A, %dma_wait3A_517, %dma_wait3A_518] : memref<32x40x2x128xi32, #tpu.memory_space<hbm>> -> memref<1x1x2x128xi32, #tpu.memory_space<hbm>>
      %dma_wait3A_520 = tpu.memref_squeeze %dma_wait3A_519 : memref<1x1x2x128xi32, #tpu.memory_space<hbm>> -> memref<2x128xi32, #tpu.memory_space<hbm>>
      tpu.wait_dma2 semaphore(%run_scoped3A_488 : memref<!tpu.dma_semaphore, #tpu.memory_space<semaphore_mem>>) src(%dma_wait3A_520 : memref<2x128xi32, #tpu.memory_space<hbm>>) dst(%dma_wait3A_516 : memref<2x128xi32, #tpu.memory_space<vmem>>)
      tpu.yield
    }) : () -> ()
    %dma_start3A_122 = arith.constant 0 : i32
    %dma_start3A_123 = arith.constant 0 : i32
    %dma_start3A_124 = arith.constant 0 : i32
    %dma_start3A_125 = tpu.memref_slice %arg6[%dma_start3A_122, %dma_start3A_123, %dma_start3A_124] : memref<4x2x128xi32, #tpu.memory_space<vmem>> -> memref<1x1x128xi32, #tpu.memory_space<vmem>>
    %dma_start3A_126 = tpu.memref_squeeze %dma_start3A_125 : memref<1x1x128xi32, #tpu.memory_space<vmem>> -> memref<128xi32, #tpu.memory_space<vmem>>
    %dma_start3A_127 = arith.constant 0 : i32
    %dma_start3A_128 = arith.constant 0 : i32
    %dma_start3A_129 = tpu.memref_slice %arg2[%dma_start3A_127, %dma_start3A_128] : memref<40000x128xf32, #tpu.memory_space<hbm>> -> memref<40000x128xf32, #tpu.memory_space<hbm>>
    tpu.enqueue_indirect_dma source(%dma_start3A_129 : memref<40000x128xf32, #tpu.memory_space<hbm>>) target(%arg7 : memref<128x128xf32, #tpu.memory_space<vmem>>) offsets(%dma_start3A_126 : memref<128xi32, #tpu.memory_space<vmem>>) semaphore(%arg10 : memref<!tpu.dma_semaphore, #tpu.memory_space<semaphore_mem>>)
    %jit3A = arith.constant true
    %jit3A_130 = arith.constant 1 : i32
    %jit3A_131 = arith.constant 0 : i32
    %select_n3A = arith.select %jit3A, %jit3A_130, %jit3A_131 : i32
    %dma_start3A_132 = arith.constant 1 : i32
    %dma_start3A_133 = arith.constant 0 : i32
    %dma_start3A_134 = arith.constant 0 : i32
    %dma_start3A_135 = tpu.memref_slice %arg6[%dma_start3A_132, %dma_start3A_133, %dma_start3A_134] : memref<4x2x128xi32, #tpu.memory_space<vmem>> -> memref<1x2x128xi32, #tpu.memory_space<vmem>>
    %dma_start3A_136 = tpu.memref_squeeze %dma_start3A_135 : memref<1x2x128xi32, #tpu.memory_space<vmem>> -> memref<2x128xi32, #tpu.memory_space<vmem>>
    %dma_start3A_137 = arith.constant 0 : i32
    %dma_start3A_138 = arith.constant 0 : i32
    %dma_start3A_139 = tpu.memref_slice %arg3[%add3A, %select_n3A, %dma_start3A_137, %dma_start3A_138] : memref<32x40x2x128xi32, #tpu.memory_space<hbm>> -> memref<1x1x2x128xi32, #tpu.memory_space<hbm>>
    %dma_start3A_140 = tpu.memref_squeeze %dma_start3A_139 : memref<1x1x2x128xi32, #tpu.memory_space<hbm>> -> memref<2x128xi32, #tpu.memory_space<hbm>>
    %dma_start3A_141 = arith.constant 0 : i32
    %dma_start3A_142 = arith.constant 0 : i32
    %dma_start3A_143 = tpu.memref_slice %arg6[%dma_start3A_132, %dma_start3A_141, %dma_start3A_142] : memref<4x2x128xi32, #tpu.memory_space<vmem>> -> memref<1x2x128xi32, #tpu.memory_space<vmem>>
    %dma_start3A_144 = tpu.memref_squeeze %dma_start3A_143 : memref<1x2x128xi32, #tpu.memory_space<vmem>> -> memref<2x128xi32, #tpu.memory_space<vmem>>
    %dma_start3A_145 = arith.constant 0 : i32
    %dma_start3A_146 = arith.constant 0 : i32
    %dma_start3A_147 = tpu.memref_slice %arg3[%add3A, %select_n3A, %dma_start3A_145, %dma_start3A_146] : memref<32x40x2x128xi32, #tpu.memory_space<hbm>> -> memref<1x1x2x128xi32, #tpu.memory_space<hbm>>
    %dma_start3A_148 = tpu.memref_squeeze %dma_start3A_147 : memref<1x1x2x128xi32, #tpu.memory_space<hbm>> -> memref<2x128xi32, #tpu.memory_space<hbm>>
    tpu.enqueue_dma source(%dma_start3A_148 : memref<2x128xi32, #tpu.memory_space<hbm>>) target(%dma_start3A_144 : memref<2x128xi32, #tpu.memory_space<vmem>>) target_semaphore(%arg15 : memref<!tpu.dma_semaphore, #tpu.memory_space<semaphore_mem>>)
    %jit3A_149 = arith.constant true
    %jit3A_150 = arith.constant 2 : i32
    %jit3A_151 = arith.constant 0 : i32
    %select_n3A_152 = arith.select %jit3A_149, %jit3A_150, %jit3A_151 : i32
    %dma_start3A_153 = arith.constant 2 : i32
    %dma_start3A_154 = arith.constant 0 : i32
    %dma_start3A_155 = arith.constant 0 : i32
    %dma_start3A_156 = tpu.memref_slice %arg6[%dma_start3A_153, %dma_start3A_154, %dma_start3A_155] : memref<4x2x128xi32, #tpu.memory_space<vmem>> -> memref<1x2x128xi32, #tpu.memory_space<vmem>>
    %dma_start3A_157 = tpu.memref_squeeze %dma_start3A_156 : memref<1x2x128xi32, #tpu.memory_space<vmem>> -> memref<2x128xi32, #tpu.memory_space<vmem>>
    %dma_start3A_158 = arith.constant 0 : i32
    %dma_start3A_159 = arith.constant 0 : i32
    %dma_start3A_160 = tpu.memref_slice %arg3[%add3A, %select_n3A_152, %dma_start3A_158, %dma_start3A_159] : memref<32x40x2x128xi32, #tpu.memory_space<hbm>> -> memref<1x1x2x128xi32, #tpu.memory_space<hbm>>
    %dma_start3A_161 = tpu.memref_squeeze %dma_start3A_160 : memref<1x1x2x128xi32, #tpu.memory_space<hbm>> -> memref<2x128xi32, #tpu.memory_space<hbm>>
    %dma_start3A_162 = arith.constant 0 : i32
    %dma_start3A_163 = arith.constant 0 : i32
    %dma_start3A_164 = tpu.memref_slice %arg6[%dma_start3A_153, %dma_start3A_162, %dma_start3A_163] : memref<4x2x128xi32, #tpu.memory_space<vmem>> -> memref<1x2x128xi32, #tpu.memory_space<vmem>>
    %dma_start3A_165 = tpu.memref_squeeze %dma_start3A_164 : memref<1x2x128xi32, #tpu.memory_space<vmem>> -> memref<2x128xi32, #tpu.memory_space<vmem>>
    %dma_start3A_166 = arith.constant 0 : i32
    %dma_start3A_167 = arith.constant 0 : i32
    %dma_start3A_168 = tpu.memref_slice %arg3[%add3A, %select_n3A_152, %dma_start3A_166, %dma_start3A_167] : memref<32x40x2x128xi32, #tpu.memory_space<hbm>> -> memref<1x1x2x128xi32, #tpu.memory_space<hbm>>
    %dma_start3A_169 = tpu.memref_squeeze %dma_start3A_168 : memref<1x1x2x128xi32, #tpu.memory_space<hbm>> -> memref<2x128xi32, #tpu.memory_space<hbm>>
    tpu.enqueue_dma source(%dma_start3A_169 : memref<2x128xi32, #tpu.memory_space<hbm>>) target(%dma_start3A_165 : memref<2x128xi32, #tpu.memory_space<vmem>>) target_semaphore(%arg16 : memref<!tpu.dma_semaphore, #tpu.memory_space<semaphore_mem>>)
    %scan3A = arith.constant 0 : i32
    %scan3A_170 = arith.constant 0 : i32
    %scan3A_171 = arith.constant 10 : i32
    %scan3A_172 = arith.addi %scan3A_170, %scan3A_171 : i32
    %scan3A_173 = arith.constant 1 : i32
    scf.for %scan3A_488 = %scan3A_170 to %scan3A_172 step %scan3A_173  : i32 {
      %mul3A_489 = arith.constant 4 : i32
      %mul3A_490 = arith.muli %scan3A_488, %mul3A_489 : i32
      %add3A_491 = arith.constant 0 : i32
      %add3A_492 = arith.addi %mul3A_490, %add3A_491 : i32
      %dma_wait3A_493 = arith.constant 0 : i32
      %dma_wait3A_494 = arith.constant 0 : i32
      %dma_wait3A_495 = arith.constant 0 : i32
      %dma_wait3A_496 = tpu.memref_slice %arg6[%dma_wait3A_493, %dma_wait3A_494, %dma_wait3A_495] : memref<4x2x128xi32, #tpu.memory_space<vmem>> -> memref<1x1x128xi32, #tpu.memory_space<vmem>>
      %dma_wait3A_497 = tpu.memref_squeeze %dma_wait3A_496 : memref<1x1x128xi32, #tpu.memory_space<vmem>> -> memref<128xi32, #tpu.memory_space<vmem>>
      %dma_wait3A_498 = arith.constant 0 : i32
      %dma_wait3A_499 = arith.constant 0 : i32
      %dma_wait3A_500 = tpu.memref_slice %arg2[%dma_wait3A_498, %dma_wait3A_499] : memref<40000x128xf32, #tpu.memory_space<hbm>> -> memref<40000x128xf32, #tpu.memory_space<hbm>>
      tpu.wait_indirect_dma semaphore(%arg10 : memref<!tpu.dma_semaphore, #tpu.memory_space<semaphore_mem>>) src(%dma_wait3A_500 : memref<40000x128xf32, #tpu.memory_space<hbm>>) dst(%arg7 : memref<128x128xf32, #tpu.memory_space<vmem>>)
      %dma_start3A_501 = arith.constant 0 : i32
      %dma_start3A_502 = arith.constant 1 : i32
      %dma_start3A_503 = arith.constant 0 : i32
      %dma_start3A_504 = tpu.memref_slice %arg6[%dma_start3A_501, %dma_start3A_502, %dma_start3A_503] : memref<4x2x128xi32, #tpu.memory_space<vmem>> -> memref<1x1x128xi32, #tpu.memory_space<vmem>>
      %dma_start3A_505 = tpu.memref_squeeze %dma_start3A_504 : memref<1x1x128xi32, #tpu.memory_space<vmem>> -> memref<128xi32, #tpu.memory_space<vmem>>
      %dma_start3A_506 = arith.constant 0 : i32
      %dma_start3A_507 = arith.constant 0 : i32
      %dma_start3A_508 = tpu.memref_slice %arg9[%dma_start3A_506, %dma_start3A_507] : memref<10112x128xf32, #tpu.memory_space<vmem_shared>> -> memref<10112x128xf32, #tpu.memory_space<vmem_shared>>
      tpu.enqueue_indirect_dma source(%arg7 : memref<128x128xf32, #tpu.memory_space<vmem>>) target(%dma_start3A_508 : memref<10112x128xf32, #tpu.memory_space<vmem_shared>>) offsets(%dma_start3A_505 : memref<128xi32, #tpu.memory_space<vmem>>) semaphore(%arg12 : memref<!tpu.dma_semaphore, #tpu.memory_space<semaphore_mem>>) {add = true}
      %gt3A = arith.constant 0 : i32
      %gt3A_509 = arith.cmpi sgt, %scan3A_488, %gt3A : i32
      %convert_element_type3A = arith.extui %gt3A_509 : i1 to i32
      %cond3A = arith.constant 0 : i32
      %cond3A_510 = arith.cmpi ne, %convert_element_type3A, %cond3A : i32
      scf.if %cond3A_510 {
        %dma_wait3A_784 = arith.constant 0 : i32
        %dma_wait3A_785 = arith.constant 1 : i32
        %dma_wait3A_786 = arith.constant 0 : i32
        %dma_wait3A_787 = tpu.memref_slice %arg6[%dma_wait3A_784, %dma_wait3A_785, %dma_wait3A_786] : memref<4x2x128xi32, #tpu.memory_space<vmem>> -> memref<1x1x128xi32, #tpu.memory_space<vmem>>
        %dma_wait3A_788 = tpu.memref_squeeze %dma_wait3A_787 : memref<1x1x128xi32, #tpu.memory_space<vmem>> -> memref<128xi32, #tpu.memory_space<vmem>>
        %dma_wait3A_789 = arith.constant 0 : i32
        %dma_wait3A_790 = arith.constant 0 : i32
        %dma_wait3A_791 = tpu.memref_slice %arg9[%dma_wait3A_789, %dma_wait3A_790] : memref<10112x128xf32, #tpu.memory_space<vmem_shared>> -> memref<10112x128xf32, #tpu.memory_space<vmem_shared>>
        tpu.wait_indirect_dma semaphore(%arg13 : memref<!tpu.dma_semaphore, #tpu.memory_space<semaphore_mem>>) src(%arg8 : memref<128x128xf32, #tpu.memory_space<vmem>>) dst(%dma_wait3A_791 : memref<10112x128xf32, #tpu.memory_space<vmem_shared>>)
      } else {
      }
      %add3A_511 = arith.constant 3 : i32
      %add3A_512 = arith.addi %add3A_492, %add3A_511 : i32
      %lt3A = arith.constant 40 : i32
      %lt3A_513 = arith.cmpi slt, %add3A_512, %lt3A : i32
      %jit3A_514 = arith.constant 0 : i32
      %select_n3A_515 = arith.select %lt3A_513, %add3A_512, %jit3A_514 : i32
      %dma_start3A_516 = arith.constant 3 : i32
      %dma_start3A_517 = arith.constant 0 : i32
      %dma_start3A_518 = arith.constant 0 : i32
      %dma_start3A_519 = tpu.memref_slice %arg6[%dma_start3A_516, %dma_start3A_517, %dma_start3A_518] : memref<4x2x128xi32, #tpu.memory_space<vmem>> -> memref<1x2x128xi32, #tpu.memory_space<vmem>>
      %dma_start3A_520 = tpu.memref_squeeze %dma_start3A_519 : memref<1x2x128xi32, #tpu.memory_space<vmem>> -> memref<2x128xi32, #tpu.memory_space<vmem>>
      %dma_start3A_521 = arith.constant 0 : i32
      %dma_start3A_522 = arith.constant 0 : i32
      %dma_start3A_523 = tpu.memref_slice %arg3[%add3A, %select_n3A_515, %dma_start3A_521, %dma_start3A_522] : memref<32x40x2x128xi32, #tpu.memory_space<hbm>> -> memref<1x1x2x128xi32, #tpu.memory_space<hbm>>
      %dma_start3A_524 = tpu.memref_squeeze %dma_start3A_523 : memref<1x1x2x128xi32, #tpu.memory_space<hbm>> -> memref<2x128xi32, #tpu.memory_space<hbm>>
      %dma_start3A_525 = arith.constant 0 : i32
      %dma_start3A_526 = arith.constant 0 : i32
      %dma_start3A_527 = tpu.memref_slice %arg6[%dma_start3A_516, %dma_start3A_525, %dma_start3A_526] : memref<4x2x128xi32, #tpu.memory_space<vmem>> -> memref<1x2x128xi32, #tpu.memory_space<vmem>>
      %dma_start3A_528 = tpu.memref_squeeze %dma_start3A_527 : memref<1x2x128xi32, #tpu.memory_space<vmem>> -> memref<2x128xi32, #tpu.memory_space<vmem>>
      %dma_start3A_529 = arith.constant 0 : i32
      %dma_start3A_530 = arith.constant 0 : i32
      %dma_start3A_531 = tpu.memref_slice %arg3[%add3A, %select_n3A_515, %dma_start3A_529, %dma_start3A_530] : memref<32x40x2x128xi32, #tpu.memory_space<hbm>> -> memref<1x1x2x128xi32, #tpu.memory_space<hbm>>
      %dma_start3A_532 = tpu.memref_squeeze %dma_start3A_531 : memref<1x1x2x128xi32, #tpu.memory_space<hbm>> -> memref<2x128xi32, #tpu.memory_space<hbm>>
      tpu.enqueue_dma source(%dma_start3A_532 : memref<2x128xi32, #tpu.memory_space<hbm>>) target(%dma_start3A_528 : memref<2x128xi32, #tpu.memory_space<vmem>>) target_semaphore(%arg17 : memref<!tpu.dma_semaphore, #tpu.memory_space<semaphore_mem>>)
      %dma_wait3A_533 = arith.constant 0 : i32
      %dma_wait3A_534 = arith.constant 1 : i32
      %dma_wait3A_535 = arith.constant 0 : i32
      %dma_wait3A_536 = arith.constant 0 : i32
      %dma_wait3A_537 = tpu.memref_slice %arg6[%dma_wait3A_534, %dma_wait3A_535, %dma_wait3A_536] : memref<4x2x128xi32, #tpu.memory_space<vmem>> -> memref<1x2x128xi32, #tpu.memory_space<vmem>>
      %dma_wait3A_538 = tpu.memref_squeeze %dma_wait3A_537 : memref<1x2x128xi32, #tpu.memory_space<vmem>> -> memref<2x128xi32, #tpu.memory_space<vmem>>
      %dma_wait3A_539 = arith.constant 0 : i32
      %dma_wait3A_540 = arith.constant 0 : i32
      %dma_wait3A_541 = tpu.memref_slice %arg3[%add3A, %dma_wait3A_533, %dma_wait3A_539, %dma_wait3A_540] : memref<32x40x2x128xi32, #tpu.memory_space<hbm>> -> memref<1x1x2x128xi32, #tpu.memory_space<hbm>>
      %dma_wait3A_542 = tpu.memref_squeeze %dma_wait3A_541 : memref<1x1x2x128xi32, #tpu.memory_space<hbm>> -> memref<2x128xi32, #tpu.memory_space<hbm>>
      %dma_wait3A_543 = arith.constant 0 : i32
      %dma_wait3A_544 = arith.constant 0 : i32
      %dma_wait3A_545 = tpu.memref_slice %arg6[%dma_wait3A_534, %dma_wait3A_543, %dma_wait3A_544] : memref<4x2x128xi32, #tpu.memory_space<vmem>> -> memref<1x2x128xi32, #tpu.memory_space<vmem>>
      %dma_wait3A_546 = tpu.memref_squeeze %dma_wait3A_545 : memref<1x2x128xi32, #tpu.memory_space<vmem>> -> memref<2x128xi32, #tpu.memory_space<vmem>>
      %dma_wait3A_547 = arith.constant 0 : i32
      %dma_wait3A_548 = arith.constant 0 : i32
      %dma_wait3A_549 = tpu.memref_slice %arg3[%add3A, %dma_wait3A_533, %dma_wait3A_547, %dma_wait3A_548] : memref<32x40x2x128xi32, #tpu.memory_space<hbm>> -> memref<1x1x2x128xi32, #tpu.memory_space<hbm>>
      %dma_wait3A_550 = tpu.memref_squeeze %dma_wait3A_549 : memref<1x1x2x128xi32, #tpu.memory_space<hbm>> -> memref<2x128xi32, #tpu.memory_space<hbm>>
      tpu.wait_dma2 semaphore(%arg15 : memref<!tpu.dma_semaphore, #tpu.memory_space<semaphore_mem>>) src(%dma_wait3A_550 : memref<2x128xi32, #tpu.memory_space<hbm>>) dst(%dma_wait3A_546 : memref<2x128xi32, #tpu.memory_space<vmem>>)
      %dma_start3A_551 = arith.constant 1 : i32
      %dma_start3A_552 = arith.constant 0 : i32
      %dma_start3A_553 = arith.constant 0 : i32
      %dma_start3A_554 = tpu.memref_slice %arg6[%dma_start3A_551, %dma_start3A_552, %dma_start3A_553] : memref<4x2x128xi32, #tpu.memory_space<vmem>> -> memref<1x1x128xi32, #tpu.memory_space<vmem>>
      %dma_start3A_555 = tpu.memref_squeeze %dma_start3A_554 : memref<1x1x128xi32, #tpu.memory_space<vmem>> -> memref<128xi32, #tpu.memory_space<vmem>>
      %dma_start3A_556 = arith.constant 0 : i32
      %dma_start3A_557 = arith.constant 0 : i32
      %dma_start3A_558 = tpu.memref_slice %arg2[%dma_start3A_556, %dma_start3A_557] : memref<40000x128xf32, #tpu.memory_space<hbm>> -> memref<40000x128xf32, #tpu.memory_space<hbm>>
      tpu.enqueue_indirect_dma source(%dma_start3A_558 : memref<40000x128xf32, #tpu.memory_space<hbm>>) target(%arg8 : memref<128x128xf32, #tpu.memory_space<vmem>>) offsets(%dma_start3A_555 : memref<128xi32, #tpu.memory_space<vmem>>) semaphore(%arg11 : memref<!tpu.dma_semaphore, #tpu.memory_space<semaphore_mem>>)
      %add3A_559 = arith.constant 1 : i32
      %add3A_560 = arith.addi %mul3A_490, %add3A_559 : i32
      %dma_wait3A_561 = arith.constant 0 : i32
      %dma_wait3A_562 = arith.constant 0 : i32
      %dma_wait3A_563 = arith.constant 0 : i32
      %dma_wait3A_564 = tpu.memref_slice %arg6[%dma_wait3A_561, %dma_wait3A_562, %dma_wait3A_563] : memref<4x2x128xi32, #tpu.memory_space<vmem>> -> memref<1x1x128xi32, #tpu.memory_space<vmem>>
      %dma_wait3A_565 = tpu.memref_squeeze %dma_wait3A_564 : memref<1x1x128xi32, #tpu.memory_space<vmem>> -> memref<128xi32, #tpu.memory_space<vmem>>
      %dma_wait3A_566 = arith.constant 0 : i32
      %dma_wait3A_567 = arith.constant 0 : i32
      %dma_wait3A_568 = tpu.memref_slice %arg2[%dma_wait3A_566, %dma_wait3A_567] : memref<40000x128xf32, #tpu.memory_space<hbm>> -> memref<40000x128xf32, #tpu.memory_space<hbm>>
      tpu.wait_indirect_dma semaphore(%arg11 : memref<!tpu.dma_semaphore, #tpu.memory_space<semaphore_mem>>) src(%dma_wait3A_568 : memref<40000x128xf32, #tpu.memory_space<hbm>>) dst(%arg8 : memref<128x128xf32, #tpu.memory_space<vmem>>)
      %dma_start3A_569 = arith.constant 1 : i32
      %dma_start3A_570 = arith.constant 1 : i32
      %dma_start3A_571 = arith.constant 0 : i32
      %dma_start3A_572 = tpu.memref_slice %arg6[%dma_start3A_569, %dma_start3A_570, %dma_start3A_571] : memref<4x2x128xi32, #tpu.memory_space<vmem>> -> memref<1x1x128xi32, #tpu.memory_space<vmem>>
      %dma_start3A_573 = tpu.memref_squeeze %dma_start3A_572 : memref<1x1x128xi32, #tpu.memory_space<vmem>> -> memref<128xi32, #tpu.memory_space<vmem>>
      %dma_start3A_574 = arith.constant 0 : i32
      %dma_start3A_575 = arith.constant 0 : i32
      %dma_start3A_576 = tpu.memref_slice %arg9[%dma_start3A_574, %dma_start3A_575] : memref<10112x128xf32, #tpu.memory_space<vmem_shared>> -> memref<10112x128xf32, #tpu.memory_space<vmem_shared>>
      tpu.enqueue_indirect_dma source(%arg8 : memref<128x128xf32, #tpu.memory_space<vmem>>) target(%dma_start3A_576 : memref<10112x128xf32, #tpu.memory_space<vmem_shared>>) offsets(%dma_start3A_573 : memref<128xi32, #tpu.memory_space<vmem>>) semaphore(%arg13 : memref<!tpu.dma_semaphore, #tpu.memory_space<semaphore_mem>>) {add = true}
      %dma_wait3A_577 = arith.constant 0 : i32
      %dma_wait3A_578 = arith.constant 1 : i32
      %dma_wait3A_579 = arith.constant 0 : i32
      %dma_wait3A_580 = tpu.memref_slice %arg6[%dma_wait3A_577, %dma_wait3A_578, %dma_wait3A_579] : memref<4x2x128xi32, #tpu.memory_space<vmem>> -> memref<1x1x128xi32, #tpu.memory_space<vmem>>
      %dma_wait3A_581 = tpu.memref_squeeze %dma_wait3A_580 : memref<1x1x128xi32, #tpu.memory_space<vmem>> -> memref<128xi32, #tpu.memory_space<vmem>>
      %dma_wait3A_582 = arith.constant 0 : i32
      %dma_wait3A_583 = arith.constant 0 : i32
      %dma_wait3A_584 = tpu.memref_slice %arg9[%dma_wait3A_582, %dma_wait3A_583] : memref<10112x128xf32, #tpu.memory_space<vmem_shared>> -> memref<10112x128xf32, #tpu.memory_space<vmem_shared>>
      tpu.wait_indirect_dma semaphore(%arg12 : memref<!tpu.dma_semaphore, #tpu.memory_space<semaphore_mem>>) src(%arg7 : memref<128x128xf32, #tpu.memory_space<vmem>>) dst(%dma_wait3A_584 : memref<10112x128xf32, #tpu.memory_space<vmem_shared>>)
      %add3A_585 = arith.constant 3 : i32
      %add3A_586 = arith.addi %add3A_560, %add3A_585 : i32
      %lt3A_587 = arith.constant 40 : i32
      %lt3A_588 = arith.cmpi slt, %add3A_586, %lt3A_587 : i32
      %jit3A_589 = arith.constant 0 : i32
      %select_n3A_590 = arith.select %lt3A_588, %add3A_586, %jit3A_589 : i32
      %dma_start3A_591 = arith.constant 0 : i32
      %dma_start3A_592 = arith.constant 0 : i32
      %dma_start3A_593 = arith.constant 0 : i32
      %dma_start3A_594 = tpu.memref_slice %arg6[%dma_start3A_591, %dma_start3A_592, %dma_start3A_593] : memref<4x2x128xi32, #tpu.memory_space<vmem>> -> memref<1x2x128xi32, #tpu.memory_space<vmem>>
      %dma_start3A_595 = tpu.memref_squeeze %dma_start3A_594 : memref<1x2x128xi32, #tpu.memory_space<vmem>> -> memref<2x128xi32, #tpu.memory_space<vmem>>
      %dma_start3A_596 = arith.constant 0 : i32
      %dma_start3A_597 = arith.constant 0 : i32
      %dma_start3A_598 = tpu.memref_slice %arg3[%add3A, %select_n3A_590, %dma_start3A_596, %dma_start3A_597] : memref<32x40x2x128xi32, #tpu.memory_space<hbm>> -> memref<1x1x2x128xi32, #tpu.memory_space<hbm>>
      %dma_start3A_599 = tpu.memref_squeeze %dma_start3A_598 : memref<1x1x2x128xi32, #tpu.memory_space<hbm>> -> memref<2x128xi32, #tpu.memory_space<hbm>>
      %dma_start3A_600 = arith.constant 0 : i32
      %dma_start3A_601 = arith.constant 0 : i32
      %dma_start3A_602 = tpu.memref_slice %arg6[%dma_start3A_591, %dma_start3A_600, %dma_start3A_601] : memref<4x2x128xi32, #tpu.memory_space<vmem>> -> memref<1x2x128xi32, #tpu.memory_space<vmem>>
      %dma_start3A_603 = tpu.memref_squeeze %dma_start3A_602 : memref<1x2x128xi32, #tpu.memory_space<vmem>> -> memref<2x128xi32, #tpu.memory_space<vmem>>
      %dma_start3A_604 = arith.constant 0 : i32
      %dma_start3A_605 = arith.constant 0 : i32
      %dma_start3A_606 = tpu.memref_slice %arg3[%add3A, %select_n3A_590, %dma_start3A_604, %dma_start3A_605] : memref<32x40x2x128xi32, #tpu.memory_space<hbm>> -> memref<1x1x2x128xi32, #tpu.memory_space<hbm>>
      %dma_start3A_607 = tpu.memref_squeeze %dma_start3A_606 : memref<1x1x2x128xi32, #tpu.memory_space<hbm>> -> memref<2x128xi32, #tpu.memory_space<hbm>>
      tpu.enqueue_dma source(%dma_start3A_607 : memref<2x128xi32, #tpu.memory_space<hbm>>) target(%dma_start3A_603 : memref<2x128xi32, #tpu.memory_space<vmem>>) target_semaphore(%arg14 : memref<!tpu.dma_semaphore, #tpu.memory_space<semaphore_mem>>)
      %dma_wait3A_608 = arith.constant 0 : i32
      %dma_wait3A_609 = arith.constant 2 : i32
      %dma_wait3A_610 = arith.constant 0 : i32
      %dma_wait3A_611 = arith.constant 0 : i32
      %dma_wait3A_612 = tpu.memref_slice %arg6[%dma_wait3A_609, %dma_wait3A_610, %dma_wait3A_611] : memref<4x2x128xi32, #tpu.memory_space<vmem>> -> memref<1x2x128xi32, #tpu.memory_space<vmem>>
      %dma_wait3A_613 = tpu.memref_squeeze %dma_wait3A_612 : memref<1x2x128xi32, #tpu.memory_space<vmem>> -> memref<2x128xi32, #tpu.memory_space<vmem>>
      %dma_wait3A_614 = arith.constant 0 : i32
      %dma_wait3A_615 = arith.constant 0 : i32
      %dma_wait3A_616 = tpu.memref_slice %arg3[%add3A, %dma_wait3A_608, %dma_wait3A_614, %dma_wait3A_615] : memref<32x40x2x128xi32, #tpu.memory_space<hbm>> -> memref<1x1x2x128xi32, #tpu.memory_space<hbm>>
      %dma_wait3A_617 = tpu.memref_squeeze %dma_wait3A_616 : memref<1x1x2x128xi32, #tpu.memory_space<hbm>> -> memref<2x128xi32, #tpu.memory_space<hbm>>
      %dma_wait3A_618 = arith.constant 0 : i32
      %dma_wait3A_619 = arith.constant 0 : i32
      %dma_wait3A_620 = tpu.memref_slice %arg6[%dma_wait3A_609, %dma_wait3A_618, %dma_wait3A_619] : memref<4x2x128xi32, #tpu.memory_space<vmem>> -> memref<1x2x128xi32, #tpu.memory_space<vmem>>
      %dma_wait3A_621 = tpu.memref_squeeze %dma_wait3A_620 : memref<1x2x128xi32, #tpu.memory_space<vmem>> -> memref<2x128xi32, #tpu.memory_space<vmem>>
      %dma_wait3A_622 = arith.constant 0 : i32
      %dma_wait3A_623 = arith.constant 0 : i32
      %dma_wait3A_624 = tpu.memref_slice %arg3[%add3A, %dma_wait3A_608, %dma_wait3A_622, %dma_wait3A_623] : memref<32x40x2x128xi32, #tpu.memory_space<hbm>> -> memref<1x1x2x128xi32, #tpu.memory_space<hbm>>
      %dma_wait3A_625 = tpu.memref_squeeze %dma_wait3A_624 : memref<1x1x2x128xi32, #tpu.memory_space<hbm>> -> memref<2x128xi32, #tpu.memory_space<hbm>>
      tpu.wait_dma2 semaphore(%arg16 : memref<!tpu.dma_semaphore, #tpu.memory_space<semaphore_mem>>) src(%dma_wait3A_625 : memref<2x128xi32, #tpu.memory_space<hbm>>) dst(%dma_wait3A_621 : memref<2x128xi32, #tpu.memory_space<vmem>>)
      %dma_start3A_626 = arith.constant 2 : i32
      %dma_start3A_627 = arith.constant 0 : i32
      %dma_start3A_628 = arith.constant 0 : i32
      %dma_start3A_629 = tpu.memref_slice %arg6[%dma_start3A_626, %dma_start3A_627, %dma_start3A_628] : memref<4x2x128xi32, #tpu.memory_space<vmem>> -> memref<1x1x128xi32, #tpu.memory_space<vmem>>
      %dma_start3A_630 = tpu.memref_squeeze %dma_start3A_629 : memref<1x1x128xi32, #tpu.memory_space<vmem>> -> memref<128xi32, #tpu.memory_space<vmem>>
      %dma_start3A_631 = arith.constant 0 : i32
      %dma_start3A_632 = arith.constant 0 : i32
      %dma_start3A_633 = tpu.memref_slice %arg2[%dma_start3A_631, %dma_start3A_632] : memref<40000x128xf32, #tpu.memory_space<hbm>> -> memref<40000x128xf32, #tpu.memory_space<hbm>>
      tpu.enqueue_indirect_dma source(%dma_start3A_633 : memref<40000x128xf32, #tpu.memory_space<hbm>>) target(%arg7 : memref<128x128xf32, #tpu.memory_space<vmem>>) offsets(%dma_start3A_630 : memref<128xi32, #tpu.memory_space<vmem>>) semaphore(%arg10 : memref<!tpu.dma_semaphore, #tpu.memory_space<semaphore_mem>>)
      %add3A_634 = arith.constant 2 : i32
      %add3A_635 = arith.addi %mul3A_490, %add3A_634 : i32
      %dma_wait3A_636 = arith.constant 0 : i32
      %dma_wait3A_637 = arith.constant 0 : i32
      %dma_wait3A_638 = arith.constant 0 : i32
      %dma_wait3A_639 = tpu.memref_slice %arg6[%dma_wait3A_636, %dma_wait3A_637, %dma_wait3A_638] : memref<4x2x128xi32, #tpu.memory_space<vmem>> -> memref<1x1x128xi32, #tpu.memory_space<vmem>>
      %dma_wait3A_640 = tpu.memref_squeeze %dma_wait3A_639 : memref<1x1x128xi32, #tpu.memory_space<vmem>> -> memref<128xi32, #tpu.memory_space<vmem>>
      %dma_wait3A_641 = arith.constant 0 : i32
      %dma_wait3A_642 = arith.constant 0 : i32
      %dma_wait3A_643 = tpu.memref_slice %arg2[%dma_wait3A_641, %dma_wait3A_642] : memref<40000x128xf32, #tpu.memory_space<hbm>> -> memref<40000x128xf32, #tpu.memory_space<hbm>>
      tpu.wait_indirect_dma semaphore(%arg10 : memref<!tpu.dma_semaphore, #tpu.memory_space<semaphore_mem>>) src(%dma_wait3A_643 : memref<40000x128xf32, #tpu.memory_space<hbm>>) dst(%arg7 : memref<128x128xf32, #tpu.memory_space<vmem>>)
      %dma_start3A_644 = arith.constant 2 : i32
      %dma_start3A_645 = arith.constant 1 : i32
      %dma_start3A_646 = arith.constant 0 : i32
      %dma_start3A_647 = tpu.memref_slice %arg6[%dma_start3A_644, %dma_start3A_645, %dma_start3A_646] : memref<4x2x128xi32, #tpu.memory_space<vmem>> -> memref<1x1x128xi32, #tpu.memory_space<vmem>>
      %dma_start3A_648 = tpu.memref_squeeze %dma_start3A_647 : memref<1x1x128xi32, #tpu.memory_space<vmem>> -> memref<128xi32, #tpu.memory_space<vmem>>
      %dma_start3A_649 = arith.constant 0 : i32
      %dma_start3A_650 = arith.constant 0 : i32
      %dma_start3A_651 = tpu.memref_slice %arg9[%dma_start3A_649, %dma_start3A_650] : memref<10112x128xf32, #tpu.memory_space<vmem_shared>> -> memref<10112x128xf32, #tpu.memory_space<vmem_shared>>
      tpu.enqueue_indirect_dma source(%arg7 : memref<128x128xf32, #tpu.memory_space<vmem>>) target(%dma_start3A_651 : memref<10112x128xf32, #tpu.memory_space<vmem_shared>>) offsets(%dma_start3A_648 : memref<128xi32, #tpu.memory_space<vmem>>) semaphore(%arg12 : memref<!tpu.dma_semaphore, #tpu.memory_space<semaphore_mem>>) {add = true}
      %dma_wait3A_652 = arith.constant 0 : i32
      %dma_wait3A_653 = arith.constant 1 : i32
      %dma_wait3A_654 = arith.constant 0 : i32
      %dma_wait3A_655 = tpu.memref_slice %arg6[%dma_wait3A_652, %dma_wait3A_653, %dma_wait3A_654] : memref<4x2x128xi32, #tpu.memory_space<vmem>> -> memref<1x1x128xi32, #tpu.memory_space<vmem>>
      %dma_wait3A_656 = tpu.memref_squeeze %dma_wait3A_655 : memref<1x1x128xi32, #tpu.memory_space<vmem>> -> memref<128xi32, #tpu.memory_space<vmem>>
      %dma_wait3A_657 = arith.constant 0 : i32
      %dma_wait3A_658 = arith.constant 0 : i32
      %dma_wait3A_659 = tpu.memref_slice %arg9[%dma_wait3A_657, %dma_wait3A_658] : memref<10112x128xf32, #tpu.memory_space<vmem_shared>> -> memref<10112x128xf32, #tpu.memory_space<vmem_shared>>
      tpu.wait_indirect_dma semaphore(%arg13 : memref<!tpu.dma_semaphore, #tpu.memory_space<semaphore_mem>>) src(%arg8 : memref<128x128xf32, #tpu.memory_space<vmem>>) dst(%dma_wait3A_659 : memref<10112x128xf32, #tpu.memory_space<vmem_shared>>)
      %add3A_660 = arith.constant 3 : i32
      %add3A_661 = arith.addi %add3A_635, %add3A_660 : i32
      %lt3A_662 = arith.constant 40 : i32
      %lt3A_663 = arith.cmpi slt, %add3A_661, %lt3A_662 : i32
      %jit3A_664 = arith.constant 0 : i32
      %select_n3A_665 = arith.select %lt3A_663, %add3A_661, %jit3A_664 : i32
      %dma_start3A_666 = arith.constant 1 : i32
      %dma_start3A_667 = arith.constant 0 : i32
      %dma_start3A_668 = arith.constant 0 : i32
      %dma_start3A_669 = tpu.memref_slice %arg6[%dma_start3A_666, %dma_start3A_667, %dma_start3A_668] : memref<4x2x128xi32, #tpu.memory_space<vmem>> -> memref<1x2x128xi32, #tpu.memory_space<vmem>>
      %dma_start3A_670 = tpu.memref_squeeze %dma_start3A_669 : memref<1x2x128xi32, #tpu.memory_space<vmem>> -> memref<2x128xi32, #tpu.memory_space<vmem>>
      %dma_start3A_671 = arith.constant 0 : i32
      %dma_start3A_672 = arith.constant 0 : i32
      %dma_start3A_673 = tpu.memref_slice %arg3[%add3A, %select_n3A_665, %dma_start3A_671, %dma_start3A_672] : memref<32x40x2x128xi32, #tpu.memory_space<hbm>> -> memref<1x1x2x128xi32, #tpu.memory_space<hbm>>
      %dma_start3A_674 = tpu.memref_squeeze %dma_start3A_673 : memref<1x1x2x128xi32, #tpu.memory_space<hbm>> -> memref<2x128xi32, #tpu.memory_space<hbm>>
      %dma_start3A_675 = arith.constant 0 : i32
      %dma_start3A_676 = arith.constant 0 : i32
      %dma_start3A_677 = tpu.memref_slice %arg6[%dma_start3A_666, %dma_start3A_675, %dma_start3A_676] : memref<4x2x128xi32, #tpu.memory_space<vmem>> -> memref<1x2x128xi32, #tpu.memory_space<vmem>>
      %dma_start3A_678 = tpu.memref_squeeze %dma_start3A_677 : memref<1x2x128xi32, #tpu.memory_space<vmem>> -> memref<2x128xi32, #tpu.memory_space<vmem>>
      %dma_start3A_679 = arith.constant 0 : i32
      %dma_start3A_680 = arith.constant 0 : i32
      %dma_start3A_681 = tpu.memref_slice %arg3[%add3A, %select_n3A_665, %dma_start3A_679, %dma_start3A_680] : memref<32x40x2x128xi32, #tpu.memory_space<hbm>> -> memref<1x1x2x128xi32, #tpu.memory_space<hbm>>
      %dma_start3A_682 = tpu.memref_squeeze %dma_start3A_681 : memref<1x1x2x128xi32, #tpu.memory_space<hbm>> -> memref<2x128xi32, #tpu.memory_space<hbm>>
      tpu.enqueue_dma source(%dma_start3A_682 : memref<2x128xi32, #tpu.memory_space<hbm>>) target(%dma_start3A_678 : memref<2x128xi32, #tpu.memory_space<vmem>>) target_semaphore(%arg15 : memref<!tpu.dma_semaphore, #tpu.memory_space<semaphore_mem>>)
      %dma_wait3A_683 = arith.constant 0 : i32
      %dma_wait3A_684 = arith.constant 3 : i32
      %dma_wait3A_685 = arith.constant 0 : i32
      %dma_wait3A_686 = arith.constant 0 : i32
      %dma_wait3A_687 = tpu.memref_slice %arg6[%dma_wait3A_684, %dma_wait3A_685, %dma_wait3A_686] : memref<4x2x128xi32, #tpu.memory_space<vmem>> -> memref<1x2x128xi32, #tpu.memory_space<vmem>>
      %dma_wait3A_688 = tpu.memref_squeeze %dma_wait3A_687 : memref<1x2x128xi32, #tpu.memory_space<vmem>> -> memref<2x128xi32, #tpu.memory_space<vmem>>
      %dma_wait3A_689 = arith.constant 0 : i32
      %dma_wait3A_690 = arith.constant 0 : i32
      %dma_wait3A_691 = tpu.memref_slice %arg3[%add3A, %dma_wait3A_683, %dma_wait3A_689, %dma_wait3A_690] : memref<32x40x2x128xi32, #tpu.memory_space<hbm>> -> memref<1x1x2x128xi32, #tpu.memory_space<hbm>>
      %dma_wait3A_692 = tpu.memref_squeeze %dma_wait3A_691 : memref<1x1x2x128xi32, #tpu.memory_space<hbm>> -> memref<2x128xi32, #tpu.memory_space<hbm>>
      %dma_wait3A_693 = arith.constant 0 : i32
      %dma_wait3A_694 = arith.constant 0 : i32
      %dma_wait3A_695 = tpu.memref_slice %arg6[%dma_wait3A_684, %dma_wait3A_693, %dma_wait3A_694] : memref<4x2x128xi32, #tpu.memory_space<vmem>> -> memref<1x2x128xi32, #tpu.memory_space<vmem>>
      %dma_wait3A_696 = tpu.memref_squeeze %dma_wait3A_695 : memref<1x2x128xi32, #tpu.memory_space<vmem>> -> memref<2x128xi32, #tpu.memory_space<vmem>>
      %dma_wait3A_697 = arith.constant 0 : i32
      %dma_wait3A_698 = arith.constant 0 : i32
      %dma_wait3A_699 = tpu.memref_slice %arg3[%add3A, %dma_wait3A_683, %dma_wait3A_697, %dma_wait3A_698] : memref<32x40x2x128xi32, #tpu.memory_space<hbm>> -> memref<1x1x2x128xi32, #tpu.memory_space<hbm>>
      %dma_wait3A_700 = tpu.memref_squeeze %dma_wait3A_699 : memref<1x1x2x128xi32, #tpu.memory_space<hbm>> -> memref<2x128xi32, #tpu.memory_space<hbm>>
      tpu.wait_dma2 semaphore(%arg17 : memref<!tpu.dma_semaphore, #tpu.memory_space<semaphore_mem>>) src(%dma_wait3A_700 : memref<2x128xi32, #tpu.memory_space<hbm>>) dst(%dma_wait3A_696 : memref<2x128xi32, #tpu.memory_space<vmem>>)
      %dma_start3A_701 = arith.constant 3 : i32
      %dma_start3A_702 = arith.constant 0 : i32
      %dma_start3A_703 = arith.constant 0 : i32
      %dma_start3A_704 = tpu.memref_slice %arg6[%dma_start3A_701, %dma_start3A_702, %dma_start3A_703] : memref<4x2x128xi32, #tpu.memory_space<vmem>> -> memref<1x1x128xi32, #tpu.memory_space<vmem>>
      %dma_start3A_705 = tpu.memref_squeeze %dma_start3A_704 : memref<1x1x128xi32, #tpu.memory_space<vmem>> -> memref<128xi32, #tpu.memory_space<vmem>>
      %dma_start3A_706 = arith.constant 0 : i32
      %dma_start3A_707 = arith.constant 0 : i32
      %dma_start3A_708 = tpu.memref_slice %arg2[%dma_start3A_706, %dma_start3A_707] : memref<40000x128xf32, #tpu.memory_space<hbm>> -> memref<40000x128xf32, #tpu.memory_space<hbm>>
      tpu.enqueue_indirect_dma source(%dma_start3A_708 : memref<40000x128xf32, #tpu.memory_space<hbm>>) target(%arg8 : memref<128x128xf32, #tpu.memory_space<vmem>>) offsets(%dma_start3A_705 : memref<128xi32, #tpu.memory_space<vmem>>) semaphore(%arg11 : memref<!tpu.dma_semaphore, #tpu.memory_space<semaphore_mem>>)
      %add3A_709 = arith.constant 3 : i32
      %add3A_710 = arith.addi %mul3A_490, %add3A_709 : i32
      %dma_wait3A_711 = arith.constant 0 : i32
      %dma_wait3A_712 = arith.constant 0 : i32
      %dma_wait3A_713 = arith.constant 0 : i32
      %dma_wait3A_714 = tpu.memref_slice %arg6[%dma_wait3A_711, %dma_wait3A_712, %dma_wait3A_713] : memref<4x2x128xi32, #tpu.memory_space<vmem>> -> memref<1x1x128xi32, #tpu.memory_space<vmem>>
      %dma_wait3A_715 = tpu.memref_squeeze %dma_wait3A_714 : memref<1x1x128xi32, #tpu.memory_space<vmem>> -> memref<128xi32, #tpu.memory_space<vmem>>
      %dma_wait3A_716 = arith.constant 0 : i32
      %dma_wait3A_717 = arith.constant 0 : i32
      %dma_wait3A_718 = tpu.memref_slice %arg2[%dma_wait3A_716, %dma_wait3A_717] : memref<40000x128xf32, #tpu.memory_space<hbm>> -> memref<40000x128xf32, #tpu.memory_space<hbm>>
      tpu.wait_indirect_dma semaphore(%arg11 : memref<!tpu.dma_semaphore, #tpu.memory_space<semaphore_mem>>) src(%dma_wait3A_718 : memref<40000x128xf32, #tpu.memory_space<hbm>>) dst(%arg8 : memref<128x128xf32, #tpu.memory_space<vmem>>)
      %dma_start3A_719 = arith.constant 3 : i32
      %dma_start3A_720 = arith.constant 1 : i32
      %dma_start3A_721 = arith.constant 0 : i32
      %dma_start3A_722 = tpu.memref_slice %arg6[%dma_start3A_719, %dma_start3A_720, %dma_start3A_721] : memref<4x2x128xi32, #tpu.memory_space<vmem>> -> memref<1x1x128xi32, #tpu.memory_space<vmem>>
      %dma_start3A_723 = tpu.memref_squeeze %dma_start3A_722 : memref<1x1x128xi32, #tpu.memory_space<vmem>> -> memref<128xi32, #tpu.memory_space<vmem>>
      %dma_start3A_724 = arith.constant 0 : i32
      %dma_start3A_725 = arith.constant 0 : i32
      %dma_start3A_726 = tpu.memref_slice %arg9[%dma_start3A_724, %dma_start3A_725] : memref<10112x128xf32, #tpu.memory_space<vmem_shared>> -> memref<10112x128xf32, #tpu.memory_space<vmem_shared>>
      tpu.enqueue_indirect_dma source(%arg8 : memref<128x128xf32, #tpu.memory_space<vmem>>) target(%dma_start3A_726 : memref<10112x128xf32, #tpu.memory_space<vmem_shared>>) offsets(%dma_start3A_723 : memref<128xi32, #tpu.memory_space<vmem>>) semaphore(%arg13 : memref<!tpu.dma_semaphore, #tpu.memory_space<semaphore_mem>>) {add = true}
      %dma_wait3A_727 = arith.constant 0 : i32
      %dma_wait3A_728 = arith.constant 1 : i32
      %dma_wait3A_729 = arith.constant 0 : i32
      %dma_wait3A_730 = tpu.memref_slice %arg6[%dma_wait3A_727, %dma_wait3A_728, %dma_wait3A_729] : memref<4x2x128xi32, #tpu.memory_space<vmem>> -> memref<1x1x128xi32, #tpu.memory_space<vmem>>
      %dma_wait3A_731 = tpu.memref_squeeze %dma_wait3A_730 : memref<1x1x128xi32, #tpu.memory_space<vmem>> -> memref<128xi32, #tpu.memory_space<vmem>>
      %dma_wait3A_732 = arith.constant 0 : i32
      %dma_wait3A_733 = arith.constant 0 : i32
      %dma_wait3A_734 = tpu.memref_slice %arg9[%dma_wait3A_732, %dma_wait3A_733] : memref<10112x128xf32, #tpu.memory_space<vmem_shared>> -> memref<10112x128xf32, #tpu.memory_space<vmem_shared>>
      tpu.wait_indirect_dma semaphore(%arg12 : memref<!tpu.dma_semaphore, #tpu.memory_space<semaphore_mem>>) src(%arg7 : memref<128x128xf32, #tpu.memory_space<vmem>>) dst(%dma_wait3A_734 : memref<10112x128xf32, #tpu.memory_space<vmem_shared>>)
      %add3A_735 = arith.constant 3 : i32
      %add3A_736 = arith.addi %add3A_710, %add3A_735 : i32
      %lt3A_737 = arith.constant 40 : i32
      %lt3A_738 = arith.cmpi slt, %add3A_736, %lt3A_737 : i32
      %jit3A_739 = arith.constant 0 : i32
      %select_n3A_740 = arith.select %lt3A_738, %add3A_736, %jit3A_739 : i32
      %dma_start3A_741 = arith.constant 2 : i32
      %dma_start3A_742 = arith.constant 0 : i32
      %dma_start3A_743 = arith.constant 0 : i32
      %dma_start3A_744 = tpu.memref_slice %arg6[%dma_start3A_741, %dma_start3A_742, %dma_start3A_743] : memref<4x2x128xi32, #tpu.memory_space<vmem>> -> memref<1x2x128xi32, #tpu.memory_space<vmem>>
      %dma_start3A_745 = tpu.memref_squeeze %dma_start3A_744 : memref<1x2x128xi32, #tpu.memory_space<vmem>> -> memref<2x128xi32, #tpu.memory_space<vmem>>
      %dma_start3A_746 = arith.constant 0 : i32
      %dma_start3A_747 = arith.constant 0 : i32
      %dma_start3A_748 = tpu.memref_slice %arg3[%add3A, %select_n3A_740, %dma_start3A_746, %dma_start3A_747] : memref<32x40x2x128xi32, #tpu.memory_space<hbm>> -> memref<1x1x2x128xi32, #tpu.memory_space<hbm>>
      %dma_start3A_749 = tpu.memref_squeeze %dma_start3A_748 : memref<1x1x2x128xi32, #tpu.memory_space<hbm>> -> memref<2x128xi32, #tpu.memory_space<hbm>>
      %dma_start3A_750 = arith.constant 0 : i32
      %dma_start3A_751 = arith.constant 0 : i32
      %dma_start3A_752 = tpu.memref_slice %arg6[%dma_start3A_741, %dma_start3A_750, %dma_start3A_751] : memref<4x2x128xi32, #tpu.memory_space<vmem>> -> memref<1x2x128xi32, #tpu.memory_space<vmem>>
      %dma_start3A_753 = tpu.memref_squeeze %dma_start3A_752 : memref<1x2x128xi32, #tpu.memory_space<vmem>> -> memref<2x128xi32, #tpu.memory_space<vmem>>
      %dma_start3A_754 = arith.constant 0 : i32
      %dma_start3A_755 = arith.constant 0 : i32
      %dma_start3A_756 = tpu.memref_slice %arg3[%add3A, %select_n3A_740, %dma_start3A_754, %dma_start3A_755] : memref<32x40x2x128xi32, #tpu.memory_space<hbm>> -> memref<1x1x2x128xi32, #tpu.memory_space<hbm>>
      %dma_start3A_757 = tpu.memref_squeeze %dma_start3A_756 : memref<1x1x2x128xi32, #tpu.memory_space<hbm>> -> memref<2x128xi32, #tpu.memory_space<hbm>>
      tpu.enqueue_dma source(%dma_start3A_757 : memref<2x128xi32, #tpu.memory_space<hbm>>) target(%dma_start3A_753 : memref<2x128xi32, #tpu.memory_space<vmem>>) target_semaphore(%arg16 : memref<!tpu.dma_semaphore, #tpu.memory_space<semaphore_mem>>)
      %dma_wait3A_758 = arith.constant 0 : i32
      %dma_wait3A_759 = arith.constant 0 : i32
      %dma_wait3A_760 = arith.constant 0 : i32
      %dma_wait3A_761 = arith.constant 0 : i32
      %dma_wait3A_762 = tpu.memref_slice %arg6[%dma_wait3A_759, %dma_wait3A_760, %dma_wait3A_761] : memref<4x2x128xi32, #tpu.memory_space<vmem>> -> memref<1x2x128xi32, #tpu.memory_space<vmem>>
      %dma_wait3A_763 = tpu.memref_squeeze %dma_wait3A_762 : memref<1x2x128xi32, #tpu.memory_space<vmem>> -> memref<2x128xi32, #tpu.memory_space<vmem>>
      %dma_wait3A_764 = arith.constant 0 : i32
      %dma_wait3A_765 = arith.constant 0 : i32
      %dma_wait3A_766 = tpu.memref_slice %arg3[%add3A, %dma_wait3A_758, %dma_wait3A_764, %dma_wait3A_765] : memref<32x40x2x128xi32, #tpu.memory_space<hbm>> -> memref<1x1x2x128xi32, #tpu.memory_space<hbm>>
      %dma_wait3A_767 = tpu.memref_squeeze %dma_wait3A_766 : memref<1x1x2x128xi32, #tpu.memory_space<hbm>> -> memref<2x128xi32, #tpu.memory_space<hbm>>
      %dma_wait3A_768 = arith.constant 0 : i32
      %dma_wait3A_769 = arith.constant 0 : i32
      %dma_wait3A_770 = tpu.memref_slice %arg6[%dma_wait3A_759, %dma_wait3A_768, %dma_wait3A_769] : memref<4x2x128xi32, #tpu.memory_space<vmem>> -> memref<1x2x128xi32, #tpu.memory_space<vmem>>
      %dma_wait3A_771 = tpu.memref_squeeze %dma_wait3A_770 : memref<1x2x128xi32, #tpu.memory_space<vmem>> -> memref<2x128xi32, #tpu.memory_space<vmem>>
      %dma_wait3A_772 = arith.constant 0 : i32
      %dma_wait3A_773 = arith.constant 0 : i32
      %dma_wait3A_774 = tpu.memref_slice %arg3[%add3A, %dma_wait3A_758, %dma_wait3A_772, %dma_wait3A_773] : memref<32x40x2x128xi32, #tpu.memory_space<hbm>> -> memref<1x1x2x128xi32, #tpu.memory_space<hbm>>
      %dma_wait3A_775 = tpu.memref_squeeze %dma_wait3A_774 : memref<1x1x2x128xi32, #tpu.memory_space<hbm>> -> memref<2x128xi32, #tpu.memory_space<hbm>>
      tpu.wait_dma2 semaphore(%arg14 : memref<!tpu.dma_semaphore, #tpu.memory_space<semaphore_mem>>) src(%dma_wait3A_775 : memref<2x128xi32, #tpu.memory_space<hbm>>) dst(%dma_wait3A_771 : memref<2x128xi32, #tpu.memory_space<vmem>>)
      %dma_start3A_776 = arith.constant 0 : i32
      %dma_start3A_777 = arith.constant 0 : i32
      %dma_start3A_778 = arith.constant 0 : i32
      %dma_start3A_779 = tpu.memref_slice %arg6[%dma_start3A_776, %dma_start3A_777, %dma_start3A_778] : memref<4x2x128xi32, #tpu.memory_space<vmem>> -> memref<1x1x128xi32, #tpu.memory_space<vmem>>
      %dma_start3A_780 = tpu.memref_squeeze %dma_start3A_779 : memref<1x1x128xi32, #tpu.memory_space<vmem>> -> memref<128xi32, #tpu.memory_space<vmem>>
      %dma_start3A_781 = arith.constant 0 : i32
      %dma_start3A_782 = arith.constant 0 : i32
      %dma_start3A_783 = tpu.memref_slice %arg2[%dma_start3A_781, %dma_start3A_782] : memref<40000x128xf32, #tpu.memory_space<hbm>> -> memref<40000x128xf32, #tpu.memory_space<hbm>>
      tpu.enqueue_indirect_dma source(%dma_start3A_783 : memref<40000x128xf32, #tpu.memory_space<hbm>>) target(%arg7 : memref<128x128xf32, #tpu.memory_space<vmem>>) offsets(%dma_start3A_780 : memref<128xi32, #tpu.memory_space<vmem>>) semaphore(%arg10 : memref<!tpu.dma_semaphore, #tpu.memory_space<semaphore_mem>>)
    }
    %scan3A_174 = arith.constant 10 : i32
    %dma_wait3A_175 = arith.constant 0 : i32
    %dma_wait3A_176 = arith.constant 0 : i32
    %dma_wait3A_177 = arith.constant 0 : i32
    %dma_wait3A_178 = tpu.memref_slice %arg6[%dma_wait3A_175, %dma_wait3A_176, %dma_wait3A_177] : memref<4x2x128xi32, #tpu.memory_space<vmem>> -> memref<1x1x128xi32, #tpu.memory_space<vmem>>
    %dma_wait3A_179 = tpu.memref_squeeze %dma_wait3A_178 : memref<1x1x128xi32, #tpu.memory_space<vmem>> -> memref<128xi32, #tpu.memory_space<vmem>>
    %dma_wait3A_180 = arith.constant 0 : i32
    %dma_wait3A_181 = arith.constant 0 : i32
    %dma_wait3A_182 = tpu.memref_slice %arg2[%dma_wait3A_180, %dma_wait3A_181] : memref<40000x128xf32, #tpu.memory_space<hbm>> -> memref<40000x128xf32, #tpu.memory_space<hbm>>
    tpu.wait_indirect_dma semaphore(%arg10 : memref<!tpu.dma_semaphore, #tpu.memory_space<semaphore_mem>>) src(%dma_wait3A_182 : memref<40000x128xf32, #tpu.memory_space<hbm>>) dst(%arg7 : memref<128x128xf32, #tpu.memory_space<vmem>>)
    %dma_wait3A_183 = arith.constant 0 : i32
    %dma_wait3A_184 = arith.constant 1 : i32
    %dma_wait3A_185 = arith.constant 0 : i32
    %dma_wait3A_186 = tpu.memref_slice %arg6[%dma_wait3A_183, %dma_wait3A_184, %dma_wait3A_185] : memref<4x2x128xi32, #tpu.memory_space<vmem>> -> memref<1x1x128xi32, #tpu.memory_space<vmem>>
    %dma_wait3A_187 = tpu.memref_squeeze %dma_wait3A_186 : memref<1x1x128xi32, #tpu.memory_space<vmem>> -> memref<128xi32, #tpu.memory_space<vmem>>
    %dma_wait3A_188 = arith.constant 0 : i32
    %dma_wait3A_189 = arith.constant 0 : i32
    %dma_wait3A_190 = tpu.memref_slice %arg9[%dma_wait3A_188, %dma_wait3A_189] : memref<10112x128xf32, #tpu.memory_space<vmem_shared>> -> memref<10112x128xf32, #tpu.memory_space<vmem_shared>>
    tpu.wait_indirect_dma semaphore(%arg13 : memref<!tpu.dma_semaphore, #tpu.memory_space<semaphore_mem>>) src(%arg8 : memref<128x128xf32, #tpu.memory_space<vmem>>) dst(%dma_wait3A_190 : memref<10112x128xf32, #tpu.memory_space<vmem_shared>>)
    %dma_wait3A_191 = arith.constant 0 : i32
    %dma_wait3A_192 = arith.constant 1 : i32
    %dma_wait3A_193 = arith.constant 0 : i32
    %dma_wait3A_194 = arith.constant 0 : i32
    %dma_wait3A_195 = tpu.memref_slice %arg6[%dma_wait3A_192, %dma_wait3A_193, %dma_wait3A_194] : memref<4x2x128xi32, #tpu.memory_space<vmem>> -> memref<1x2x128xi32, #tpu.memory_space<vmem>>
    %dma_wait3A_196 = tpu.memref_squeeze %dma_wait3A_195 : memref<1x2x128xi32, #tpu.memory_space<vmem>> -> memref<2x128xi32, #tpu.memory_space<vmem>>
    %dma_wait3A_197 = arith.constant 0 : i32
    %dma_wait3A_198 = arith.constant 0 : i32
    %dma_wait3A_199 = tpu.memref_slice %arg3[%add3A, %dma_wait3A_191, %dma_wait3A_197, %dma_wait3A_198] : memref<32x40x2x128xi32, #tpu.memory_space<hbm>> -> memref<1x1x2x128xi32, #tpu.memory_space<hbm>>
    %dma_wait3A_200 = tpu.memref_squeeze %dma_wait3A_199 : memref<1x1x2x128xi32, #tpu.memory_space<hbm>> -> memref<2x128xi32, #tpu.memory_space<hbm>>
    %dma_wait3A_201 = arith.constant 0 : i32
    %dma_wait3A_202 = arith.constant 0 : i32
    %dma_wait3A_203 = tpu.memref_slice %arg6[%dma_wait3A_192, %dma_wait3A_201, %dma_wait3A_202] : memref<4x2x128xi32, #tpu.memory_space<vmem>> -> memref<1x2x128xi32, #tpu.memory_space<vmem>>
    %dma_wait3A_204 = tpu.memref_squeeze %dma_wait3A_203 : memref<1x2x128xi32, #tpu.memory_space<vmem>> -> memref<2x128xi32, #tpu.memory_space<vmem>>
    %dma_wait3A_205 = arith.constant 0 : i32
    %dma_wait3A_206 = arith.constant 0 : i32
    %dma_wait3A_207 = tpu.memref_slice %arg3[%add3A, %dma_wait3A_191, %dma_wait3A_205, %dma_wait3A_206] : memref<32x40x2x128xi32, #tpu.memory_space<hbm>> -> memref<1x1x2x128xi32, #tpu.memory_space<hbm>>
    %dma_wait3A_208 = tpu.memref_squeeze %dma_wait3A_207 : memref<1x1x2x128xi32, #tpu.memory_space<hbm>> -> memref<2x128xi32, #tpu.memory_space<hbm>>
    tpu.wait_dma2 semaphore(%arg15 : memref<!tpu.dma_semaphore, #tpu.memory_space<semaphore_mem>>) src(%dma_wait3A_208 : memref<2x128xi32, #tpu.memory_space<hbm>>) dst(%dma_wait3A_204 : memref<2x128xi32, #tpu.memory_space<vmem>>)
    %dma_wait3A_209 = arith.constant 0 : i32
    %dma_wait3A_210 = arith.constant 2 : i32
    %dma_wait3A_211 = arith.constant 0 : i32
    %dma_wait3A_212 = arith.constant 0 : i32
    %dma_wait3A_213 = tpu.memref_slice %arg6[%dma_wait3A_210, %dma_wait3A_211, %dma_wait3A_212] : memref<4x2x128xi32, #tpu.memory_space<vmem>> -> memref<1x2x128xi32, #tpu.memory_space<vmem>>
    %dma_wait3A_214 = tpu.memref_squeeze %dma_wait3A_213 : memref<1x2x128xi32, #tpu.memory_space<vmem>> -> memref<2x128xi32, #tpu.memory_space<vmem>>
    %dma_wait3A_215 = arith.constant 0 : i32
    %dma_wait3A_216 = arith.constant 0 : i32
    %dma_wait3A_217 = tpu.memref_slice %arg3[%add3A, %dma_wait3A_209, %dma_wait3A_215, %dma_wait3A_216] : memref<32x40x2x128xi32, #tpu.memory_space<hbm>> -> memref<1x1x2x128xi32, #tpu.memory_space<hbm>>
    %dma_wait3A_218 = tpu.memref_squeeze %dma_wait3A_217 : memref<1x1x2x128xi32, #tpu.memory_space<hbm>> -> memref<2x128xi32, #tpu.memory_space<hbm>>
    %dma_wait3A_219 = arith.constant 0 : i32
    %dma_wait3A_220 = arith.constant 0 : i32
    %dma_wait3A_221 = tpu.memref_slice %arg6[%dma_wait3A_210, %dma_wait3A_219, %dma_wait3A_220] : memref<4x2x128xi32, #tpu.memory_space<vmem>> -> memref<1x2x128xi32, #tpu.memory_space<vmem>>
    %dma_wait3A_222 = tpu.memref_squeeze %dma_wait3A_221 : memref<1x2x128xi32, #tpu.memory_space<vmem>> -> memref<2x128xi32, #tpu.memory_space<vmem>>
    %dma_wait3A_223 = arith.constant 0 : i32
    %dma_wait3A_224 = arith.constant 0 : i32
    %dma_wait3A_225 = tpu.memref_slice %arg3[%add3A, %dma_wait3A_209, %dma_wait3A_223, %dma_wait3A_224] : memref<32x40x2x128xi32, #tpu.memory_space<hbm>> -> memref<1x1x2x128xi32, #tpu.memory_space<hbm>>
    %dma_wait3A_226 = tpu.memref_squeeze %dma_wait3A_225 : memref<1x1x2x128xi32, #tpu.memory_space<hbm>> -> memref<2x128xi32, #tpu.memory_space<hbm>>
    tpu.wait_dma2 semaphore(%arg16 : memref<!tpu.dma_semaphore, #tpu.memory_space<semaphore_mem>>) src(%dma_wait3A_226 : memref<2x128xi32, #tpu.memory_space<hbm>>) dst(%dma_wait3A_222 : memref<2x128xi32, #tpu.memory_space<vmem>>)
    %barrier3A_227 = arith.constant 0 : index
    tpu.barrier barrier_id(%barrier3A_227)
    %add3A_228 = arith.constant 0 : i32
    %add3A_229 = arith.addi %multiple_of3A, %add3A_228 : i32
    %dma_start3A_230 = arith.constant 0 : i32
    %dma_start3A_231 = arith.constant 0 : i32
    %dma_start3A_232 = tpu.memref_slice %arg7[%dma_start3A_230, %dma_start3A_231] : memref<128x128xf32, #tpu.memory_space<vmem>> -> memref<128x128xf32, #tpu.memory_space<vmem>>
    %dma_start3A_233 = arith.constant 0 : i32
    %dma_start3A_234 = tpu.memref_slice %arg9[%add3A_229, %dma_start3A_233] : memref<10112x128xf32, #tpu.memory_space<vmem_shared>> -> memref<128x128xf32, #tpu.memory_space<vmem_shared>>
    %dma_start3A_235 = arith.constant 0 : i32
    %dma_start3A_236 = arith.constant 0 : i32
    %dma_start3A_237 = tpu.memref_slice %arg7[%dma_start3A_235, %dma_start3A_236] : memref<128x128xf32, #tpu.memory_space<vmem>> -> memref<128x128xf32, #tpu.memory_space<vmem>>
    %dma_start3A_238 = arith.constant 0 : i32
    %dma_start3A_239 = tpu.memref_slice %arg9[%add3A_229, %dma_start3A_238] : memref<10112x128xf32, #tpu.memory_space<vmem_shared>> -> memref<128x128xf32, #tpu.memory_space<vmem_shared>>
    tpu.enqueue_dma source(%dma_start3A_239 : memref<128x128xf32, #tpu.memory_space<vmem_shared>>) target(%dma_start3A_237 : memref<128x128xf32, #tpu.memory_space<vmem>>) target_semaphore(%arg10 : memref<!tpu.dma_semaphore, #tpu.memory_space<semaphore_mem>>)
    %add3A_240 = arith.constant 128 : i32
    %add3A_241 = arith.addi %multiple_of3A, %add3A_240 : i32
    %dma_start3A_242 = arith.constant 0 : i32
    %dma_start3A_243 = arith.constant 0 : i32
    %dma_start3A_244 = tpu.memref_slice %arg8[%dma_start3A_242, %dma_start3A_243] : memref<128x128xf32, #tpu.memory_space<vmem>> -> memref<128x128xf32, #tpu.memory_space<vmem>>
    %dma_start3A_245 = arith.constant 0 : i32
    %dma_start3A_246 = tpu.memref_slice %arg9[%add3A_241, %dma_start3A_245] : memref<10112x128xf32, #tpu.memory_space<vmem_shared>> -> memref<128x128xf32, #tpu.memory_space<vmem_shared>>
    %dma_start3A_247 = arith.constant 0 : i32
    %dma_start3A_248 = arith.constant 0 : i32
    %dma_start3A_249 = tpu.memref_slice %arg8[%dma_start3A_247, %dma_start3A_248] : memref<128x128xf32, #tpu.memory_space<vmem>> -> memref<128x128xf32, #tpu.memory_space<vmem>>
    %dma_start3A_250 = arith.constant 0 : i32
    %dma_start3A_251 = tpu.memref_slice %arg9[%add3A_241, %dma_start3A_250] : memref<10112x128xf32, #tpu.memory_space<vmem_shared>> -> memref<128x128xf32, #tpu.memory_space<vmem_shared>>
    tpu.enqueue_dma source(%dma_start3A_251 : memref<128x128xf32, #tpu.memory_space<vmem_shared>>) target(%dma_start3A_249 : memref<128x128xf32, #tpu.memory_space<vmem>>) target_semaphore(%arg11 : memref<!tpu.dma_semaphore, #tpu.memory_space<semaphore_mem>>)
    %add3A_252 = arith.constant 0 : i32
    %add3A_253 = arith.addi %multiple_of3A, %add3A_252 : i32
    %dma_wait3A_254 = arith.constant 0 : i32
    %dma_wait3A_255 = arith.constant 0 : i32
    %dma_wait3A_256 = tpu.memref_slice %arg7[%dma_wait3A_254, %dma_wait3A_255] : memref<128x128xf32, #tpu.memory_space<vmem>> -> memref<128x128xf32, #tpu.memory_space<vmem>>
    %dma_wait3A_257 = arith.constant 0 : i32
    %dma_wait3A_258 = tpu.memref_slice %arg9[%add3A_253, %dma_wait3A_257] : memref<10112x128xf32, #tpu.memory_space<vmem_shared>> -> memref<128x128xf32, #tpu.memory_space<vmem_shared>>
    %dma_wait3A_259 = arith.constant 0 : i32
    %dma_wait3A_260 = arith.constant 0 : i32
    %dma_wait3A_261 = tpu.memref_slice %arg7[%dma_wait3A_259, %dma_wait3A_260] : memref<128x128xf32, #tpu.memory_space<vmem>> -> memref<128x128xf32, #tpu.memory_space<vmem>>
    %dma_wait3A_262 = arith.constant 0 : i32
    %dma_wait3A_263 = tpu.memref_slice %arg9[%add3A_253, %dma_wait3A_262] : memref<10112x128xf32, #tpu.memory_space<vmem_shared>> -> memref<128x128xf32, #tpu.memory_space<vmem_shared>>
    tpu.wait_dma2 semaphore(%arg10 : memref<!tpu.dma_semaphore, #tpu.memory_space<semaphore_mem>>) src(%dma_wait3A_263 : memref<128x128xf32, #tpu.memory_space<vmem_shared>>) dst(%dma_wait3A_261 : memref<128x128xf32, #tpu.memory_space<vmem>>)
    %add3A_264 = arith.constant 0 : i32
    %add3A_265 = arith.addi %multiple_of3A, %add3A_264 : i32
    %dma_start3A_266 = arith.constant 0 : i32
    %dma_start3A_267 = arith.constant 0 : i32
    %dma_start3A_268 = tpu.memref_slice %arg7[%dma_start3A_266, %dma_start3A_267] : memref<128x128xf32, #tpu.memory_space<vmem>> -> memref<128x128xf32, #tpu.memory_space<vmem>>
    %dma_start3A_269 = arith.constant 0 : i32
    %dma_start3A_270 = tpu.memref_slice %arg5[%arg0, %add3A_265, %dma_start3A_269] : memref<2x10112x128xf32, #tpu.memory_space<hbm>> -> memref<1x128x128xf32, #tpu.memory_space<hbm>>
    %dma_start3A_271 = tpu.memref_squeeze %dma_start3A_270 : memref<1x128x128xf32, #tpu.memory_space<hbm>> -> memref<128x128xf32, #tpu.memory_space<hbm>>
    %dma_start3A_272 = arith.constant 0 : i32
    %dma_start3A_273 = tpu.memref_slice %arg5[%arg0, %add3A_265, %dma_start3A_272] : memref<2x10112x128xf32, #tpu.memory_space<hbm>> -> memref<1x128x128xf32, #tpu.memory_space<hbm>>
    %dma_start3A_274 = tpu.memref_squeeze %dma_start3A_273 : memref<1x128x128xf32, #tpu.memory_space<hbm>> -> memref<128x128xf32, #tpu.memory_space<hbm>>
    %dma_start3A_275 = arith.constant 0 : i32
    %dma_start3A_276 = arith.constant 0 : i32
    %dma_start3A_277 = tpu.memref_slice %arg7[%dma_start3A_275, %dma_start3A_276] : memref<128x128xf32, #tpu.memory_space<vmem>> -> memref<128x128xf32, #tpu.memory_space<vmem>>
    tpu.enqueue_dma source(%dma_start3A_277 : memref<128x128xf32, #tpu.memory_space<vmem>>) target(%dma_start3A_274 : memref<128x128xf32, #tpu.memory_space<hbm>>) target_semaphore(%arg10 : memref<!tpu.dma_semaphore, #tpu.memory_space<semaphore_mem>>)
    %add3A_278 = arith.constant 128 : i32
    %add3A_279 = arith.addi %multiple_of3A, %add3A_278 : i32
    %dma_wait3A_280 = arith.constant 0 : i32
    %dma_wait3A_281 = arith.constant 0 : i32
    %dma_wait3A_282 = tpu.memref_slice %arg8[%dma_wait3A_280, %dma_wait3A_281] : memref<128x128xf32, #tpu.memory_space<vmem>> -> memref<128x128xf32, #tpu.memory_space<vmem>>
    %dma_wait3A_283 = arith.constant 0 : i32
    %dma_wait3A_284 = tpu.memref_slice %arg9[%add3A_279, %dma_wait3A_283] : memref<10112x128xf32, #tpu.memory_space<vmem_shared>> -> memref<128x128xf32, #tpu.memory_space<vmem_shared>>
    %dma_wait3A_285 = arith.constant 0 : i32
    %dma_wait3A_286 = arith.constant 0 : i32
    %dma_wait3A_287 = tpu.memref_slice %arg8[%dma_wait3A_285, %dma_wait3A_286] : memref<128x128xf32, #tpu.memory_space<vmem>> -> memref<128x128xf32, #tpu.memory_space<vmem>>
    %dma_wait3A_288 = arith.constant 0 : i32
    %dma_wait3A_289 = tpu.memref_slice %arg9[%add3A_279, %dma_wait3A_288] : memref<10112x128xf32, #tpu.memory_space<vmem_shared>> -> memref<128x128xf32, #tpu.memory_space<vmem_shared>>
    tpu.wait_dma2 semaphore(%arg11 : memref<!tpu.dma_semaphore, #tpu.memory_space<semaphore_mem>>) src(%dma_wait3A_289 : memref<128x128xf32, #tpu.memory_space<vmem_shared>>) dst(%dma_wait3A_287 : memref<128x128xf32, #tpu.memory_space<vmem>>)
    %add3A_290 = arith.constant 128 : i32
    %add3A_291 = arith.addi %multiple_of3A, %add3A_290 : i32
    %dma_start3A_292 = arith.constant 0 : i32
    %dma_start3A_293 = arith.constant 0 : i32
    %dma_start3A_294 = tpu.memref_slice %arg8[%dma_start3A_292, %dma_start3A_293] : memref<128x128xf32, #tpu.memory_space<vmem>> -> memref<128x128xf32, #tpu.memory_space<vmem>>
    %dma_start3A_295 = arith.constant 0 : i32
    %dma_start3A_296 = tpu.memref_slice %arg5[%arg0, %add3A_291, %dma_start3A_295] : memref<2x10112x128xf32, #tpu.memory_space<hbm>> -> memref<1x128x128xf32, #tpu.memory_space<hbm>>
    %dma_start3A_297 = tpu.memref_squeeze %dma_start3A_296 : memref<1x128x128xf32, #tpu.memory_space<hbm>> -> memref<128x128xf32, #tpu.memory_space<hbm>>
    %dma_start3A_298 = arith.constant 0 : i32
    %dma_start3A_299 = tpu.memref_slice %arg5[%arg0, %add3A_291, %dma_start3A_298] : memref<2x10112x128xf32, #tpu.memory_space<hbm>> -> memref<1x128x128xf32, #tpu.memory_space<hbm>>
    %dma_start3A_300 = tpu.memref_squeeze %dma_start3A_299 : memref<1x128x128xf32, #tpu.memory_space<hbm>> -> memref<128x128xf32, #tpu.memory_space<hbm>>
    %dma_start3A_301 = arith.constant 0 : i32
    %dma_start3A_302 = arith.constant 0 : i32
    %dma_start3A_303 = tpu.memref_slice %arg8[%dma_start3A_301, %dma_start3A_302] : memref<128x128xf32, #tpu.memory_space<vmem>> -> memref<128x128xf32, #tpu.memory_space<vmem>>
    tpu.enqueue_dma source(%dma_start3A_303 : memref<128x128xf32, #tpu.memory_space<vmem>>) target(%dma_start3A_300 : memref<128x128xf32, #tpu.memory_space<hbm>>) target_semaphore(%arg11 : memref<!tpu.dma_semaphore, #tpu.memory_space<semaphore_mem>>)
    %add3A_304 = arith.constant 0 : i32
    %add3A_305 = arith.addi %multiple_of3A, %add3A_304 : i32
    %dma_wait3A_306 = arith.constant 0 : i32
    %dma_wait3A_307 = arith.constant 0 : i32
    %dma_wait3A_308 = tpu.memref_slice %arg7[%dma_wait3A_306, %dma_wait3A_307] : memref<128x128xf32, #tpu.memory_space<vmem>> -> memref<128x128xf32, #tpu.memory_space<vmem>>
    %dma_wait3A_309 = arith.constant 0 : i32
    %dma_wait3A_310 = tpu.memref_slice %arg5[%arg0, %add3A_305, %dma_wait3A_309] : memref<2x10112x128xf32, #tpu.memory_space<hbm>> -> memref<1x128x128xf32, #tpu.memory_space<hbm>>
    %dma_wait3A_311 = tpu.memref_squeeze %dma_wait3A_310 : memref<1x128x128xf32, #tpu.memory_space<hbm>> -> memref<128x128xf32, #tpu.memory_space<hbm>>
    %dma_wait3A_312 = arith.constant 0 : i32
    %dma_wait3A_313 = tpu.memref_slice %arg5[%arg0, %add3A_305, %dma_wait3A_312] : memref<2x10112x128xf32, #tpu.memory_space<hbm>> -> memref<1x128x128xf32, #tpu.memory_space<hbm>>
    %dma_wait3A_314 = tpu.memref_squeeze %dma_wait3A_313 : memref<1x128x128xf32, #tpu.memory_space<hbm>> -> memref<128x128xf32, #tpu.memory_space<hbm>>
    %dma_wait3A_315 = arith.constant 0 : i32
    %dma_wait3A_316 = arith.constant 0 : i32
    %dma_wait3A_317 = tpu.memref_slice %arg7[%dma_wait3A_315, %dma_wait3A_316] : memref<128x128xf32, #tpu.memory_space<vmem>> -> memref<128x128xf32, #tpu.memory_space<vmem>>
    tpu.wait_dma2 semaphore(%arg10 : memref<!tpu.dma_semaphore, #tpu.memory_space<semaphore_mem>>) src(%dma_wait3A_317 : memref<128x128xf32, #tpu.memory_space<vmem>>) dst(%dma_wait3A_314 : memref<128x128xf32, #tpu.memory_space<hbm>>)
    %add3A_318 = arith.constant 256 : i32
    %add3A_319 = arith.addi %multiple_of3A, %add3A_318 : i32
    %dma_start3A_320 = arith.constant 0 : i32
    %dma_start3A_321 = arith.constant 0 : i32
    %dma_start3A_322 = tpu.memref_slice %arg7[%dma_start3A_320, %dma_start3A_321] : memref<128x128xf32, #tpu.memory_space<vmem>> -> memref<128x128xf32, #tpu.memory_space<vmem>>
    %dma_start3A_323 = arith.constant 0 : i32
    %dma_start3A_324 = tpu.memref_slice %arg9[%add3A_319, %dma_start3A_323] : memref<10112x128xf32, #tpu.memory_space<vmem_shared>> -> memref<128x128xf32, #tpu.memory_space<vmem_shared>>
    %dma_start3A_325 = arith.constant 0 : i32
    %dma_start3A_326 = arith.constant 0 : i32
    %dma_start3A_327 = tpu.memref_slice %arg7[%dma_start3A_325, %dma_start3A_326] : memref<128x128xf32, #tpu.memory_space<vmem>> -> memref<128x128xf32, #tpu.memory_space<vmem>>
    %dma_start3A_328 = arith.constant 0 : i32
    %dma_start3A_329 = tpu.memref_slice %arg9[%add3A_319, %dma_start3A_328] : memref<10112x128xf32, #tpu.memory_space<vmem_shared>> -> memref<128x128xf32, #tpu.memory_space<vmem_shared>>
    tpu.enqueue_dma source(%dma_start3A_329 : memref<128x128xf32, #tpu.memory_space<vmem_shared>>) target(%dma_start3A_327 : memref<128x128xf32, #tpu.memory_space<vmem>>) target_semaphore(%arg10 : memref<!tpu.dma_semaphore, #tpu.memory_space<semaphore_mem>>)
    %add3A_330 = arith.constant 256 : i32
    %add3A_331 = arith.addi %multiple_of3A, %add3A_330 : i32
    %dma_wait3A_332 = arith.constant 0 : i32
    %dma_wait3A_333 = arith.constant 0 : i32
    %dma_wait3A_334 = tpu.memref_slice %arg7[%dma_wait3A_332, %dma_wait3A_333] : memref<128x128xf32, #tpu.memory_space<vmem>> -> memref<128x128xf32, #tpu.memory_space<vmem>>
    %dma_wait3A_335 = arith.constant 0 : i32
    %dma_wait3A_336 = tpu.memref_slice %arg9[%add3A_331, %dma_wait3A_335] : memref<10112x128xf32, #tpu.memory_space<vmem_shared>> -> memref<128x128xf32, #tpu.memory_space<vmem_shared>>
    %dma_wait3A_337 = arith.constant 0 : i32
    %dma_wait3A_338 = arith.constant 0 : i32
    %dma_wait3A_339 = tpu.memref_slice %arg7[%dma_wait3A_337, %dma_wait3A_338] : memref<128x128xf32, #tpu.memory_space<vmem>> -> memref<128x128xf32, #tpu.memory_space<vmem>>
    %dma_wait3A_340 = arith.constant 0 : i32
    %dma_wait3A_341 = tpu.memref_slice %arg9[%add3A_331, %dma_wait3A_340] : memref<10112x128xf32, #tpu.memory_space<vmem_shared>> -> memref<128x128xf32, #tpu.memory_space<vmem_shared>>
    tpu.wait_dma2 semaphore(%arg10 : memref<!tpu.dma_semaphore, #tpu.memory_space<semaphore_mem>>) src(%dma_wait3A_341 : memref<128x128xf32, #tpu.memory_space<vmem_shared>>) dst(%dma_wait3A_339 : memref<128x128xf32, #tpu.memory_space<vmem>>)
    %add3A_342 = arith.constant 256 : i32
    %add3A_343 = arith.addi %multiple_of3A, %add3A_342 : i32
    %dma_start3A_344 = arith.constant 0 : i32
    %dma_start3A_345 = arith.constant 0 : i32
    %dma_start3A_346 = tpu.memref_slice %arg7[%dma_start3A_344, %dma_start3A_345] : memref<128x128xf32, #tpu.memory_space<vmem>> -> memref<128x128xf32, #tpu.memory_space<vmem>>
    %dma_start3A_347 = arith.constant 0 : i32
    %dma_start3A_348 = tpu.memref_slice %arg5[%arg0, %add3A_343, %dma_start3A_347] : memref<2x10112x128xf32, #tpu.memory_space<hbm>> -> memref<1x128x128xf32, #tpu.memory_space<hbm>>
    %dma_start3A_349 = tpu.memref_squeeze %dma_start3A_348 : memref<1x128x128xf32, #tpu.memory_space<hbm>> -> memref<128x128xf32, #tpu.memory_space<hbm>>
    %dma_start3A_350 = arith.constant 0 : i32
    %dma_start3A_351 = tpu.memref_slice %arg5[%arg0, %add3A_343, %dma_start3A_350] : memref<2x10112x128xf32, #tpu.memory_space<hbm>> -> memref<1x128x128xf32, #tpu.memory_space<hbm>>
    %dma_start3A_352 = tpu.memref_squeeze %dma_start3A_351 : memref<1x128x128xf32, #tpu.memory_space<hbm>> -> memref<128x128xf32, #tpu.memory_space<hbm>>
    %dma_start3A_353 = arith.constant 0 : i32
    %dma_start3A_354 = arith.constant 0 : i32
    %dma_start3A_355 = tpu.memref_slice %arg7[%dma_start3A_353, %dma_start3A_354] : memref<128x128xf32, #tpu.memory_space<vmem>> -> memref<128x128xf32, #tpu.memory_space<vmem>>
    tpu.enqueue_dma source(%dma_start3A_355 : memref<128x128xf32, #tpu.memory_space<vmem>>) target(%dma_start3A_352 : memref<128x128xf32, #tpu.memory_space<hbm>>) target_semaphore(%arg10 : memref<!tpu.dma_semaphore, #tpu.memory_space<semaphore_mem>>)
    %add3A_356 = arith.constant 128 : i32
    %add3A_357 = arith.addi %multiple_of3A, %add3A_356 : i32
    %dma_wait3A_358 = arith.constant 0 : i32
    %dma_wait3A_359 = arith.constant 0 : i32
    %dma_wait3A_360 = tpu.memref_slice %arg8[%dma_wait3A_358, %dma_wait3A_359] : memref<128x128xf32, #tpu.memory_space<vmem>> -> memref<128x128xf32, #tpu.memory_space<vmem>>
    %dma_wait3A_361 = arith.constant 0 : i32
    %dma_wait3A_362 = tpu.memref_slice %arg5[%arg0, %add3A_357, %dma_wait3A_361] : memref<2x10112x128xf32, #tpu.memory_space<hbm>> -> memref<1x128x128xf32, #tpu.memory_space<hbm>>
    %dma_wait3A_363 = tpu.memref_squeeze %dma_wait3A_362 : memref<1x128x128xf32, #tpu.memory_space<hbm>> -> memref<128x128xf32, #tpu.memory_space<hbm>>
    %dma_wait3A_364 = arith.constant 0 : i32
    %dma_wait3A_365 = tpu.memref_slice %arg5[%arg0, %add3A_357, %dma_wait3A_364] : memref<2x10112x128xf32, #tpu.memory_space<hbm>> -> memref<1x128x128xf32, #tpu.memory_space<hbm>>
    %dma_wait3A_366 = tpu.memref_squeeze %dma_wait3A_365 : memref<1x128x128xf32, #tpu.memory_space<hbm>> -> memref<128x128xf32, #tpu.memory_space<hbm>>
    %dma_wait3A_367 = arith.constant 0 : i32
    %dma_wait3A_368 = arith.constant 0 : i32
    %dma_wait3A_369 = tpu.memref_slice %arg8[%dma_wait3A_367, %dma_wait3A_368] : memref<128x128xf32, #tpu.memory_space<vmem>> -> memref<128x128xf32, #tpu.memory_space<vmem>>
    tpu.wait_dma2 semaphore(%arg11 : memref<!tpu.dma_semaphore, #tpu.memory_space<semaphore_mem>>) src(%dma_wait3A_369 : memref<128x128xf32, #tpu.memory_space<vmem>>) dst(%dma_wait3A_366 : memref<128x128xf32, #tpu.memory_space<hbm>>)
    %add3A_370 = arith.constant 384 : i32
    %add3A_371 = arith.addi %multiple_of3A, %add3A_370 : i32
    %dma_start3A_372 = arith.constant 0 : i32
    %dma_start3A_373 = arith.constant 0 : i32
    %dma_start3A_374 = tpu.memref_slice %arg8[%dma_start3A_372, %dma_start3A_373] : memref<128x128xf32, #tpu.memory_space<vmem>> -> memref<128x128xf32, #tpu.memory_space<vmem>>
    %dma_start3A_375 = arith.constant 0 : i32
    %dma_start3A_376 = tpu.memref_slice %arg9[%add3A_371, %dma_start3A_375] : memref<10112x128xf32, #tpu.memory_space<vmem_shared>> -> memref<128x128xf32, #tpu.memory_space<vmem_shared>>
    %dma_start3A_377 = arith.constant 0 : i32
    %dma_start3A_378 = arith.constant 0 : i32
    %dma_start3A_379 = tpu.memref_slice %arg8[%dma_start3A_377, %dma_start3A_378] : memref<128x128xf32, #tpu.memory_space<vmem>> -> memref<128x128xf32, #tpu.memory_space<vmem>>
    %dma_start3A_380 = arith.constant 0 : i32
    %dma_start3A_381 = tpu.memref_slice %arg9[%add3A_371, %dma_start3A_380] : memref<10112x128xf32, #tpu.memory_space<vmem_shared>> -> memref<128x128xf32, #tpu.memory_space<vmem_shared>>
    tpu.enqueue_dma source(%dma_start3A_381 : memref<128x128xf32, #tpu.memory_space<vmem_shared>>) target(%dma_start3A_379 : memref<128x128xf32, #tpu.memory_space<vmem>>) target_semaphore(%arg11 : memref<!tpu.dma_semaphore, #tpu.memory_space<semaphore_mem>>)
    %add3A_382 = arith.constant 384 : i32
    %add3A_383 = arith.addi %multiple_of3A, %add3A_382 : i32
    %dma_wait3A_384 = arith.constant 0 : i32
    %dma_wait3A_385 = arith.constant 0 : i32
    %dma_wait3A_386 = tpu.memref_slice %arg8[%dma_wait3A_384, %dma_wait3A_385] : memref<128x128xf32, #tpu.memory_space<vmem>> -> memref<128x128xf32, #tpu.memory_space<vmem>>
    %dma_wait3A_387 = arith.constant 0 : i32
    %dma_wait3A_388 = tpu.memref_slice %arg9[%add3A_383, %dma_wait3A_387] : memref<10112x128xf32, #tpu.memory_space<vmem_shared>> -> memref<128x128xf32, #tpu.memory_space<vmem_shared>>
    %dma_wait3A_389 = arith.constant 0 : i32
    %dma_wait3A_390 = arith.constant 0 : i32
    %dma_wait3A_391 = tpu.memref_slice %arg8[%dma_wait3A_389, %dma_wait3A_390] : memref<128x128xf32, #tpu.memory_space<vmem>> -> memref<128x128xf32, #tpu.memory_space<vmem>>
    %dma_wait3A_392 = arith.constant 0 : i32
    %dma_wait3A_393 = tpu.memref_slice %arg9[%add3A_383, %dma_wait3A_392] : memref<10112x128xf32, #tpu.memory_space<vmem_shared>> -> memref<128x128xf32, #tpu.memory_space<vmem_shared>>
    tpu.wait_dma2 semaphore(%arg11 : memref<!tpu.dma_semaphore, #tpu.memory_space<semaphore_mem>>) src(%dma_wait3A_393 : memref<128x128xf32, #tpu.memory_space<vmem_shared>>) dst(%dma_wait3A_391 : memref<128x128xf32, #tpu.memory_space<vmem>>)
    %add3A_394 = arith.constant 384 : i32
    %add3A_395 = arith.addi %multiple_of3A, %add3A_394 : i32
    %dma_start3A_396 = arith.constant 0 : i32
    %dma_start3A_397 = arith.constant 0 : i32
    %dma_start3A_398 = tpu.memref_slice %arg8[%dma_start3A_396, %dma_start3A_397] : memref<128x128xf32, #tpu.memory_space<vmem>> -> memref<128x128xf32, #tpu.memory_space<vmem>>
    %dma_start3A_399 = arith.constant 0 : i32
    %dma_start3A_400 = tpu.memref_slice %arg5[%arg0, %add3A_395, %dma_start3A_399] : memref<2x10112x128xf32, #tpu.memory_space<hbm>> -> memref<1x128x128xf32, #tpu.memory_space<hbm>>
    %dma_start3A_401 = tpu.memref_squeeze %dma_start3A_400 : memref<1x128x128xf32, #tpu.memory_space<hbm>> -> memref<128x128xf32, #tpu.memory_space<hbm>>
    %dma_start3A_402 = arith.constant 0 : i32
    %dma_start3A_403 = tpu.memref_slice %arg5[%arg0, %add3A_395, %dma_start3A_402] : memref<2x10112x128xf32, #tpu.memory_space<hbm>> -> memref<1x128x128xf32, #tpu.memory_space<hbm>>
    %dma_start3A_404 = tpu.memref_squeeze %dma_start3A_403 : memref<1x128x128xf32, #tpu.memory_space<hbm>> -> memref<128x128xf32, #tpu.memory_space<hbm>>
    %dma_start3A_405 = arith.constant 0 : i32
    %dma_start3A_406 = arith.constant 0 : i32
    %dma_start3A_407 = tpu.memref_slice %arg8[%dma_start3A_405, %dma_start3A_406] : memref<128x128xf32, #tpu.memory_space<vmem>> -> memref<128x128xf32, #tpu.memory_space<vmem>>
    tpu.enqueue_dma source(%dma_start3A_407 : memref<128x128xf32, #tpu.memory_space<vmem>>) target(%dma_start3A_404 : memref<128x128xf32, #tpu.memory_space<hbm>>) target_semaphore(%arg11 : memref<!tpu.dma_semaphore, #tpu.memory_space<semaphore_mem>>)
    %add3A_408 = arith.constant 256 : i32
    %add3A_409 = arith.addi %multiple_of3A, %add3A_408 : i32
    %dma_wait3A_410 = arith.constant 0 : i32
    %dma_wait3A_411 = arith.constant 0 : i32
    %dma_wait3A_412 = tpu.memref_slice %arg7[%dma_wait3A_410, %dma_wait3A_411] : memref<128x128xf32, #tpu.memory_space<vmem>> -> memref<128x128xf32, #tpu.memory_space<vmem>>
    %dma_wait3A_413 = arith.constant 0 : i32
    %dma_wait3A_414 = tpu.memref_slice %arg5[%arg0, %add3A_409, %dma_wait3A_413] : memref<2x10112x128xf32, #tpu.memory_space<hbm>> -> memref<1x128x128xf32, #tpu.memory_space<hbm>>
    %dma_wait3A_415 = tpu.memref_squeeze %dma_wait3A_414 : memref<1x128x128xf32, #tpu.memory_space<hbm>> -> memref<128x128xf32, #tpu.memory_space<hbm>>
    %dma_wait3A_416 = arith.constant 0 : i32
    %dma_wait3A_417 = tpu.memref_slice %arg5[%arg0, %add3A_409, %dma_wait3A_416] : memref<2x10112x128xf32, #tpu.memory_space<hbm>> -> memref<1x128x128xf32, #tpu.memory_space<hbm>>
    %dma_wait3A_418 = tpu.memref_squeeze %dma_wait3A_417 : memref<1x128x128xf32, #tpu.memory_space<hbm>> -> memref<128x128xf32, #tpu.memory_space<hbm>>
    %dma_wait3A_419 = arith.constant 0 : i32
    %dma_wait3A_420 = arith.constant 0 : i32
    %dma_wait3A_421 = tpu.memref_slice %arg7[%dma_wait3A_419, %dma_wait3A_420] : memref<128x128xf32, #tpu.memory_space<vmem>> -> memref<128x128xf32, #tpu.memory_space<vmem>>
    tpu.wait_dma2 semaphore(%arg10 : memref<!tpu.dma_semaphore, #tpu.memory_space<semaphore_mem>>) src(%dma_wait3A_421 : memref<128x128xf32, #tpu.memory_space<vmem>>) dst(%dma_wait3A_418 : memref<128x128xf32, #tpu.memory_space<hbm>>)
    %add3A_422 = arith.constant 512 : i32
    %add3A_423 = arith.addi %multiple_of3A, %add3A_422 : i32
    %dma_start3A_424 = arith.constant 0 : i32
    %dma_start3A_425 = arith.constant 0 : i32
    %dma_start3A_426 = tpu.memref_slice %arg7[%dma_start3A_424, %dma_start3A_425] : memref<128x128xf32, #tpu.memory_space<vmem>> -> memref<120x128xf32, #tpu.memory_space<vmem>>
    %dma_start3A_427 = arith.constant 0 : i32
    %dma_start3A_428 = tpu.memref_slice %arg9[%add3A_423, %dma_start3A_427] : memref<10112x128xf32, #tpu.memory_space<vmem_shared>> -> memref<120x128xf32, #tpu.memory_space<vmem_shared>>
    %dma_start3A_429 = arith.constant 0 : i32
    %dma_start3A_430 = arith.constant 0 : i32
    %dma_start3A_431 = tpu.memref_slice %arg7[%dma_start3A_429, %dma_start3A_430] : memref<128x128xf32, #tpu.memory_space<vmem>> -> memref<120x128xf32, #tpu.memory_space<vmem>>
    %dma_start3A_432 = arith.constant 0 : i32
    %dma_start3A_433 = tpu.memref_slice %arg9[%add3A_423, %dma_start3A_432] : memref<10112x128xf32, #tpu.memory_space<vmem_shared>> -> memref<120x128xf32, #tpu.memory_space<vmem_shared>>
    tpu.enqueue_dma source(%dma_start3A_433 : memref<120x128xf32, #tpu.memory_space<vmem_shared>>) target(%dma_start3A_431 : memref<120x128xf32, #tpu.memory_space<vmem>>) target_semaphore(%arg10 : memref<!tpu.dma_semaphore, #tpu.memory_space<semaphore_mem>>)
    %add3A_434 = arith.constant 512 : i32
    %add3A_435 = arith.addi %multiple_of3A, %add3A_434 : i32
    %dma_wait3A_436 = arith.constant 0 : i32
    %dma_wait3A_437 = arith.constant 0 : i32
    %dma_wait3A_438 = tpu.memref_slice %arg7[%dma_wait3A_436, %dma_wait3A_437] : memref<128x128xf32, #tpu.memory_space<vmem>> -> memref<120x128xf32, #tpu.memory_space<vmem>>
    %dma_wait3A_439 = arith.constant 0 : i32
    %dma_wait3A_440 = tpu.memref_slice %arg9[%add3A_435, %dma_wait3A_439] : memref<10112x128xf32, #tpu.memory_space<vmem_shared>> -> memref<120x128xf32, #tpu.memory_space<vmem_shared>>
    %dma_wait3A_441 = arith.constant 0 : i32
    %dma_wait3A_442 = arith.constant 0 : i32
    %dma_wait3A_443 = tpu.memref_slice %arg7[%dma_wait3A_441, %dma_wait3A_442] : memref<128x128xf32, #tpu.memory_space<vmem>> -> memref<120x128xf32, #tpu.memory_space<vmem>>
    %dma_wait3A_444 = arith.constant 0 : i32
    %dma_wait3A_445 = tpu.memref_slice %arg9[%add3A_435, %dma_wait3A_444] : memref<10112x128xf32, #tpu.memory_space<vmem_shared>> -> memref<120x128xf32, #tpu.memory_space<vmem_shared>>
    tpu.wait_dma2 semaphore(%arg10 : memref<!tpu.dma_semaphore, #tpu.memory_space<semaphore_mem>>) src(%dma_wait3A_445 : memref<120x128xf32, #tpu.memory_space<vmem_shared>>) dst(%dma_wait3A_443 : memref<120x128xf32, #tpu.memory_space<vmem>>)
    %add3A_446 = arith.constant 512 : i32
    %add3A_447 = arith.addi %multiple_of3A, %add3A_446 : i32
    %dma_start3A_448 = arith.constant 0 : i32
    %dma_start3A_449 = arith.constant 0 : i32
    %dma_start3A_450 = tpu.memref_slice %arg7[%dma_start3A_448, %dma_start3A_449] : memref<128x128xf32, #tpu.memory_space<vmem>> -> memref<120x128xf32, #tpu.memory_space<vmem>>
    %dma_start3A_451 = arith.constant 0 : i32
    %dma_start3A_452 = tpu.memref_slice %arg5[%arg0, %add3A_447, %dma_start3A_451] : memref<2x10112x128xf32, #tpu.memory_space<hbm>> -> memref<1x120x128xf32, #tpu.memory_space<hbm>>
    %dma_start3A_453 = tpu.memref_squeeze %dma_start3A_452 : memref<1x120x128xf32, #tpu.memory_space<hbm>> -> memref<120x128xf32, #tpu.memory_space<hbm>>
    %dma_start3A_454 = arith.constant 0 : i32
    %dma_start3A_455 = tpu.memref_slice %arg5[%arg0, %add3A_447, %dma_start3A_454] : memref<2x10112x128xf32, #tpu.memory_space<hbm>> -> memref<1x120x128xf32, #tpu.memory_space<hbm>>
    %dma_start3A_456 = tpu.memref_squeeze %dma_start3A_455 : memref<1x120x128xf32, #tpu.memory_space<hbm>> -> memref<120x128xf32, #tpu.memory_space<hbm>>
    %dma_start3A_457 = arith.constant 0 : i32
    %dma_start3A_458 = arith.constant 0 : i32
    %dma_start3A_459 = tpu.memref_slice %arg7[%dma_start3A_457, %dma_start3A_458] : memref<128x128xf32, #tpu.memory_space<vmem>> -> memref<120x128xf32, #tpu.memory_space<vmem>>
    tpu.enqueue_dma source(%dma_start3A_459 : memref<120x128xf32, #tpu.memory_space<vmem>>) target(%dma_start3A_456 : memref<120x128xf32, #tpu.memory_space<hbm>>) target_semaphore(%arg10 : memref<!tpu.dma_semaphore, #tpu.memory_space<semaphore_mem>>)
    %add3A_460 = arith.constant 384 : i32
    %add3A_461 = arith.addi %multiple_of3A, %add3A_460 : i32
    %dma_wait3A_462 = arith.constant 0 : i32
    %dma_wait3A_463 = arith.constant 0 : i32
    %dma_wait3A_464 = tpu.memref_slice %arg8[%dma_wait3A_462, %dma_wait3A_463] : memref<128x128xf32, #tpu.memory_space<vmem>> -> memref<128x128xf32, #tpu.memory_space<vmem>>
    %dma_wait3A_465 = arith.constant 0 : i32
    %dma_wait3A_466 = tpu.memref_slice %arg5[%arg0, %add3A_461, %dma_wait3A_465] : memref<2x10112x128xf32, #tpu.memory_space<hbm>> -> memref<1x128x128xf32, #tpu.memory_space<hbm>>
    %dma_wait3A_467 = tpu.memref_squeeze %dma_wait3A_466 : memref<1x128x128xf32, #tpu.memory_space<hbm>> -> memref<128x128xf32, #tpu.memory_space<hbm>>
    %dma_wait3A_468 = arith.constant 0 : i32
    %dma_wait3A_469 = tpu.memref_slice %arg5[%arg0, %add3A_461, %dma_wait3A_468] : memref<2x10112x128xf32, #tpu.memory_space<hbm>> -> memref<1x128x128xf32, #tpu.memory_space<hbm>>
    %dma_wait3A_470 = tpu.memref_squeeze %dma_wait3A_469 : memref<1x128x128xf32, #tpu.memory_space<hbm>> -> memref<128x128xf32, #tpu.memory_space<hbm>>
    %dma_wait3A_471 = arith.constant 0 : i32
    %dma_wait3A_472 = arith.constant 0 : i32
    %dma_wait3A_473 = tpu.memref_slice %arg8[%dma_wait3A_471, %dma_wait3A_472] : memref<128x128xf32, #tpu.memory_space<vmem>> -> memref<128x128xf32, #tpu.memory_space<vmem>>
    tpu.wait_dma2 semaphore(%arg11 : memref<!tpu.dma_semaphore, #tpu.memory_space<semaphore_mem>>) src(%dma_wait3A_473 : memref<128x128xf32, #tpu.memory_space<vmem>>) dst(%dma_wait3A_470 : memref<128x128xf32, #tpu.memory_space<hbm>>)
    %add3A_474 = arith.constant 512 : i32
    %add3A_475 = arith.addi %multiple_of3A, %add3A_474 : i32
    %dma_wait3A_476 = arith.constant 0 : i32
    %dma_wait3A_477 = arith.constant 0 : i32
    %dma_wait3A_478 = tpu.memref_slice %arg7[%dma_wait3A_476, %dma_wait3A_477] : memref<128x128xf32, #tpu.memory_space<vmem>> -> memref<120x128xf32, #tpu.memory_space<vmem>>
    %dma_wait3A_479 = arith.constant 0 : i32
    %dma_wait3A_480 = tpu.memref_slice %arg5[%arg0, %add3A_475, %dma_wait3A_479] : memref<2x10112x128xf32, #tpu.memory_space<hbm>> -> memref<1x120x128xf32, #tpu.memory_space<hbm>>
    %dma_wait3A_481 = tpu.memref_squeeze %dma_wait3A_480 : memref<1x120x128xf32, #tpu.memory_space<hbm>> -> memref<120x128xf32, #tpu.memory_space<hbm>>
    %dma_wait3A_482 = arith.constant 0 : i32
    %dma_wait3A_483 = tpu.memref_slice %arg5[%arg0, %add3A_475, %dma_wait3A_482] : memref<2x10112x128xf32, #tpu.memory_space<hbm>> -> memref<1x120x128xf32, #tpu.memory_space<hbm>>
    %dma_wait3A_484 = tpu.memref_squeeze %dma_wait3A_483 : memref<1x120x128xf32, #tpu.memory_space<hbm>> -> memref<120x128xf32, #tpu.memory_space<hbm>>
    %dma_wait3A_485 = arith.constant 0 : i32
    %dma_wait3A_486 = arith.constant 0 : i32
    %dma_wait3A_487 = tpu.memref_slice %arg7[%dma_wait3A_485, %dma_wait3A_486] : memref<128x128xf32, #tpu.memory_space<vmem>> -> memref<120x128xf32, #tpu.memory_space<vmem>>
    tpu.wait_dma2 semaphore(%arg10 : memref<!tpu.dma_semaphore, #tpu.memory_space<semaphore_mem>>) src(%dma_wait3A_487 : memref<120x128xf32, #tpu.memory_space<vmem>>) dst(%dma_wait3A_484 : memref<120x128xf32, #tpu.memory_space<hbm>>)
    return
  }
}

module attributes {stable_mosaic.version = 14 : i64} {
  func.func @_k1_body(%arg0: i32, %arg1: i32, %arg2: memref<1000x256xf32, #tpu.memory_space<vmem>>, %arg3: memref<256x128xf32, #tpu.memory_space<vmem>>, %arg4: memref<1x1000x128xf32, #tpu.memory_space<vmem>>) attributes {dimension_semantics = [#tpu.dimension_semantics<arbitrary>, #tpu.dimension_semantics<arbitrary>], iteration_bounds = array<i64: 4, 10>, scalar_prefetch = 0 : i64, scratch_operands = 0 : i64, tpu.core_type = #tpu.core_type<tc>, window_params = [{transform_indices = @transform_0, window_bounds = array<i64: 1000, 256>}, {transform_indices = @transform_1, window_bounds = array<i64: 256, 128>}, {transform_indices = @transform_2, window_bounds = array<i64: 1, 1000, 128>}]} {
    %get3A = arith.constant 0 : index
    %get3A_0 = arith.constant 0 : index
    %get3A_1 = vector.load %arg2[%get3A, %get3A_0] : memref<1000x256xf32, #tpu.memory_space<vmem>>, vector<1000x256xf32>
    %get3A_2 = arith.constant 0 : index
    %get3A_3 = arith.constant 0 : index
    %get3A_4 = vector.load %arg3[%get3A_2, %get3A_3] : memref<256x128xf32, #tpu.memory_space<vmem>>, vector<256x128xf32>
    %dot_general3A = arith.constant dense<0.000000e+00> : vector<1000x128xf32>
    %dot_general3A_5 = tpu.matmul %get3A_1, %get3A_4, %dot_general3A {dimension_numbers = #tpu.dot_dimension_numbers<[1], [0], [0], [1], [0, 0, 1, 1], [], []>, transpose_lhs_hint = false} : vector<1000x256xf32>, vector<256x128xf32>, vector<1000x128xf32> -> vector<1000x128xf32>
    %broadcast_in_dim3A = vector.shape_cast %dot_general3A_5 : vector<1000x128xf32> to vector<1x1000x128xf32>
    %swap3A = arith.constant 0 : index
    %swap3A_6 = arith.constant 0 : index
    %swap3A_7 = arith.constant 0 : index
    %swap3A_8 = vector.load %arg4[%swap3A, %swap3A_6, %swap3A_7] : memref<1x1000x128xf32, #tpu.memory_space<vmem>>, vector<1x1000x128xf32>
    tpu.vector_store %arg4[%swap3A, %swap3A_6, %swap3A_7], %broadcast_in_dim3A {strides = array<i32>} : memref<1x1000x128xf32, #tpu.memory_space<vmem>>, vector<1x1000x128xf32>,
    return
  }
  func.func @transform_0(%arg0: i32, %arg1: i32) -> (i32, i32) {
    %c0_i32 = arith.constant 0 : i32
    %c0_i32_0 = arith.constant 0 : i32
    return %arg1, %c0_i32 : i32, i32
  }
  func.func @transform_1(%arg0: i32, %arg1: i32) -> (i32, i32) {
    %jit3A = arith.constant 2 : i32
    %div3A = arith.divsi %arg0, %jit3A : i32
    %sign3A = arith.constant 0 : i32
    %sign3A_0 = arith.cmpi sgt, %arg0, %sign3A : i32
    %sign3A_1 = arith.extui %sign3A_0 : i1 to i32
    %sign3A_2 = arith.constant 0 : i32
    %sign3A_3 = arith.cmpi slt, %arg0, %sign3A_2 : i32
    %sign3A_4 = arith.extui %sign3A_3 : i1 to i32
    %sign3A_5 = arith.subi %sign3A_1, %sign3A_4 : i32
    %sign3A_6 = arith.constant 0 : i32
    %sign3A_7 = arith.cmpi sgt, %jit3A, %sign3A_6 : i32
    %sign3A_8 = arith.extui %sign3A_7 : i1 to i32
    %sign3A_9 = arith.constant 0 : i32
    %sign3A_10 = arith.cmpi slt, %jit3A, %sign3A_9 : i32
    %sign3A_11 = arith.extui %sign3A_10 : i1 to i32
    %sign3A_12 = arith.subi %sign3A_8, %sign3A_11 : i32
    %ne3A = arith.cmpi ne, %sign3A_5, %sign3A_12 : i32
    %rem3A = arith.remsi %arg0, %jit3A : i32
    %ne3A_13 = arith.constant 0 : i32
    %ne3A_14 = arith.cmpi ne, %rem3A, %ne3A_13 : i32
    %and3A = arith.andi %ne3A, %ne3A_14 : i1
    %sub3A = arith.constant 1 : i32
    %sub3A_15 = arith.subi %div3A, %sub3A : i32
    %select_n3A = arith.select %and3A, %sub3A_15, %div3A : i32
    %c0_i32 = arith.constant 0 : i32
    %c0_i32_16 = arith.constant 0 : i32
    return %c0_i32, %select_n3A : i32, i32
  }
  func.func @transform_2(%arg0: i32, %arg1: i32) -> (i32, i32, i32) {
    %c0_i32 = arith.constant 0 : i32
    %c0_i32_0 = arith.constant 0 : i32
    return %arg0, %arg1, %c0_i32 : i32, i32, i32
  }
}

module attributes {stable_mosaic.version = 14 : i64} {
  func.func @_k2_body(%arg0: i32, %arg1: i32, %arg2: memref<1x1000x128xf32, #tpu.memory_space<vmem>>, %arg3: memref<1x1000x128xf32, #tpu.memory_space<vmem>>, %arg4: memref<1x1000x128xf32, #tpu.memory_space<vmem>>, %arg5: memref<1x1000x128xf32, #tpu.memory_space<vmem>>, %arg6: memref<1000x1xf32, #tpu.memory_space<vmem>>, %arg7: memref<1x256xf32, #tpu.memory_space<vmem>>, %arg8: memref<256x128xf32, #tpu.memory_space<vmem>>, %arg9: memref<1x1000x128xf32, #tpu.memory_space<vmem>>) attributes {dimension_semantics = [#tpu.dimension_semantics<arbitrary>, #tpu.dimension_semantics<arbitrary>], iteration_bounds = array<i64: 4, 10>, scalar_prefetch = 0 : i64, scratch_operands = 0 : i64, tpu.core_type = #tpu.core_type<tc>, window_params = [{transform_indices = @transform_0, window_bounds = array<i64: 1, 1000, 128>}, {transform_indices = @transform_1, window_bounds = array<i64: 1, 1000, 128>}, {transform_indices = @transform_2, window_bounds = array<i64: 1, 1000, 128>}, {transform_indices = @transform_3, window_bounds = array<i64: 1, 1000, 128>}, {transform_indices = @transform_4, window_bounds = array<i64: 1000, 1>}, {pipeline_mode = #tpu.pipeline_mode<synchronous>, transform_indices = @transform_5, window_bounds = array<i64: 1, 256>}, {pipeline_mode = #tpu.pipeline_mode<synchronous>, transform_indices = @transform_6, window_bounds = array<i64: 256, 128>}, {transform_indices = @transform_7, window_bounds = array<i64: 1, 1000, 128>}]} {
    %get3A = arith.constant 0 : index
    %get3A_0 = arith.constant 0 : index
    %get3A_1 = vector.load %arg6[%get3A, %get3A_0] : memref<1000x1xf32, #tpu.memory_space<vmem>>, vector<1000x1xf32>
    %add3A = arith.constant 1.000000e+00 : f32
    %add3A_2 = vector.broadcast %add3A : f32 to vector<1000x1xf32>
    %add3A_3 = arith.addf %get3A_1, %add3A_2 : vector<1000x1xf32>
    %div3A = arith.constant 1.000000e+00 : f32
    %div3A_4 = vector.broadcast %div3A : f32 to vector<1000x1xf32>
    %div3A_5 = arith.divf %div3A_4, %add3A_3 : vector<1000x1xf32>
    %get3A_6 = arith.constant 0 : index
    %get3A_7 = arith.constant 0 : index
    %get3A_8 = arith.constant 0 : index
    %get3A_9 = vector.load %arg2[%get3A_6, %get3A_7, %get3A_8] : memref<1x1000x128xf32, #tpu.memory_space<vmem>>, vector<1x1000x128xf32>
    %get3A_10 = vector.shape_cast %get3A_9 : vector<1x1000x128xf32> to vector<1000x128xf32>
    %get3A_11 = arith.constant 0 : index
    %get3A_12 = arith.constant 0 : index
    %get3A_13 = arith.constant 0 : index
    %get3A_14 = vector.load %arg4[%get3A_11, %get3A_12, %get3A_13] : memref<1x1000x128xf32, #tpu.memory_space<vmem>>, vector<1x1000x128xf32>
    %get3A_15 = vector.shape_cast %get3A_14 : vector<1x1000x128xf32> to vector<1000x128xf32>
    %add3A_16 = arith.addf %get3A_10, %get3A_15 : vector<1000x128xf32>
    %mul3A = vector.broadcast %div3A_5 : vector<1000x1xf32> to vector<1000x128xf32>
    %mul3A_17 = arith.mulf %add3A_16, %mul3A : vector<1000x128xf32>
    %get3A_18 = arith.constant 0 : index
    %get3A_19 = arith.constant 0 : index
    %get3A_20 = vector.load %arg7[%get3A_18, %get3A_19] : memref<1x256xf32, #tpu.memory_space<vmem>>, vector<1x128xf32>
    %add3A_21 = vector.broadcast %get3A_20 : vector<1x128xf32> to vector<1000x128xf32>
    %add3A_22 = arith.addf %mul3A_17, %add3A_21 : vector<1000x128xf32>
    %max3A = arith.constant 0.000000e+00 : f32
    %max3A_23 = vector.broadcast %max3A : f32 to vector<1000x128xf32>
    %max3A_24 = arith.maximumf %add3A_22, %max3A_23 : vector<1000x128xf32>
    %get3A_25 = arith.constant 0 : index
    %get3A_26 = arith.constant 0 : index
    %get3A_27 = arith.constant 0 : index
    %get3A_28 = vector.load %arg3[%get3A_25, %get3A_26, %get3A_27] : memref<1x1000x128xf32, #tpu.memory_space<vmem>>, vector<1x1000x128xf32>
    %get3A_29 = vector.shape_cast %get3A_28 : vector<1x1000x128xf32> to vector<1000x128xf32>
    %get3A_30 = arith.constant 0 : index
    %get3A_31 = arith.constant 0 : index
    %get3A_32 = arith.constant 0 : index
    %get3A_33 = vector.load %arg5[%get3A_30, %get3A_31, %get3A_32] : memref<1x1000x128xf32, #tpu.memory_space<vmem>>, vector<1x1000x128xf32>
    %get3A_34 = vector.shape_cast %get3A_33 : vector<1x1000x128xf32> to vector<1000x128xf32>
    %add3A_35 = arith.addf %get3A_29, %get3A_34 : vector<1000x128xf32>
    %mul3A_36 = vector.broadcast %div3A_5 : vector<1000x1xf32> to vector<1000x128xf32>
    %mul3A_37 = arith.mulf %add3A_35, %mul3A_36 : vector<1000x128xf32>
    %get3A_38 = arith.constant 0 : index
    %get3A_39 = arith.constant 128 : index
    %get3A_40 = vector.load %arg7[%get3A_38, %get3A_39] : memref<1x256xf32, #tpu.memory_space<vmem>>, vector<1x128xf32>
    %add3A_41 = vector.broadcast %get3A_40 : vector<1x128xf32> to vector<1000x128xf32>
    %add3A_42 = arith.addf %mul3A_37, %add3A_41 : vector<1000x128xf32>
    %max3A_43 = arith.constant 0.000000e+00 : f32
    %max3A_44 = vector.broadcast %max3A_43 : f32 to vector<1000x128xf32>
    %max3A_45 = arith.maximumf %add3A_42, %max3A_44 : vector<1000x128xf32>
    %concatenate3A = tpu.concatenate %max3A_24, %max3A_45 in 1 : vector<1000x128xf32>, vector<1000x128xf32> -> vector<1000x256xf32>
    %get3A_46 = arith.constant 0 : index
    %get3A_47 = arith.constant 0 : index
    %get3A_48 = vector.load %arg8[%get3A_46, %get3A_47] : memref<256x128xf32, #tpu.memory_space<vmem>>, vector<256x128xf32>
    %dot_general3A = arith.constant dense<0.000000e+00> : vector<1000x128xf32>
    %dot_general3A_49 = tpu.matmul %concatenate3A, %get3A_48, %dot_general3A {dimension_numbers = #tpu.dot_dimension_numbers<[1], [0], [0], [1], [0, 0, 1, 1], [], []>, transpose_lhs_hint = false} : vector<1000x256xf32>, vector<256x128xf32>, vector<1000x128xf32> -> vector<1000x128xf32>
    %broadcast_in_dim3A = vector.shape_cast %dot_general3A_49 : vector<1000x128xf32> to vector<1x1000x128xf32>
    %swap3A = arith.constant 0 : index
    %swap3A_50 = arith.constant 0 : index
    %swap3A_51 = arith.constant 0 : index
    %swap3A_52 = vector.load %arg9[%swap3A, %swap3A_50, %swap3A_51] : memref<1x1000x128xf32, #tpu.memory_space<vmem>>, vector<1x1000x128xf32>
    tpu.vector_store %arg9[%swap3A, %swap3A_50, %swap3A_51], %broadcast_in_dim3A {strides = array<i32>} : memref<1x1000x128xf32, #tpu.memory_space<vmem>>, vector<1x1000x128xf32>,
    return
  }
  func.func @transform_0(%arg0: i32, %arg1: i32) -> (i32, i32, i32) {
    %c0_i32 = arith.constant 0 : i32
    %c0_i32_0 = arith.constant 0 : i32
    %c0_i32_1 = arith.constant 0 : i32
    return %c0_i32, %arg1, %c0_i32_0 : i32, i32, i32
  }
  func.func @transform_1(%arg0: i32, %arg1: i32) -> (i32, i32, i32) {
    %c1_i32 = arith.constant 1 : i32
    %c0_i32 = arith.constant 0 : i32
    %c0_i32_0 = arith.constant 0 : i32
    return %c1_i32, %arg1, %c0_i32 : i32, i32, i32
  }
  func.func @transform_2(%arg0: i32, %arg1: i32) -> (i32, i32, i32) {
    %c0_i32 = arith.constant 0 : i32
    %c0_i32_0 = arith.constant 0 : i32
    %c0_i32_1 = arith.constant 0 : i32
    return %c0_i32, %arg1, %c0_i32_0 : i32, i32, i32
  }
  func.func @transform_3(%arg0: i32, %arg1: i32) -> (i32, i32, i32) {
    %c2_i32 = arith.constant 2 : i32
    %c0_i32 = arith.constant 0 : i32
    %c0_i32_0 = arith.constant 0 : i32
    return %c2_i32, %arg1, %c0_i32 : i32, i32, i32
  }
  func.func @transform_4(%arg0: i32, %arg1: i32) -> (i32, i32) {
    %c0_i32 = arith.constant 0 : i32
    %c0_i32_0 = arith.constant 0 : i32
    return %arg1, %c0_i32 : i32, i32
  }
  func.func @transform_5(%arg0: i32, %arg1: i32) -> (i32, i32) {
    %c0_i32 = arith.constant 0 : i32
    %c0_i32_0 = arith.constant 0 : i32
    %c0_i32_1 = arith.constant 0 : i32
    return %c0_i32, %c0_i32_0 : i32, i32
  }
  func.func @transform_6(%arg0: i32, %arg1: i32) -> (i32, i32) {
    %c0_i32 = arith.constant 0 : i32
    %c0_i32_0 = arith.constant 0 : i32
    %c0_i32_1 = arith.constant 0 : i32
    return %c0_i32, %c0_i32_0 : i32, i32
  }
  func.func @transform_7(%arg0: i32, %arg1: i32) -> (i32, i32, i32) {
    %c0_i32 = arith.constant 0 : i32
    %c0_i32_0 = arith.constant 0 : i32
    return %arg0, %arg1, %c0_i32 : i32, i32, i32
  }
}

module attributes {stable_mosaic.version = 14 : i64} {
  func.func @_k3_body(%arg0: i32, %arg1: memref<1x1000x128xf32, #tpu.memory_space<vmem>>, %arg2: memref<1x1000x128xf32, #tpu.memory_space<vmem>>, %arg3: memref<1000x128xf32, #tpu.memory_space<vmem>>, %arg4: memref<1000x1xf32, #tpu.memory_space<vmem>>, %arg5: memref<1x64xf32, #tpu.memory_space<vmem>>, %arg6: memref<1000x64xf32, #tpu.memory_space<vmem>>) attributes {dimension_semantics = [#tpu.dimension_semantics<arbitrary>], iteration_bounds = array<i64: 10>, scalar_prefetch = 0 : i64, scratch_operands = 0 : i64, tpu.core_type = #tpu.core_type<tc>, window_params = [{transform_indices = @transform_0, window_bounds = array<i64: 1, 1000, 128>}, {transform_indices = @transform_1, window_bounds = array<i64: 1, 1000, 128>}, {transform_indices = @transform_2, window_bounds = array<i64: 1000, 128>}, {transform_indices = @transform_3, window_bounds = array<i64: 1000, 1>}, {pipeline_mode = #tpu.pipeline_mode<synchronous>, transform_indices = @transform_4, window_bounds = array<i64: 1, 64>}, {transform_indices = @transform_5, window_bounds = array<i64: 1000, 64>}]} {
    %get3A = arith.constant 0 : index
    %get3A_0 = arith.constant 0 : index
    %get3A_1 = vector.load %arg4[%get3A, %get3A_0] : memref<1000x1xf32, #tpu.memory_space<vmem>>, vector<1000x1xf32>
    %add3A = arith.constant 1.000000e+00 : f32
    %add3A_2 = vector.broadcast %add3A : f32 to vector<1000x1xf32>
    %add3A_3 = arith.addf %get3A_1, %add3A_2 : vector<1000x1xf32>
    %div3A = arith.constant 1.000000e+00 : f32
    %div3A_4 = vector.broadcast %div3A : f32 to vector<1000x1xf32>
    %div3A_5 = arith.divf %div3A_4, %add3A_3 : vector<1000x1xf32>
    %get3A_6 = arith.constant 0 : index
    %get3A_7 = arith.constant 0 : index
    %get3A_8 = arith.constant 0 : index
    %get3A_9 = vector.load %arg1[%get3A_6, %get3A_7, %get3A_8] : memref<1x1000x128xf32, #tpu.memory_space<vmem>>, vector<1x1000x64xf32>
    %get3A_10 = vector.shape_cast %get3A_9 : vector<1x1000x64xf32> to vector<1000x64xf32>
    %get3A_11 = arith.constant 0 : index
    %get3A_12 = arith.constant 0 : index
    %get3A_13 = arith.constant 0 : index
    %get3A_14 = vector.load %arg2[%get3A_11, %get3A_12, %get3A_13] : memref<1x1000x128xf32, #tpu.memory_space<vmem>>, vector<1x1000x64xf32>
    %get3A_15 = vector.shape_cast %get3A_14 : vector<1x1000x64xf32> to vector<1000x64xf32>
    %add3A_16 = arith.addf %get3A_10, %get3A_15 : vector<1000x64xf32>
    %get3A_17 = arith.constant 0 : index
    %get3A_18 = arith.constant 0 : index
    %get3A_19 = vector.load %arg3[%get3A_17, %get3A_18] : memref<1000x128xf32, #tpu.memory_space<vmem>>, vector<1000x64xf32>
    %add3A_20 = arith.addf %add3A_16, %get3A_19 : vector<1000x64xf32>
    %mul3A = vector.broadcast %div3A_5 : vector<1000x1xf32> to vector<1000x64xf32>
    %mul3A_21 = arith.mulf %add3A_20, %mul3A : vector<1000x64xf32>
    %get3A_22 = arith.constant 0 : index
    %get3A_23 = arith.constant 0 : index
    %get3A_24 = vector.load %arg5[%get3A_22, %get3A_23] : memref<1x64xf32, #tpu.memory_space<vmem>>, vector<1x64xf32>
    %add3A_25 = vector.broadcast %get3A_24 : vector<1x64xf32> to vector<1000x64xf32>
    %add3A_26 = arith.addf %mul3A_21, %add3A_25 : vector<1000x64xf32>
    %reduce_max3A = arith.constant dense<0xFF800000> : vector<1000xf32>
    %reduce_max3A_27 = vector.multi_reduction <maximumf>, %add3A_26, %reduce_max3A [1] : vector<1000x64xf32> to vector<1000xf32>
    %broadcast_in_dim3A = vector.shape_cast %reduce_max3A_27 : vector<1000xf32> to vector<1000x1xf32>
    %sub3A = vector.broadcast %broadcast_in_dim3A : vector<1000x1xf32> to vector<1000x64xf32>
    %sub3A_28 = arith.subf %add3A_26, %sub3A : vector<1000x64xf32>
    %exp3A = math.exp %sub3A_28 : vector<1000x64xf32>
    %reduce_sum3A = arith.constant dense<0.000000e+00> : vector<1000xf32>
    %reduce_sum3A_29 = vector.multi_reduction <add>, %exp3A, %reduce_sum3A [1] : vector<1000x64xf32> to vector<1000xf32>
    %broadcast_in_dim3A_30 = vector.shape_cast %reduce_sum3A_29 : vector<1000xf32> to vector<1000x1xf32>
    %log3A = math.log %broadcast_in_dim3A_30 : vector<1000x1xf32>
    %sub3A_31 = vector.broadcast %log3A : vector<1000x1xf32> to vector<1000x64xf32>
    %sub3A_32 = arith.subf %sub3A_28, %sub3A_31 : vector<1000x64xf32>
    %swap3A = arith.constant 0 : index
    %swap3A_33 = arith.constant 0 : index
    %swap3A_34 = vector.load %arg6[%swap3A, %swap3A_33] : memref<1000x64xf32, #tpu.memory_space<vmem>>, vector<1000x64xf32>
    tpu.vector_store %arg6[%swap3A, %swap3A_33], %sub3A_32 {strides = array<i32>} : memref<1000x64xf32, #tpu.memory_space<vmem>>, vector<1000x64xf32>,
    return
  }
  func.func @transform_0(%arg0: i32) -> (i32, i32, i32) {
    %c0_i32 = arith.constant 0 : i32
    %c0_i32_0 = arith.constant 0 : i32
    %c0_i32_1 = arith.constant 0 : i32
    return %c0_i32, %arg0, %c0_i32_0 : i32, i32, i32
  }
  func.func @transform_1(%arg0: i32) -> (i32, i32, i32) {
    %c1_i32 = arith.constant 1 : i32
    %c0_i32 = arith.constant 0 : i32
    %c0_i32_0 = arith.constant 0 : i32
    return %c1_i32, %arg0, %c0_i32 : i32, i32, i32
  }
  func.func @transform_2(%arg0: i32) -> (i32, i32) {
    %c0_i32 = arith.constant 0 : i32
    %c0_i32_0 = arith.constant 0 : i32
    return %arg0, %c0_i32 : i32, i32
  }
  func.func @transform_3(%arg0: i32) -> (i32, i32) {
    %c0_i32 = arith.constant 0 : i32
    %c0_i32_0 = arith.constant 0 : i32
    return %arg0, %c0_i32 : i32, i32
  }
  func.func @transform_4(%arg0: i32) -> (i32, i32) {
    %c0_i32 = arith.constant 0 : i32
    %c0_i32_0 = arith.constant 0 : i32
    %c0_i32_1 = arith.constant 0 : i32
    return %c0_i32, %c0_i32_0 : i32, i32
  }
  func.func @transform_5(%arg0: i32) -> (i32, i32) {
    %c0_i32 = arith.constant 0 : i32
    %c0_i32_0 = arith.constant 0 : i32
    return %arg0, %c0_i32 : i32, i32
  }
}

</mosaic_0001>

<sc_bundles>
// kernel: kernel.10.cloned.1.call-start
scs
__scs_entry_jumppad:
0x0: {  	(pc) =	sbr.rel $0x88, $3  }
0x1: {  	(tag) =	ssettag $0x0;
	lr =	simm.s32 $0x1  }
0x2: {  	[smem:$0x3F9B] =	sst lr;
	_ =	strace $0xD0000000  }
0x3: {  	_ = 	snop  }
0x4: {  	_ = 	snop  }
0x5: {  	_ = 	snop  }
0x6: {  	_ = 	snop  }
0x7: {  	_ = 	snop  }
__scs_overlays_trampoline_lowered:
0x8: {  	[smem:$0x3FAA] =	sst s0  }
0x9: {  	[smem:$0x3FAB] =	sst s1  }
0xa: {  	[smem:$0x3FAC] =	sst s2  }
0xb: {  	[smem:$0x3FAD] =	sst s3  }
0xc: {  	[smem:$0x3FAE] =	sst s4  }
0xd: {  	[smem:$0x3FAF] =	sst s5  }
0xe: {  	[smem:$0x3FB0] =	sst s6  }
0xf: {  	[smem:$0x3FB1] =	sst s7  }
0x10: {  	[smem:$0x3FB2] =	sst s8  }
0x11: {  	[smem:$0x3FB3] =	sst s9;
	s0 =	simm.s32 @!p0 $0x0  }
0x12: {  	s1 =	sld [smem:$0x3F99];
	s0 =	simm.s32 @p0 $0x1  }
0x13: {  	[smem:$0x3FB4] =	sst s0;
	s0 =	simm.s32 @!p1 $0x0  }
0x14: {  	s2 =	sld [smem:$0x3F98];
	s0 =	simm.s32 @p1 $0x1  }
0x15: {  	[smem:$0x3FB5] =	sst s0;
	s0 =	simm.s32 @!p2 $0x0  }
0x16: {  	s3 =	sld [smem:$0x3FDB];
	s0 =	simm.s32 @p2 $0x1  }
0x17: {  	s4 =	simm.s32 $0x1BF5;
	[smem:$0x3FB7] =	sst s0  }
0x18: {  	s0 =	sld [smem:$0x3F9A];
	_ =	swait.ge [sflag:s4], $0x0  }
0x19: {  	s7 =	sld [smem:$0x3F9B]  }
0x1a: {  	s8 =	sadd.s32 $0xFFFFE003, lr  }
0x1b: {  	s9 =	sadd.s32 $0xFFFFFEF7, lr;
	s5 =	simm.s32 $0xFFFFFFFF;
	p2 =	slt.u32 s8, $0xFFFFF086  }
0x1c: {  	p1 =	slt.u32 s9, $0xF7A;
	s5 =	simm.s32 @!p2 $0x0  }
0x1d: {  	s5 =	simm.s32 @p1 $0x1;
	p0 =	seq.s32 s7, s2  }
0x1e: {  	s7 =	smul.u32 @!p0 $0xF7A, s2;
	p2 =	seq.s32 @!p0 s5, $0x0  }
0x1f: {  	s9 =	smul.u32 $0xF7A, s1;
	s8 =	simm.s32 @!p0 $0x1BF5;
	p2 =	por !p2, p0  }
0x20: {  	[sflag:s8] =	ssyncset.s32 @!p0 $0xFFFFF086;
	s6 =	sadd.s32 @!p0 s3, s7;
	s7 =	simm.s32 @!p0 $0x108  }
0x21: {  	s3 =	sadd.s32 s3, s9;
	s6 =	sadd.s32 @!p0 $0x88, s6;
	s7 =	simm.s32 @p2 $0x1082  }
0x22: {  	[simem:s7], [sflag:s8] =	dma.local @!p0 [hbm:s6], $0xF7A  }
0x23: {  	s9 =	sor.u32 $0xD0000000, s2;
	s6 =	simm.s32 $0x108;
	_ =	swait.ge @!p0 [sflag:s8], $0x0  }
0x24: {  	s3 =	sadd.s32 $0x88, s3;
	s6 =	simm.s32 @!p1 $0x1082;
	[sflag:s4] =	ssyncset.s32 $0xFFFFF086  }
0x25: {  	[simem:s6], [sflag:s4] =	dma.local [hbm:s3], $0xF7A  }
0x26: {  	[smem:$0x3F9B] =	sst s1;
	(tag) =	ssettag s2;
	_ =	strace s9  }
0x27: {  	s1 =	sld [smem:$0x3FAB]  }
0x28: {  	s2 =	sld [smem:$0x3FAC]  }
0x29: {  	s4 =	sld [smem:$0x3FAE]  }
0x2a: {  	p0 =	seq.s32 s5, $0x0;
	s5 =	sld [smem:$0x3FAF]  }
0x2b: {  	s6 =	sld [smem:$0x3FB0]  }
0x2c: {  	s7 =	sld [smem:$0x3FB1]  }
0x2d: {  	s3 =	simm.s32 $0x108;
	s8 =	sld [smem:$0x3FB2]  }
0x2e: {  	s3 =	simm.s32 @!p0 $0x1082;
	s9 =	sld [smem:$0x3FB3]  }
0x2f: {  	lr =	sadd.s32 s0, s3;
	s0 =	sld [smem:$0x3FAA]  }
0x30: {  	s3 =	sld [smem:$0x3FAD]  }
0x31: {  	[smem:$0x3FB6] =	sst s10  }
0x32: {  	s10 =	sld [smem:$0x3FB4];
	_ =	sdelay $0x3  }
0x33: {  	p0 =	seq.s32 s10, $0x1;
	s10 =	sld [smem:$0x3FB6];
	_ =	sdelay $0x3  }
0x34: {  	[smem:$0x3FB6] =	sst s10  }
0x35: {  	s10 =	sld [smem:$0x3FB5];
	_ =	sdelay $0x3  }
0x36: {  	p1 =	seq.s32 s10, $0x1;
	s10 =	sld [smem:$0x3FB6];
	_ =	sdelay $0x3  }
0x37: {  	[smem:$0x3FB6] =	sst s10  }
0x38: {  	s10 =	sld [smem:$0x3FB7]  }
0x39: {  	_ = 	snop;
	(pc) =	sbr.ind lr, $3  }
0x3a: {  	_ = 	snop  }
0x3b: {  	_ = 	snop  }
0x3c: {  	p2 =	seq.s32 s10, $0x1;
	s10 =	sld [smem:$0x3FB6]  }
0x3d: {  	_ =	shalt  }
0x3e: {  	_ =	shalt  }
0x3f: {  	_ =	shalt  }
0x40: {  	_ =	shalt  }
0x41: {  	_ =	shalt  }
0x42: {  	_ =	shalt  }
0x43: {  	_ =	shalt  }
0x44: {  	_ =	shalt  }
0x45: {  	_ =	shalt  }
0x46: {  	_ =	shalt  }
0x47: {  	_ =	shalt  }
0x48: {  	_ =	shalt  }
0x49: {  	_ =	shalt  }
0x4a: {  	_ =	shalt  }
0x4b: {  	_ =	shalt  }
0x4c: {  	_ =	shalt  }
0x4d: {  	_ =	shalt  }
0x4e: {  	_ =	shalt  }
0x4f: {  	_ =	shalt  }
0x50: {  	_ =	shalt  }
0x51: {  	_ =	shalt  }
0x52: {  	_ =	shalt  }
0x53: {  	_ =	shalt  }
0x54: {  	_ =	shalt  }
0x55: {  	_ =	shalt  }
0x56: {  	_ =	shalt  }
0x57: {  	_ =	shalt  }
0x58: {  	_ =	shalt  }
0x59: {  	_ =	shalt  }
0x5a: {  	_ =	shalt  }
0x5b: {  	_ =	shalt  }
0x5c: {  	_ =	shalt  }
0x5d: {  	_ =	shalt  }
0x5e: {  	_ =	shalt  }
0x5f: {  	_ =	shalt  }
0x60: {  	_ =	shalt  }
0x61: {  	_ =	shalt  }
0x62: {  	_ =	shalt  }
0x63: {  	_ =	shalt  }
0x64: {  	_ =	shalt  }
0x65: {  	_ =	shalt  }
0x66: {  	_ =	shalt  }
0x67: {  	_ =	shalt  }
0x68: {  	_ =	shalt  }
0x69: {  	_ =	shalt  }
0x6a: {  	_ =	shalt  }
0x6b: {  	_ =	shalt  }
0x6c: {  	_ =	shalt  }
0x6d: {  	_ =	shalt  }
0x6e: {  	_ =	shalt  }
0x6f: {  	_ =	shalt  }
0x70: {  	_ =	shalt  }
0x71: {  	_ =	shalt  }
0x72: {  	_ =	shalt  }
0x73: {  	_ =	shalt  }
0x74: {  	_ =	shalt  }
0x75: {  	_ =	shalt  }
0x76: {  	_ =	shalt  }
0x77: {  	_ =	shalt  }
0x78: {  	_ =	shalt  }
0x79: {  	_ =	shalt  }
0x7a: {  	_ =	shalt  }
0x7b: {  	_ =	shalt  }
0x7c: {  	_ =	shalt  }
0x7d: {  	_ =	shalt  }
0x7e: {  	_ =	shalt  }
0x7f: {  	_ =	shalt  }
0x80: {  	_ =	shalt  }
0x81: {  	_ =	shalt  }
0x82: {  	_ =	shalt  }
0x83: {  	_ =	shalt  }
0x84: {  	_ =	shalt  }
0x85: {  	_ =	shalt  }
0x86: {  	_ =	shalt  }
0x87: {  	_ =	shalt  }
.Lfunc_end0:
.L_simem_size_0:
called_computation.1_lowered:
.L_overlay_start_0:
0x88: {  	s2 =	sld [smem:$0x3FD9]  }
0x89: {  	s3 =	sld [smem:$0x3FFE];
	_ =	sdelay $0x1  }
0x8a: {  	s1 =	srdreg.scid  }
0x8b: {  	s0 =	sand.u32 $0x1, s1  }
0x8c: {  	s17 =	sshll.u32 s0, $0xA;
	s2 =	sadd.s32 s3, s2  }
0x8d: {  	s2 =	sadd.s32 s2, s17  }
0x8e: {  	[smem:$0x3FC2] =	sst s2  }
0x8f: {  	_ = 	snop  }
0x90: {  	s2 =	sld [smem:$0x3FD0];
	(tm) =	ssettm $0x1  }
0x91: {  	s18 =	sld [smem:$0x3FFB];
	_ =	sdelay $0x3  }
0x92: {  	_ =	strace s18  }
0x93: {  	s3 =	sld [smem:$0x3FFC];
	_ =	sdelay $0x3  }
0x94: {  	_ =	strace s3  }
0x95: {  	s3 =	sld [smem:$0x3FFD];
	_ =	sdelay $0x3  }
0x96: {  	_ =	strace s3  }
0x97: {  	_ =	strace $0x8FFFFFFF  }
0x98: {  	s19 =	sld [smem:$0x3FDB];
	_ =	sdelay $0x1  }
0x99: {  	s4 =	simm.s32 $_scs_section_size  }
0x9a: {  	s5 =	simm.s32 $_size__tile_overlayer_lowered;
	s6 =	simm.s32 $_tile_overlayer_lowered  }
0x9b: {  	s22 =	simm.s32 $0x1BFF;
	s21 =	sshll.u32 s6, $0x1;
	s3 =	sadd.s32 s4, s19  }
0x9c: {  	s7 =	simm.s32 $0x0;
	s20 =	sshll.u32 s5, $0x1;
	s5 =	sadd.s32 s21, s3  }
0x9d: {  	[timem:s7], [sflag:s22] =	dma.local [hbm:s5], s20  }
0x9e: {  	_ =	swait.ge [sflag:s22], s20  }
0x9f: {  	s4 =	ssub.s32 $0x0, s20;
	[sflag:s22] =	ssyncset.done $0x0  }
0xa0: {  	[sflag:s22] =	ssyncadd.s32 s4;
	_ =	sdelay $0x1  }
0xa1: {  	s23 =	simm.s32 $0x1B8B  }
0xa2: {  	_ =	swait.ge [sflag:s23], $0x1  }
0xa3: {  	[sflag:s23] =	ssyncset.done $0x0  }
0xa4: {  	s25 =	simm.s32 $0x1B8E;
	s24 =	sld [smem:$0x3FFE];
	[sflag:s23] =	ssyncadd.s32 $0xFFFFFFFF  }
0xa5: {  	s26 =	simm.s32 $execute0_lowered;
	[smem:$0x3FD2] =	sst s25  }
0xa6: {  	s5 =	sshll.u32 s26, $0x1;
	_ =	strace $0x80000049;
	[dreg:$0x1] =	wrdreg $0xFFFFFFFF  }
0xa7: {  	s28 =	simm.s32 $_size_execute0_lowered;
	s3 =	sadd.s32 s3, s5;
	[dreg:$0x0] =	wrdreg $0x0  }
0xa8: {  	s5 =	sshll.u32 s28, $0x1;
	[dreg:$0x2] =	wrdreg s3  }
0xa9: {  	[dreg:$0x3] =	wrdreg s5  }
0xaa: {  	[dreg:$0x4] =	wrdreg $0xC0  }
0xab: {  	_ =	task [dreg:s7], $0x5FFFF  }
0xac: {  	[dreg:$0x1] =	wrdreg $0xFFFFFFFF  }
0xad: {  	[dreg:$0x0] =	wrdreg $0x60  }
0xae: {  	[dreg:$0x2] =	wrdreg s24  }
0xaf: {  	[dreg:$0x3] =	wrdreg s2  }
0xb0: {  	[dreg:$0x4] =	wrdreg $0x84000  }
0xb1: {  	[dreg:$0x5] =	wrdreg $0x9  }
0xb2: {  	_ =	task.clear_ibuf [dreg:s7], $0x6FFFF;
	_ =	strace $0x90000049  }
0xb3: {  	s29 =	simm.s32 $0x9;
	_ =	strace $0x8000004B  }
0xb4: {  	_ =	swait.ge [sflag:s29], $0x1  }
0xb5: {  	[sflag:s29] =	ssyncadd.s32 $0xFFFFFFFF  }
0xb6: {  	_ =	strace $0x9000004B  }
0xb7: {  	_ =	sfence  }
0xb8: {  	s30 =	sld [smem:$0x0];
	_ =	sdelay $0x2  }
0xb9: {  	s31 =	sshll.u32 s1, $0xD;
	s1 =	sshrl.u32 s1, $0x2  }
0xba: {  	s3 =	sand.u32 $0x4000, s31;
	s1 =	sadd.s32 s1, s30  }
0xbb: {  	s0 =	sor.u32 s3, s0;
	s1 =	sshll.u32 s1, $0x11  }
0xbc: {  	s0 =	sor.u32 s1, s0  }
0xbd: {  	s0 =	sadd.s32 $0x8F2B, s0  }
0xbe: {  	[sflag:s0] =	ssyncadd.remote.s32 $0x1  }
0xbf: {  	_ =	sfence.sel $0xFFFF  }
0xc0: {  	[dreg:$0x0] =	wrdreg $0xFFFFFFFF;
	(pc) =	sbr.abs _section_cstart, $3  }
0xc1: {  	[dreg:$0x1] =	wrdreg $0xFFFFFFFF  }
0xc2: {  	_ =	task.clear_ibuf [dreg:s7], $0x2FFFF;
	_ =	strace $0x9FFFFFFF  }
0xc3: {  	(tm) =	ssettm $0x7FFFFFFF  }
tec
execute0_lowered:
.L_overlay_start_1:
0x0: {  	(tag) =	ssettag $0x1  }
0x1: {  	s0 =	rddreg [dreg:$0x0]  }
0x2: {  	s1 =	rddreg [dreg:$0x1]  }
0x3: {  	s2 =	rddreg [dreg:$0x2]  }
0x4: {  	s3 =	simm.s32 $0x0;
	s4 =	srdreg.scid;
	s20 =	stileid.u32  }
0x5: {  	s28 =	simm.s32 $0x400;
	s29 =	simm.s32 $0x100;
	s30 =	simm.s32 $0x200  }
0x6: {  	s31 =	simm.s32 $0x1;
	[smem:$0x7FF] =	sst s3;
	s5 =	sadd.s32 $0xB1C00, s0  }
0x7: {  	s4 =	sand.u32 $0x1, s4;
	s6 =	sadd.s32 $0xB1400, s0;
	s7 =	smul.u32 $0x4F000, s20  }
0x8: {  	s0 =	sadd.s32 $0x1000, s0;
	s13 =	smul.u32 $0x13C00, s20;
	_ =	strace $0x8000004A  }
0x9: {  	[dreg:$0x7] =	wrdreg s6;
	s24 =	ssub.s32 $0x2, s4;
	s17 =	smul.u32 $0x13C000, s4  }
0xa: {  	s25 =	sshll.u32 s4, $0x4;
	s4 =	smul.u32 $0x28000, s4;
	s8 =	sshrl.u32 s24, $0x1  }
0xb: {  	s7 =	sshrl.u32 s7, $0x2;
	s9 =	sor.u32 s20, s25;
	s14 =	sadd.s32 $0x4000, s13  }
0xc: {  	s15 =	sadd.s32 $0x8000, s13;
	s16 =	sadd.s32 $0xC000, s13;
	s18 =	sadd.s32 $0x10000, s13  }
0xd: {  	s25 =	simm.s32 $0x280;
	s6 =	ssub.s32 s24, s8;
	s8 =	sadd.s32 s7, s2  }
0xe: {  	s21 =	sadd.s32 s14, s2;
	s9 =	smul.u32 $0x2800, s9;
	s22 =	sadd.s32 s15, s2  }
0xf: {  	s26 =	sadd.s32 s16, s2;
	s10 =	sadd.s32 s18, s2;
	s13 =	sadd.s32 s13, s17  }
0x10: {  	s14 =	sadd.s32 s17, s14;
	s15 =	sadd.s32 s17, s15;
	s24 =	simm.s32 $0x180  }
0x11: {  	[dreg:$0x5] =	wrdreg s25;
	s25 =	simm.s32 $0x2;
	s13 =	sshrl.u32 s13, $0x3  }
0x12: {  	s14 =	sshrl.u32 s14, $0x3;
	s15 =	sshrl.u32 s15, $0x3;
	s23 =	smax.u32 s6, $0x1  }
0x13: {  	[dreg:$0x4] =	wrdreg s24;
	s24 =	simm.s32 $0x9;
	s19 =	sshrl.u32 s9, $0x3  }
0x14: {  	s6 =	simm.s32 $0x3;
	[dreg:$0x11] =	wrdreg s23;
	s11 =	sadd.s32 s1, s19  }
0x15: {  	s19 =	smov.u32 s26;
	s26 =	simm.s32 $0x380;
	[dreg:$0x9] =	wrdreg s11  }
0x16: {  	s23 =	simm.s32 $0x4400;
	s12 =	sadd.s32 $0x20, s11;
	[dreg:$0x6] =	wrdreg s26  }
0x17: {  	s11 =	sadd.s32 $0x40, s11;
	s26 =	simm.s32 $0x80;
	[dreg:$0xa] =	wrdreg s12  }
0x18: {  	[dreg:$0xb] =	wrdreg s11;
	s11 =	smul.u32 $0x2800, s20;
	s12 =	sadd.s32 s0, s13  }
0x19: {  	s20 =	smov.u32 s10;
	s13 =	sadd.s32 s0, s14;
	[dreg:$0xc] =	wrdreg s12  }
0x1a: {  	s14 =	sadd.s32 s0, s15;
	s15 =	sadd.s32 s17, s16;
	[dreg:$0xd] =	wrdreg s13  }
0x1b: {  	s16 =	sadd.s32 s17, s18;
	[dreg:$0xe] =	wrdreg s14;
	s13 =	sshrl.u32 s15, $0x3  }
0x1c: {  	s14 =	sshrl.u32 s16, $0x3;
	s15 =	simm.s32 $0x4;
	s16 =	simm.s32 $0x8  }
0x1d: {  	[dreg:$0x8] =	wrdreg s20;
	s4 =	sadd.s32 s11, s4;
	s17 =	sadd.s32 s0, s13  }
0x1e: {  	s0 =	sadd.s32 s0, s14;
	s4 =	sor.u32 $0x300, s4;
	[dreg:$0xf] =	wrdreg s17  }
0x1f: {  	s14 =	simm.s32 $0x7;
	[dreg:$0x10] =	wrdreg s0;
	s18 =	sshrl.u32 s4, $0x3  }
0x20: {  	s17 =	simm.s32 $0x5;
	s4 =	simm.s32 $0x6;
	s0 =	sadd.s32 s18, s1  }
0x21: {  	s18 =	simm.s32 $0x0;
	[dreg:$0x12] =	wrdreg s0;
	s0 =	simm.s32 $0x300  }
.LBB2_1:
0x22: {  	s7 =	rddreg [dreg:$0x7]  }
0x23: {  	[tilespmem:s23], [sflag:$0x9] =	stream.linear.gather [hbm4b:s7+s3], $0x4000, $0x38;
	[tilespmem:$0x1C000] =	vst v63  }
0x24: {  	_ =	swait.ge [sflag:s24], $0x4000  }
0x25: {  	[sflag:s24] =	ssyncset.done $0x0  }
0x26: {  	[sflag:s24] =	ssyncadd.s32 $0xFFFFC000  }
0x27: {  	[spmem:s8] =	stream.linear.scatter [tilespmem:s23], [sflag:$0x2], $0x4000, $0x38;
	[tilespmem:$0x1C000] =	vst v63  }
0x28: {  	_ = 	snop  }
0x29: {  	[spmem:s21] =	stream.linear.scatter [tilespmem:s23], [sflag:$0x2], $0x4000, $0x38;
	[tilespmem:$0x1C000] =	vst v63  }
0x2a: {  	_ = 	snop  }
0x2b: {  	[spmem:s22] =	stream.linear.scatter [tilespmem:s23], [sflag:$0x2], $0x4000, $0x38;
	[tilespmem:$0x1C000] =	vst v63  }
0x2c: {  	_ = 	snop  }
0x2d: {  	[spmem:s19] =	stream.linear.scatter [tilespmem:s23], [sflag:$0x2], $0x4000, $0x38;
	[tilespmem:$0x1C000] =	vst v63  }
0x2e: {  	_ = 	snop  }
0x2f: {  	[spmem:s20] =	stream.linear.scatter [tilespmem:s23], [sflag:$0x2], $0x3C00, $0x38;
	[tilespmem:$0x1C000] =	vst v63  }
0x30: {  	_ =	swait.ge [sflag:s25], $0x4000  }
0x31: {  	[sflag:s25] =	ssyncset.done $0x0  }
0x32: {  	[sflag:s25] =	ssyncadd.s32 $0xFFFFC000  }
0x33: {  	_ =	swait.ge [sflag:s25], $0x4000  }
0x34: {  	[sflag:s25] =	ssyncset.done $0x0  }
0x35: {  	[sflag:s25] =	ssyncadd.s32 $0xFFFFC000  }
0x36: {  	_ =	swait.ge [sflag:s25], $0x4000  }
0x37: {  	[sflag:s25] =	ssyncset.done $0x0  }
0x38: {  	[sflag:s25] =	ssyncadd.s32 $0xFFFFC000  }
0x39: {  	_ =	swait.ge [sflag:s25], $0x4000  }
0x3a: {  	[sflag:s25] =	ssyncset.done $0x0  }
0x3b: {  	[sflag:s25] =	ssyncadd.s32 $0xFFFFC000  }
0x3c: {  	_ =	swait.ge [sflag:s25], $0x3C00  }
0x3d: {  	[sflag:s25] =	ssyncset.done $0x0  }
0x3e: {  	[sflag:s25] =	ssyncadd.s32 $0xFFFFC400  }
0x3f: {  	[bflag:$0x0] =	sbarrier.arrive $0xFFFF  }
0x40: {  	s10 =	smov.u32 s8;
	s8 =	rddreg [dreg:$0x9]  }
0x41: {  	[tilespmem:s3], [sflag:$0x9] =	stream.linear.gather [hbm4b:s8+s3], $0x100, $0x38;
	[tilespmem:$0x1C000] =	vst v63  }
0x42: {  	_ =	swait.ge [sflag:s24], $0x100  }
0x43: {  	[sflag:s24] =	ssyncset.done $0x0  }
0x44: {  	[sflag:s24] =	ssyncadd.s32 $0xFFFFFF00  }
0x45: {  	[tilespmem:s28], [sflag:$0x1] =	stream.indirect.gather [hbm4b:s5+s26], $0x80, s3, s26, $0xb8;
	[tilespmem:$0x1C000] =	vst v63  }
0x46: {  	s13 =	smov.u32 s19;
	s19 =	rddreg [dreg:$0xa]  }
0x47: {  	[tilespmem:s29], [sflag:$0x6] =	stream.linear.gather [hbm4b:s19+s3], $0x100, $0x38;
	[tilespmem:$0x1C000] =	vst v63  }
0x48: {  	s20 =	rddreg [dreg:$0xb]  }
0x49: {  	[tilespmem:s30], [sflag:$0x7] =	stream.linear.gather [hbm4b:s20+s3], $0x100, $0x38;
	[tilespmem:$0x1C000] =	vst v63  }
0x4a: {  	_ =	swait.ge [sflag:s31], $0x4000  }
0x4b: {  	p0 =	por $0x1, $0x1;
	[sflag:s31] =	ssyncset.done $0x0  }
0x4c: {  	s19 =	simm.s32 @!p0 $0x4;
	[sflag:s31] =	ssyncadd.s32 $0xFFFFC000  }
0x4d: {  	[spmem:s2] =	stream.indirect.scatter.add.f32 [tilespmem:s28], [sflag:$0x3], $0x80, s26, s26, $0xb8;
	[tilespmem:$0x1C000] =	vst v63  }
0x4e: {  	_ =	swait.ge @!p0 [sflag:s19], $0x4000  }
0x4f: {  	[sflag:s19] =	ssyncset.done @!p0 $0x0  }
0x50: {  	s7 =	rddreg [dreg:$0x12];
	[sflag:s19] =	ssyncadd.s32 @!p0 $0xFFFFC000  }
0x51: {  	[tilespmem:s0], [sflag:$0x8] =	stream.linear.gather [hbm4b:s7+s3], $0x100, $0x38;
	[tilespmem:$0x1C000] =	vst v63  }
0x52: {  	_ =	swait.ge [sflag:s4], $0x100  }
0x53: {  	[sflag:s4] =	ssyncset.done $0x0  }
0x54: {  	[sflag:s4] =	ssyncadd.s32 $0xFFFFFF00  }
0x55: {  	[tilespmem:s23], [sflag:$0x2] =	stream.indirect.gather [hbm4b:s5+s26], $0x80, s29, s26, $0xb8;
	[tilespmem:$0x1C000] =	vst v63  }
0x56: {  	s11 =	smov.u32 s21;
	s12 =	smov.u32 s22;
	_ =	swait.ge [sflag:s25], $0x4000  }
0x57: {  	s22 =	simm.s32 $0x400;
	p0 =	por $0x0, $0x0;
	[sflag:s25] =	ssyncset.done $0x0  }
0x58: {  	s22 =	simm.s32 @p0 $0x0;
	s21 =	rddreg [dreg:$0x4];
	[sflag:s25] =	ssyncadd.s32 $0xFFFFC000  }
0x59: {  	[spmem:s2] =	stream.indirect.scatter.add.f32 [tilespmem:s23], [sflag:$0x4], $0x80, s21, s26, $0xb8;
	[tilespmem:$0x1C000] =	vst v63  }
0x5a: {  	s22 =	sadd.s32 s9, s22;
	_ =	swait.ge [sflag:s6], $0x4000  }
0x5b: {  	s19 =	sshrl.u32 s22, $0x3;
	[sflag:s6] =	ssyncset.done $0x0  }
0x5c: {  	s19 =	sadd.s32 s1, s19;
	[sflag:s6] =	ssyncadd.s32 $0xFFFFC000  }
0x5d: {  	[tilespmem:s3], [sflag:$0x5] =	stream.linear.gather [hbm4b:s19+s3], $0x100, $0x38;
	[tilespmem:$0x1C000] =	vst v63  }
0x5e: {  	_ =	swait.ge [sflag:s14], $0x100  }
0x5f: {  	[sflag:s14] =	ssyncset.done $0x0  }
0x60: {  	[sflag:s14] =	ssyncadd.s32 $0xFFFFFF00  }
0x61: {  	[tilespmem:s28], [sflag:$0x1] =	stream.indirect.gather [hbm4b:s5+s26], $0x80, s30, s26, $0xb8;
	[tilespmem:$0x1C000] =	vst v63  }
0x62: {  	_ =	swait.ge [sflag:s31], $0x4000  }
0x63: {  	s22 =	simm.s32 $0x500;
	[sflag:s31] =	ssyncset.done $0x0  }
0x64: {  	s22 =	simm.s32 @p0 $0x0;
	s8 =	rddreg [dreg:$0x5];
	[sflag:s31] =	ssyncadd.s32 $0xFFFFC000  }
0x65: {  	[spmem:s2] =	stream.indirect.scatter.add.f32 [tilespmem:s28], [sflag:$0x3], $0x80, s8, s26, $0xb8;
	[tilespmem:$0x1C000] =	vst v63  }
0x66: {  	s20 =	sadd.s32 s9, s22;
	_ =	swait.ge [sflag:s15], $0x4000  }
0x67: {  	s19 =	sshrl.u32 s20, $0x3;
	[sflag:s15] =	ssyncset.done $0x0  }
0x68: {  	s19 =	sadd.s32 s1, s19;
	[sflag:s15] =	ssyncadd.s32 $0xFFFFC000  }
0x69: {  	[tilespmem:s29], [sflag:$0x6] =	stream.linear.gather [hbm4b:s19+s3], $0x100, $0x38;
	[tilespmem:$0x1C000] =	vst v63  }
0x6a: {  	_ =	swait.ge [sflag:s16], $0x100  }
0x6b: {  	[sflag:s16] =	ssyncset.done $0x0  }
0x6c: {  	[sflag:s16] =	ssyncadd.s32 $0xFFFFFF00  }
0x6d: {  	[tilespmem:s23], [sflag:$0x2] =	stream.indirect.gather [hbm4b:s5+s26], $0x80, s0, s26, $0xb8;
	[tilespmem:$0x1C000] =	vst v63  }
0x6e: {  	_ =	swait.ge [sflag:s25], $0x4000  }
0x6f: {  	s22 =	simm.s32 $0x600;
	[sflag:s25] =	ssyncset.done $0x0  }
0x70: {  	s22 =	simm.s32 @p0 $0x0;
	s21 =	rddreg [dreg:$0x6];
	[sflag:s25] =	ssyncadd.s32 $0xFFFFC000  }
0x71: {  	[spmem:s2] =	stream.indirect.scatter.add.f32 [tilespmem:s23], [sflag:$0x4], $0x80, s21, s26, $0xb8;
	[tilespmem:$0x1C000] =	vst v63  }
0x72: {  	s22 =	sadd.s32 s9, s22;
	_ =	swait.ge [sflag:s6], $0x4000  }
0x73: {  	s19 =	sshrl.u32 s22, $0x3;
	[sflag:s6] =	ssyncset.done $0x0  }
0x74: {  	s19 =	sadd.s32 s1, s19;
	[sflag:s6] =	ssyncadd.s32 $0xFFFFC000  }
0x75: {  	[tilespmem:s30], [sflag:$0x7] =	stream.linear.gather [hbm4b:s19+s3], $0x100, $0x38;
	[tilespmem:$0x1C000] =	vst v63  }
0x76: {  	s22 =	smov.u32 s7;
	s19 =	simm.s32 $0xA00;
	_ =	swait.ge [sflag:s17], $0x100  }
.LBB2_2:
0x77: {  	[sflag:s17] =	ssyncset.done $0x0  }
0x78: {  	[sflag:s17] =	ssyncadd.s32 $0xFFFFFF00  }
0x79: {  	[tilespmem:s28], [sflag:$0x1] =	stream.indirect.gather [hbm4b:s5+s26], $0x80, s3, s26, $0xb8;
	[tilespmem:$0x1C000] =	vst v63  }
0x7a: {  	s20 =	smov.u32 s19;
	_ =	swait.ge [sflag:s31], $0x4000  }
0x7b: {  	p1 =	seq.s32 s20, $0x600;
	[sflag:s31] =	ssyncset.done $0x0  }
0x7c: {  	s21 =	simm.s32 @!p1 $0x4;
	[sflag:s31] =	ssyncadd.s32 $0xFFFFC000  }
0x7d: {  	[spmem:s2] =	stream.indirect.scatter.add.f32 [tilespmem:s28], [sflag:$0x3], $0x80, s26, s26, $0xb8;
	[tilespmem:$0x1C000] =	vst v63  }
0x7e: {  	_ =	swait.ge @!p1 [sflag:s21], $0x4000  }
0x7f: {  	[sflag:s21] =	ssyncset.done @!p1 $0x0  }
0x80: {  	s22 =	sadd.s32 $0x80, s22;
	[sflag:s21] =	ssyncadd.s32 @!p1 $0xFFFFC000  }
0x81: {  	[tilespmem:s0], [sflag:$0x8] =	stream.linear.gather [hbm4b:s22+s3], $0x100, $0x38;
	[tilespmem:$0x1C000] =	vst v63  }
0x82: {  	_ =	swait.ge [sflag:s4], $0x100  }
0x83: {  	[sflag:s4] =	ssyncset.done $0x0  }
0x84: {  	[sflag:s4] =	ssyncadd.s32 $0xFFFFFF00  }
0x85: {  	[tilespmem:s23], [sflag:$0x2] =	stream.indirect.gather [hbm4b:s5+s26], $0x80, s29, s26, $0xb8;
	[tilespmem:$0x1C000] =	vst v63  }
0x86: {  	_ =	swait.ge [sflag:s25], $0x4000  }
0x87: {  	s8 =	sadd.s32 $0xFFFFFE00, s20;
	p1 =	seq.s32 s20, $0x2A00;
	[sflag:s25] =	ssyncset.done $0x0  }
0x88: {  	s8 =	simm.s32 @p1 $0x0;
	s7 =	rddreg [dreg:$0x4];
	[sflag:s25] =	ssyncadd.s32 $0xFFFFC000  }
0x89: {  	[spmem:s2] =	stream.indirect.scatter.add.f32 [tilespmem:s23], [sflag:$0x4], $0x80, s7, s26, $0xb8;
	[tilespmem:$0x1C000] =	vst v63  }
0x8a: {  	s7 =	sadd.s32 s9, s8;
	_ =	swait.ge [sflag:s6], $0x4000  }
0x8b: {  	s7 =	sshrl.u32 s7, $0x3;
	[sflag:s6] =	ssyncset.done $0x0  }
0x8c: {  	s7 =	sadd.s32 s1, s7;
	[sflag:s6] =	ssyncadd.s32 $0xFFFFC000  }
0x8d: {  	[tilespmem:s3], [sflag:$0x5] =	stream.linear.gather [hbm4b:s7+s3], $0x100, $0x38;
	[tilespmem:$0x1C000] =	vst v63  }
0x8e: {  	_ =	swait.ge [sflag:s14], $0x100  }
0x8f: {  	[sflag:s14] =	ssyncset.done $0x0  }
0x90: {  	s21 =	sadd.s32 $0xFFFFFF00, s20;
	[sflag:s14] =	ssyncadd.s32 $0xFFFFFF00  }
0x91: {  	[tilespmem:s28], [sflag:$0x1] =	stream.indirect.gather [hbm4b:s5+s26], $0x80, s30, s26, $0xb8;
	[tilespmem:$0x1C000] =	vst v63  }
0x92: {  	s21 =	simm.s32 @p1 $0x0;
	_ =	swait.ge [sflag:s31], $0x4000  }
0x93: {  	s21 =	sadd.s32 s9, s21;
	[sflag:s31] =	ssyncset.done $0x0  }
0x94: {  	s8 =	sshrl.u32 s21, $0x3;
	s21 =	rddreg [dreg:$0x5];
	[sflag:s31] =	ssyncadd.s32 $0xFFFFC000  }
0x95: {  	[spmem:s2] =	stream.indirect.scatter.add.f32 [tilespmem:s28], [sflag:$0x3], $0x80, s21, s26, $0xb8;
	[tilespmem:$0x1C000] =	vst v63  }
0x96: {  	_ =	swait.ge [sflag:s15], $0x4000  }
0x97: {  	[sflag:s15] =	ssyncset.done $0x0  }
0x98: {  	s21 =	sadd.s32 s1, s8;
	[sflag:s15] =	ssyncadd.s32 $0xFFFFC000  }
0x99: {  	[tilespmem:s29], [sflag:$0x6] =	stream.linear.gather [hbm4b:s21+s3], $0x100, $0x38;
	[tilespmem:$0x1C000] =	vst v63  }
0x9a: {  	_ =	swait.ge [sflag:s16], $0x100  }
0x9b: {  	[sflag:s16] =	ssyncset.done $0x0  }
0x9c: {  	[sflag:s16] =	ssyncadd.s32 $0xFFFFFF00  }
0x9d: {  	[tilespmem:s23], [sflag:$0x2] =	stream.indirect.gather [hbm4b:s5+s26], $0x80, s0, s26, $0xb8;
	[tilespmem:$0x1C000] =	vst v63  }
0x9e: {  	s19 =	sadd.s32 $0x400, s19;
	_ =	swait.ge [sflag:s25], $0x4000  }
0x9f: {  	p0 =	sne.s32 s19, $0x2E00;
	[sflag:s25] =	ssyncset.done $0x0  }
0xa0: {  	s20 =	simm.s32 @p1 $0x0;
	s8 =	rddreg [dreg:$0x6];
	[sflag:s25] =	ssyncadd.s32 $0xFFFFC000  }
0xa1: {  	[spmem:s2] =	stream.indirect.scatter.add.f32 [tilespmem:s23], [sflag:$0x4], $0x80, s8, s26, $0xb8;
	[tilespmem:$0x1C000] =	vst v63  }
.Ltmp0:
0xa2: {  	s20 =	sadd.s32 s9, s20;
	_ =	swait.ge [sflag:s6], $0x4000;
	(pc) =	sbr.rel @p0 .LBB2_2-.Ltmp0, $4  }
0xa3: {  	s20 =	sshrl.u32 s20, $0x3;
	[sflag:s6] =	ssyncset.done $0x0  }
0xa4: {  	s21 =	sadd.s32 s1, s20;
	[sflag:s6] =	ssyncadd.s32 $0xFFFFC000  }
0xa5: {  	[tilespmem:s30], [sflag:$0x7] =	stream.linear.gather [hbm4b:s21+s3], $0x100, $0x38;
	[tilespmem:$0x1C000] =	vst v63  }
0xa6: {  	_ =	swait.ge [sflag:s17], $0x100  }
0xa7: {  	[sflag:s17] =	ssyncset.done $0x0  }
0xa8: {  	[sflag:s17] =	ssyncadd.s32 $0xFFFFFF00  }
0xa9: {  	[tilespmem:s28], [sflag:$0x1] =	stream.indirect.gather [hbm4b:s5+s26], $0x80, s3, s26, $0xb8;
	[tilespmem:$0x1C000] =	vst v63  }
0xaa: {  	_ =	swait.ge [sflag:s31], $0x4000  }
0xab: {  	[sflag:s31] =	ssyncset.done $0x0  }
0xac: {  	[sflag:s31] =	ssyncadd.s32 $0xFFFFC000  }
0xad: {  	_ =	swait.ge [sflag:s15], $0x4000  }
0xae: {  	[sflag:s15] =	ssyncset.done $0x0  }
0xaf: {  	[sflag:s15] =	ssyncadd.s32 $0xFFFFC000  }
0xb0: {  	_ =	swait.ge [sflag:s4], $0x100  }
0xb1: {  	[sflag:s4] =	ssyncset.done $0x0  }
0xb2: {  	[sflag:s4] =	ssyncadd.s32 $0xFFFFFF00  }
0xb3: {  	_ =	swait.ge [sflag:s14], $0x100  }
0xb4: {  	[sflag:s14] =	ssyncset.done $0x0  }
0xb5: {  	[sflag:s14] =	ssyncadd.s32 $0xFFFFFF00  }
0xb6: {  	[bflag:$0x0] =	sbarrier.arrive $0xFFFF  }
0xb7: {  	[tilespmem:s28], [sflag:$0x1] =	stream.linear.gather [spmem:s10], $0x4000, $0x38;
	[tilespmem:$0x1C000] =	vst v63  }
0xb8: {  	_ = 	snop  }
0xb9: {  	[tilespmem:s23], [sflag:$0x2] =	stream.linear.gather [spmem:s11], $0x4000, $0x38;
	[tilespmem:$0x1C000] =	vst v63  }
0xba: {  	_ =	swait.ge [sflag:s31], $0x4000  }
0xbb: {  	[sflag:s31] =	ssyncset.done $0x0  }
0xbc: {  	s7 =	rddreg [dreg:$0xc];
	[sflag:s31] =	ssyncadd.s32 $0xFFFFC000  }
0xbd: {  	[hbm4b:s7+s3] =	stream.linear.scatter [tilespmem:s28], [sflag:$0x1], $0x4000, $0x38;
	[tilespmem:$0x1C000] =	vst v63  }
0xbe: {  	_ =	swait.ge [sflag:s25], $0x4000  }
0xbf: {  	[sflag:s25] =	ssyncset.done $0x0  }
0xc0: {  	s22 =	rddreg [dreg:$0xd];
	[sflag:s25] =	ssyncadd.s32 $0xFFFFC000  }
0xc1: {  	[hbm4b:s22+s3] =	stream.linear.scatter [tilespmem:s23], [sflag:$0x2], $0x4000, $0x38;
	[tilespmem:$0x1C000] =	vst v63  }
0xc2: {  	_ =	swait.ge [sflag:s31], $0x4000  }
0xc3: {  	[sflag:s31] =	ssyncset.done $0x0  }
0xc4: {  	[sflag:s31] =	ssyncadd.s32 $0xFFFFC000  }
0xc5: {  	[tilespmem:s28], [sflag:$0x1] =	stream.linear.gather [spmem:s12], $0x4000, $0x38;
	[tilespmem:$0x1C000] =	vst v63  }
0xc6: {  	_ =	swait.ge [sflag:s31], $0x4000  }
0xc7: {  	[sflag:s31] =	ssyncset.done $0x0  }
0xc8: {  	s8 =	smov.u32 s10;
	s10 =	rddreg [dreg:$0xe];
	[sflag:s31] =	ssyncadd.s32 $0xFFFFC000  }
0xc9: {  	[hbm4b:s10+s3] =	stream.linear.scatter [tilespmem:s28], [sflag:$0x1], $0x4000, $0x38;
	[tilespmem:$0x1C000] =	vst v63  }
0xca: {  	_ =	swait.ge [sflag:s25], $0x4000  }
0xcb: {  	[sflag:s25] =	ssyncset.done $0x0  }
0xcc: {  	[sflag:s25] =	ssyncadd.s32 $0xFFFFC000  }
0xcd: {  	[tilespmem:s23], [sflag:$0x2] =	stream.linear.gather [spmem:s13], $0x4000, $0x38;
	[tilespmem:$0x1C000] =	vst v63  }
0xce: {  	_ =	swait.ge [sflag:s25], $0x4000  }
0xcf: {  	[sflag:s25] =	ssyncset.done $0x0  }
0xd0: {  	s21 =	smov.u32 s11;
	s11 =	rddreg [dreg:$0xf];
	[sflag:s25] =	ssyncadd.s32 $0xFFFFC000  }
0xd1: {  	[hbm4b:s11+s3] =	stream.linear.scatter [tilespmem:s23], [sflag:$0x2], $0x4000, $0x38;
	[tilespmem:$0x1C000] =	vst v63  }
0xd2: {  	_ =	swait.ge [sflag:s31], $0x4000  }
0xd3: {  	[sflag:s31] =	ssyncset.done $0x0  }
0xd4: {  	s20 =	rddreg [dreg:$0x8];
	[sflag:s31] =	ssyncadd.s32 $0xFFFFC000  }
0xd5: {  	[tilespmem:s28], [sflag:$0x1] =	stream.linear.gather [spmem:s20], $0x3C00, $0x38;
	[tilespmem:$0x1C000] =	vst v63  }
0xd6: {  	_ =	swait.ge [sflag:s31], $0x3C00  }
0xd7: {  	[sflag:s31] =	ssyncset.done $0x0  }
0xd8: {  	s22 =	smov.u32 s12;
	s12 =	rddreg [dreg:$0x10];
	[sflag:s31] =	ssyncadd.s32 $0xFFFFC400  }
0xd9: {  	[hbm4b:s12+s3] =	stream.linear.scatter [tilespmem:s28], [sflag:$0x1], $0x3C00, $0x38;
	[tilespmem:$0x1C000] =	vst v63  }
0xda: {  	_ =	swait.ge [sflag:s25], $0x4000  }
0xdb: {  	[sflag:s25] =	ssyncset.done $0x0  }
0xdc: {  	[sflag:s25] =	ssyncadd.s32 $0xFFFFC000  }
0xdd: {  	_ =	swait.ge [sflag:s31], $0x3C00  }
0xde: {  	s19 =	smov.u32 s13;
	s18 =	sadd.s32 $0x1, s18;
	s13 =	rddreg [dreg:$0x11]  }
0xdf: {  	p0 =	sne.s32 s18, s13  }
.Ltmp1:
0xe0: {  	_ = 	snop;
	(pc) =	sbr.rel @p0 .LBB2_1-.Ltmp1, $3  }
0xe1: {  	_ =	sdelay $0x1  }
0xe2: {  	[sflag:s31] =	ssyncset.done $0x0  }
0xe3: {  	[sflag:s31] =	ssyncadd.s32 $0xFFFFC400  }
0xe4: {  	_ =	sfence.sel $0x180000  }
0xe5: {  	[bflag:$0x0] =	sbarrier.arrive $0xFFFF  }
0xe6: {  	_ =	strace $0x9000004A  }
0xe7: {  	s0 =	stileid.u32;
	[bflag:$0x2] =	sbarrier.arrive $0xFFFF  }
0xe8: {  	p0 =	sne.s32 s0, $0x0;
	s0 =	rddreg [dreg:$0x3]  }
0xe9: {  	s0 =	sadd.s32 @!p0 $0x100000, s0  }
0xea: {  	[sflag:s0] =	ssyncadd.tile.s32 @!p0 $0x1;
	_ =	shalt  }
.Lfunc_end2:
_tile_overlayer_lowered:
.L_overlay_start_2:
0xeb: {  	(tag) =	ssettag $0x2  }
0xec: {  	s0 =	rddreg [dreg:$0x0];
	s2 =	stileid.u32  }
0xed: {  	s1 =	rddreg [dreg:$0x1];
	p0 =	sne.s32 s2, $0x0  }
0xee: {  	s3 =	rddreg [dreg:$0x2];
	[bflag:$0x3] =	sbarrier.arrive $0xFFFF;
	s2 =	simm.s32 @!p0 $0x1C09  }
0xef: {  	[timem:s3], [sflag:s2] =	dma.local @!p0 [hbm:s0], s1  }
0xf0: {  	s0 =	simm.s32 @!p0 $0x9  }
0xf1: {  	_ =	swait.ge @!p0 [sflag:s0], s1  }
0xf2: {  	s1 =	ssub.s32 @!p0 $0x0, s1;
	[sflag:s0] =	ssyncset.done @!p0 $0x0  }
0xf3: {  	[sflag:s0] =	ssyncadd.s32 @!p0 s1  }
0xf4: {  	[bflag:$0x3] =	sbarrier.arrive $0xFFFF  }
0xf5: {  	_ =	shalt  }

// kernel: kernel.7.cloned.1.call-start
scs
__scs_entry_jumppad:
0x0: {  	(pc) =	sbr.rel $0x88, $3  }
0x1: {  	(tag) =	ssettag $0x0;
	lr =	simm.s32 $0x1  }
0x2: {  	[smem:$0x3F9B] =	sst lr;
	_ =	strace $0xD0000000  }
0x3: {  	_ = 	snop  }
0x4: {  	_ = 	snop  }
0x5: {  	_ = 	snop  }
0x6: {  	_ = 	snop  }
0x7: {  	_ = 	snop  }
__scs_overlays_trampoline_lowered:
0x8: {  	[smem:$0x3FAA] =	sst s0  }
0x9: {  	[smem:$0x3FAB] =	sst s1  }
0xa: {  	[smem:$0x3FAC] =	sst s2  }
0xb: {  	[smem:$0x3FAD] =	sst s3  }
0xc: {  	[smem:$0x3FAE] =	sst s4  }
0xd: {  	[smem:$0x3FAF] =	sst s5  }
0xe: {  	[smem:$0x3FB0] =	sst s6  }
0xf: {  	[smem:$0x3FB1] =	sst s7  }
0x10: {  	[smem:$0x3FB2] =	sst s8  }
0x11: {  	[smem:$0x3FB3] =	sst s9;
	s0 =	simm.s32 @!p0 $0x0  }
0x12: {  	s1 =	sld [smem:$0x3F99];
	s0 =	simm.s32 @p0 $0x1  }
0x13: {  	[smem:$0x3FB4] =	sst s0;
	s0 =	simm.s32 @!p1 $0x0  }
0x14: {  	s2 =	sld [smem:$0x3F98];
	s0 =	simm.s32 @p1 $0x1  }
0x15: {  	[smem:$0x3FB5] =	sst s0;
	s0 =	simm.s32 @!p2 $0x0  }
0x16: {  	s3 =	sld [smem:$0x3FDB];
	s0 =	simm.s32 @p2 $0x1  }
0x17: {  	s4 =	simm.s32 $0x1BF5;
	[smem:$0x3FB7] =	sst s0  }
0x18: {  	s0 =	sld [smem:$0x3F9A];
	_ =	swait.ge [sflag:s4], $0x0  }
0x19: {  	s7 =	sld [smem:$0x3F9B]  }
0x1a: {  	s8 =	sadd.s32 $0xFFFFE003, lr  }
0x1b: {  	s9 =	sadd.s32 $0xFFFFFEF7, lr;
	s5 =	simm.s32 $0xFFFFFFFF;
	p2 =	slt.u32 s8, $0xFFFFF086  }
0x1c: {  	p1 =	slt.u32 s9, $0xF7A;
	s5 =	simm.s32 @!p2 $0x0  }
0x1d: {  	s5 =	simm.s32 @p1 $0x1;
	p0 =	seq.s32 s7, s2  }
0x1e: {  	s7 =	smul.u32 @!p0 $0xF7A, s2;
	p2 =	seq.s32 @!p0 s5, $0x0  }
0x1f: {  	s9 =	smul.u32 $0xF7A, s1;
	s8 =	simm.s32 @!p0 $0x1BF5;
	p2 =	por !p2, p0  }
0x20: {  	[sflag:s8] =	ssyncset.s32 @!p0 $0xFFFFF086;
	s6 =	sadd.s32 @!p0 s3, s7;
	s7 =	simm.s32 @!p0 $0x108  }
0x21: {  	s3 =	sadd.s32 s3, s9;
	s6 =	sadd.s32 @!p0 $0x88, s6;
	s7 =	simm.s32 @p2 $0x1082  }
0x22: {  	[simem:s7], [sflag:s8] =	dma.local @!p0 [hbm:s6], $0xF7A  }
0x23: {  	s9 =	sor.u32 $0xD0000000, s2;
	s6 =	simm.s32 $0x108;
	_ =	swait.ge @!p0 [sflag:s8], $0x0  }
0x24: {  	s3 =	sadd.s32 $0x88, s3;
	s6 =	simm.s32 @!p1 $0x1082;
	[sflag:s4] =	ssyncset.s32 $0xFFFFF086  }
0x25: {  	[simem:s6], [sflag:s4] =	dma.local [hbm:s3], $0xF7A  }
0x26: {  	[smem:$0x3F9B] =	sst s1;
	(tag) =	ssettag s2;
	_ =	strace s9  }
0x27: {  	s1 =	sld [smem:$0x3FAB]  }
0x28: {  	s2 =	sld [smem:$0x3FAC]  }
0x29: {  	s4 =	sld [smem:$0x3FAE]  }
0x2a: {  	p0 =	seq.s32 s5, $0x0;
	s5 =	sld [smem:$0x3FAF]  }
0x2b: {  	s6 =	sld [smem:$0x3FB0]  }
0x2c: {  	s7 =	sld [smem:$0x3FB1]  }
0x2d: {  	s3 =	simm.s32 $0x108;
	s8 =	sld [smem:$0x3FB2]  }
0x2e: {  	s3 =	simm.s32 @!p0 $0x1082;
	s9 =	sld [smem:$0x3FB3]  }
0x2f: {  	lr =	sadd.s32 s0, s3;
	s0 =	sld [smem:$0x3FAA]  }
0x30: {  	s3 =	sld [smem:$0x3FAD]  }
0x31: {  	[smem:$0x3FB6] =	sst s10  }
0x32: {  	s10 =	sld [smem:$0x3FB4];
	_ =	sdelay $0x3  }
0x33: {  	p0 =	seq.s32 s10, $0x1;
	s10 =	sld [smem:$0x3FB6];
	_ =	sdelay $0x3  }
0x34: {  	[smem:$0x3FB6] =	sst s10  }
0x35: {  	s10 =	sld [smem:$0x3FB5];
	_ =	sdelay $0x3  }
0x36: {  	p1 =	seq.s32 s10, $0x1;
	s10 =	sld [smem:$0x3FB6];
	_ =	sdelay $0x3  }
0x37: {  	[smem:$0x3FB6] =	sst s10  }
0x38: {  	s10 =	sld [smem:$0x3FB7]  }
0x39: {  	_ = 	snop;
	(pc) =	sbr.ind lr, $3  }
0x3a: {  	_ = 	snop  }
0x3b: {  	_ = 	snop  }
0x3c: {  	p2 =	seq.s32 s10, $0x1;
	s10 =	sld [smem:$0x3FB6]  }
0x3d: {  	_ =	shalt  }
0x3e: {  	_ =	shalt  }
0x3f: {  	_ =	shalt  }
0x40: {  	_ =	shalt  }
0x41: {  	_ =	shalt  }
0x42: {  	_ =	shalt  }
0x43: {  	_ =	shalt  }
0x44: {  	_ =	shalt  }
0x45: {  	_ =	shalt  }
0x46: {  	_ =	shalt  }
0x47: {  	_ =	shalt  }
0x48: {  	_ =	shalt  }
0x49: {  	_ =	shalt  }
0x4a: {  	_ =	shalt  }
0x4b: {  	_ =	shalt  }
0x4c: {  	_ =	shalt  }
0x4d: {  	_ =	shalt  }
0x4e: {  	_ =	shalt  }
0x4f: {  	_ =	shalt  }
0x50: {  	_ =	shalt  }
0x51: {  	_ =	shalt  }
0x52: {  	_ =	shalt  }
0x53: {  	_ =	shalt  }
0x54: {  	_ =	shalt  }
0x55: {  	_ =	shalt  }
0x56: {  	_ =	shalt  }
0x57: {  	_ =	shalt  }
0x58: {  	_ =	shalt  }
0x59: {  	_ =	shalt  }
0x5a: {  	_ =	shalt  }
0x5b: {  	_ =	shalt  }
0x5c: {  	_ =	shalt  }
0x5d: {  	_ =	shalt  }
0x5e: {  	_ =	shalt  }
0x5f: {  	_ =	shalt  }
0x60: {  	_ =	shalt  }
0x61: {  	_ =	shalt  }
0x62: {  	_ =	shalt  }
0x63: {  	_ =	shalt  }
0x64: {  	_ =	shalt  }
0x65: {  	_ =	shalt  }
0x66: {  	_ =	shalt  }
0x67: {  	_ =	shalt  }
0x68: {  	_ =	shalt  }
0x69: {  	_ =	shalt  }
0x6a: {  	_ =	shalt  }
0x6b: {  	_ =	shalt  }
0x6c: {  	_ =	shalt  }
0x6d: {  	_ =	shalt  }
0x6e: {  	_ =	shalt  }
0x6f: {  	_ =	shalt  }
0x70: {  	_ =	shalt  }
0x71: {  	_ =	shalt  }
0x72: {  	_ =	shalt  }
0x73: {  	_ =	shalt  }
0x74: {  	_ =	shalt  }
0x75: {  	_ =	shalt  }
0x76: {  	_ =	shalt  }
0x77: {  	_ =	shalt  }
0x78: {  	_ =	shalt  }
0x79: {  	_ =	shalt  }
0x7a: {  	_ =	shalt  }
0x7b: {  	_ =	shalt  }
0x7c: {  	_ =	shalt  }
0x7d: {  	_ =	shalt  }
0x7e: {  	_ =	shalt  }
0x7f: {  	_ =	shalt  }
0x80: {  	_ =	shalt  }
0x81: {  	_ =	shalt  }
0x82: {  	_ =	shalt  }
0x83: {  	_ =	shalt  }
0x84: {  	_ =	shalt  }
0x85: {  	_ =	shalt  }
0x86: {  	_ =	shalt  }
0x87: {  	_ =	shalt  }
.Lfunc_end0:
.L_simem_size_0:
called_computation_lowered:
.L_overlay_start_0:
0x88: {  	s2 =	sld [smem:$0x3FD9]  }
0x89: {  	s3 =	sld [smem:$0x3FFE];
	_ =	sdelay $0x1  }
0x8a: {  	s1 =	srdreg.scid  }
0x8b: {  	s0 =	sand.u32 $0x1, s1  }
0x8c: {  	s16 =	sshll.u32 s0, $0xA;
	s2 =	sadd.s32 s3, s2  }
0x8d: {  	s2 =	sadd.s32 s2, s16  }
0x8e: {  	[smem:$0x3FC2] =	sst s2  }
0x8f: {  	_ = 	snop  }
0x90: {  	(tm) =	ssettm $0x1  }
0x91: {  	s17 =	sld [smem:$0x3FFB];
	_ =	sdelay $0x3  }
0x92: {  	_ =	strace s17  }
0x93: {  	s2 =	sld [smem:$0x3FFC];
	_ =	sdelay $0x3  }
0x94: {  	_ =	strace s2  }
0x95: {  	s2 =	sld [smem:$0x3FFD];
	_ =	sdelay $0x3  }
0x96: {  	_ =	strace s2  }
0x97: {  	_ =	strace $0x8FFFFFFF  }
0x98: {  	s18 =	sld [smem:$0x3FDB];
	_ =	sdelay $0x1  }
0x99: {  	s19 =	simm.s32 $_scs_section_size  }
0x9a: {  	s4 =	simm.s32 $_size__tile_overlayer_lowered;
	s5 =	simm.s32 $_tile_overlayer_lowered  }
0x9b: {  	s22 =	simm.s32 $0x1BFF;
	s21 =	sshll.u32 s5, $0x1;
	s2 =	sadd.s32 s19, s18  }
0x9c: {  	s6 =	simm.s32 $0x0;
	s20 =	sshll.u32 s4, $0x1;
	s4 =	sadd.s32 s21, s2  }
0x9d: {  	[timem:s6], [sflag:s22] =	dma.local [hbm:s4], s20  }
0x9e: {  	_ =	swait.ge [sflag:s22], s20  }
0x9f: {  	s3 =	ssub.s32 $0x0, s20;
	[sflag:s22] =	ssyncset.done $0x0  }
0xa0: {  	[sflag:s22] =	ssyncadd.s32 s3;
	_ =	sdelay $0x1  }
0xa1: {  	s23 =	simm.s32 $0x1B8B  }
0xa2: {  	_ =	swait.ge [sflag:s23], $0x1  }
0xa3: {  	[sflag:s23] =	ssyncset.done $0x0  }
0xa4: {  	s25 =	simm.s32 $0x1B8E;
	s24 =	sld [smem:$0x3FFE];
	[sflag:s23] =	ssyncadd.s32 $0xFFFFFFFF  }
0xa5: {  	s26 =	simm.s32 $execute0_lowered;
	[smem:$0x3FD2] =	sst s25  }
0xa6: {  	s4 =	sshll.u32 s26, $0x1;
	_ =	strace $0x80000046;
	[dreg:$0x1] =	wrdreg $0xFFFFFFFF  }
0xa7: {  	s28 =	simm.s32 $_size_execute0_lowered;
	s2 =	sadd.s32 s2, s4;
	[dreg:$0x0] =	wrdreg $0x0  }
0xa8: {  	s4 =	sshll.u32 s28, $0x1;
	[dreg:$0x2] =	wrdreg s2  }
0xa9: {  	[dreg:$0x3] =	wrdreg s4  }
0xaa: {  	[dreg:$0x4] =	wrdreg $0xC0  }
0xab: {  	_ =	task [dreg:s6], $0x5FFFF  }
0xac: {  	[dreg:$0x1] =	wrdreg $0xFFFFFFFF  }
0xad: {  	[dreg:$0x0] =	wrdreg $0x60  }
0xae: {  	[dreg:$0x2] =	wrdreg s24  }
0xaf: {  	[dreg:$0x3] =	wrdreg $0x87000  }
0xb0: {  	[dreg:$0x4] =	wrdreg $0x1C3000  }
0xb1: {  	[dreg:$0x5] =	wrdreg $0x9  }
0xb2: {  	_ =	task.clear_ibuf [dreg:s6], $0x6FFFF;
	_ =	strace $0x90000046  }
0xb3: {  	s29 =	simm.s32 $0x9;
	_ =	strace $0x80000048  }
0xb4: {  	_ =	swait.ge [sflag:s29], $0x1  }
0xb5: {  	[sflag:s29] =	ssyncadd.s32 $0xFFFFFFFF  }
0xb6: {  	_ =	strace $0x90000048  }
0xb7: {  	_ =	sfence  }
0xb8: {  	s30 =	sld [smem:$0x0];
	_ =	sdelay $0x2  }
0xb9: {  	s31 =	sshll.u32 s1, $0xD;
	s1 =	sshrl.u32 s1, $0x2  }
0xba: {  	s3 =	sand.u32 $0x4000, s31;
	s1 =	sadd.s32 s1, s30  }
0xbb: {  	s0 =	sor.u32 s3, s0;
	s1 =	sshll.u32 s1, $0x11  }
0xbc: {  	s0 =	sor.u32 s1, s0  }
0xbd: {  	s0 =	sadd.s32 $0x8F2B, s0  }
0xbe: {  	[sflag:s0] =	ssyncadd.remote.s32 $0x1  }
0xbf: {  	_ =	sfence.sel $0xFFFF  }
0xc0: {  	[dreg:$0x0] =	wrdreg $0xFFFFFFFF;
	(pc) =	sbr.abs _section_cstart, $3  }
0xc1: {  	[dreg:$0x1] =	wrdreg $0xFFFFFFFF  }
0xc2: {  	_ =	task.clear_ibuf [dreg:s6], $0x2FFFF;
	_ =	strace $0x9FFFFFFF  }
0xc3: {  	(tm) =	ssettm $0x7FFFFFFF  }
tec
execute0_lowered:
.L_overlay_start_1:
0x0: {  	(tag) =	ssettag $0x1  }
0x1: {  	s0 =	rddreg [dreg:$0x0]  }
0x2: {  	s1 =	rddreg [dreg:$0x1]  }
0x3: {  	s2 =	rddreg [dreg:$0x2]  }
0x4: {  	s4 =	simm.s32 $0x0;
	s20 =	stileid.u32;
	s3 =	srdreg.scid  }
0x5: {  	s29 =	simm.s32 $0x4400;
	s31 =	simm.s32 $0x2;
	s28 =	simm.s32 $0x4  }
0x6: {  	[smem:$0x7FF] =	sst s4;
	s5 =	sadd.s32 $0x15000, s0;
	s7 =	smul.u32 $0x278, s20  }
0x7: {  	s6 =	sadd.s32 $0x1000, s0;
	s3 =	sand.u32 $0x1, s3;
	s13 =	smul.u32 $0x13C00, s20  }
0x8: {  	s8 =	sadd.s32 $0xB1400, s0;
	s14 =	smul.u32 $0x4F000, s20;
	_ =	strace $0x80000047  }
0x9: {  	[dreg:$0x4] =	wrdreg s8;
	s8 =	sadd.s32 $0xB2600, s0;
	s12 =	smul.u32 $0x13C000, s3  }
0xa: {  	s9 =	ssub.s32 $0x2, s3;
	s26 =	smul.u32 $0x50000, s3;
	p0 =	sne.s32 s3, $0x0  }
0xb: {  	s10 =	sshrl.u32 s7, $0x3;
	s11 =	sshrl.u32 s9, $0x1;
	s21 =	sshll.u32 s7, $0x7  }
0xc: {  	s30 =	sadd.s32 s7, s2;
	s7 =	simm.s32 $0x80;
	s9 =	ssub.s32 s9, s11  }
0xd: {  	s15 =	sadd.s32 $0x4000, s21;
	s16 =	sadd.s32 $0x8000, s21;
	s17 =	sadd.s32 $0xC000, s21  }
0xe: {  	s11 =	sadd.s32 $0x10000, s21;
	s13 =	sadd.s32 s13, s12;
	s21 =	sadd.s32 $0xB1C00, s0  }
0xf: {  	[dreg:$0x11] =	wrdreg s30;
	s13 =	sshrl.u32 s13, $0x3;
	s18 =	sadd.s32 s12, s15  }
0x10: {  	s19 =	sadd.s32 s12, s16;
	s25 =	sadd.s32 s12, s17;
	s12 =	sadd.s32 s12, s11  }
0x11: {  	[dreg:$0xa] =	wrdreg s21;
	s13 =	sadd.s32 s8, s13;
	s22 =	sshrl.u32 s18, $0x3  }
0x12: {  	s23 =	sshrl.u32 s19, $0x3;
	s12 =	sshrl.u32 s12, $0x3;
	s19 =	smul.u32 $0x5000, s20  }
0x13: {  	[dreg:$0x5] =	wrdreg s13;
	s13 =	sadd.s32 s8, s22;
	s24 =	sadd.s32 s8, s23  }
0x14: {  	s22 =	sadd.s32 s10, s0;
	s0 =	sadd.s32 $0xB1E00, s0;
	[dreg:$0x6] =	wrdreg s13  }
0x15: {  	s10 =	simm.s32 $0x200;
	[dreg:$0x7] =	wrdreg s24;
	s13 =	sshrl.u32 s25, $0x3  }
0x16: {  	s23 =	sadd.s32 s19, s26;
	s24 =	sshll.u32 s3, $0x4;
	s25 =	sshrl.u32 s14, $0x2  }
0x17: {  	[dreg:$0xb] =	wrdreg s0;
	s14 =	sadd.s32 s15, s1;
	s15 =	sadd.s32 s17, s1  }
0x18: {  	s21 =	sadd.s32 $0xB2000, s22;
	s3 =	simm.s32 $0x8400;
	s13 =	sadd.s32 s8, s13  }
0x19: {  	s8 =	sadd.s32 s8, s12;
	s26 =	sor.u32 s20, s24;
	[dreg:$0xd] =	wrdreg s14  }
0x1a: {  	s20 =	sadd.s32 s16, s1;
	[dreg:$0xf] =	wrdreg s15;
	s17 =	sor.u32 $0x300, s23  }
0x1b: {  	[dreg:$0x13] =	wrdreg s21;
	s23 =	smax.u32 s9, $0x1;
	s9 =	simm.s32 $0x100  }
0x1c: {  	s12 =	simm.s32 $0x300;
	s14 =	simm.s32 $0x180;
	[dreg:$0x8] =	wrdreg s13  }
0x1d: {  	s15 =	simm.s32 $0xA;
	s21 =	simm.s32 $0x0;
	[dreg:$0x9] =	wrdreg s8  }
0x1e: {  	s13 =	sadd.s32 s25, s1;
	s18 =	smul.u32 $0x5000, s26;
	s25 =	sadd.s32 s11, s1  }
0x1f: {  	s22 =	sshrl.u32 s17, $0x3;
	[dreg:$0x14] =	wrdreg s23;
	s8 =	simm.s32 $0x400  }
0x20: {  	s11 =	simm.s32 $0x1;
	s23 =	simm.s32 $0x3;
	[dreg:$0xe] =	wrdreg s20  }
0x21: {  	s17 =	simm.s32 $0x7;
	[dreg:$0xc] =	wrdreg s13;
	s0 =	sadd.s32 s22, s6  }
0x22: {  	s13 =	simm.s32 $0x8;
	[dreg:$0x10] =	wrdreg s25;
	s16 =	sshrl.u32 s18, $0x3  }
0x23: {  	s22 =	simm.s32 $0x6;
	[dreg:$0x15] =	wrdreg s0;
	s19 =	sadd.s32 s6, s16  }
0x24: {  	s0 =	simm.s32 $0x9;
	s24 =	sadd.s32 $0x20, s19;
	[dreg:$0x12] =	wrdreg s19  }
0x25: {  	s16 =	simm.s32 $0x380;
	s26 =	sadd.s32 $0x40, s19;
	[dreg:$0x16] =	wrdreg s24  }
0x26: {  	[dreg:$0x17] =	wrdreg s26;
	s24 =	simm.s32 $0x5;
	s26 =	simm.s32 $0x280  }
.LBB2_1:
0x27: {  	[dreg:$0x18] =	wrdreg s21  }
0x28: {  	s19 =	rddreg [dreg:$0x4];
	s21 =	simm.s32 $0xB  }
0x29: {  	[tilespmem:s29], [sflag:$0xB] =	stream.linear.gather [hbm4b:s19+s4], $0x4000, $0x38;
	[tilespmem:$0x1C578] =	vst v63  }
0x2a: {  	_ =	swait.ge [sflag:s21], $0x4000  }
0x2b: {  	[sflag:s21] =	ssyncset.done $0x0  }
0x2c: {  	s19 =	rddreg [dreg:$0xc];
	[sflag:s21] =	ssyncadd.s32 $0xFFFFC000  }
0x2d: {  	[spmem:s19] =	stream.linear.scatter [tilespmem:s29], [sflag:$0x2], $0x4000, $0x38;
	[tilespmem:$0x1C578] =	vst v63  }
0x2e: {  	s19 =	rddreg [dreg:$0xd]  }
0x2f: {  	[spmem:s19] =	stream.linear.scatter [tilespmem:s29], [sflag:$0x2], $0x4000, $0x38;
	[tilespmem:$0x1C578] =	vst v63  }
0x30: {  	_ = 	snop  }
0x31: {  	[spmem:s20] =	stream.linear.scatter [tilespmem:s29], [sflag:$0x2], $0x4000, $0x38;
	[tilespmem:$0x1C578] =	vst v63  }
0x32: {  	s20 =	rddreg [dreg:$0xf]  }
0x33: {  	[spmem:s20] =	stream.linear.scatter [tilespmem:s29], [sflag:$0x2], $0x4000, $0x38;
	[tilespmem:$0x1C578] =	vst v63  }
0x34: {  	_ = 	snop  }
0x35: {  	[spmem:s25] =	stream.linear.scatter [tilespmem:s29], [sflag:$0x2], $0x3C00, $0x38;
	[tilespmem:$0x1C578] =	vst v63  }
0x36: {  	_ =	swait.ge [sflag:s31], $0x4000  }
0x37: {  	[sflag:s31] =	ssyncset.done $0x0  }
0x38: {  	[sflag:s31] =	ssyncadd.s32 $0xFFFFC000  }
0x39: {  	_ =	swait.ge [sflag:s31], $0x4000  }
0x3a: {  	[sflag:s31] =	ssyncset.done $0x0  }
0x3b: {  	[sflag:s31] =	ssyncadd.s32 $0xFFFFC000  }
0x3c: {  	_ =	swait.ge [sflag:s31], $0x4000  }
0x3d: {  	[sflag:s31] =	ssyncset.done $0x0  }
0x3e: {  	[sflag:s31] =	ssyncadd.s32 $0xFFFFC000  }
0x3f: {  	_ =	swait.ge [sflag:s31], $0x4000  }
0x40: {  	[sflag:s31] =	ssyncset.done $0x0  }
0x41: {  	[sflag:s31] =	ssyncadd.s32 $0xFFFFC000  }
0x42: {  	_ =	swait.ge [sflag:s31], $0x3C00  }
0x43: {  	[sflag:s31] =	ssyncset.done $0x0  }
0x44: {  	s25 =	simm.s32 $0x8480;
	s20 =	rddreg [dreg:$0xa];
	[sflag:s31] =	ssyncadd.s32 $0xFFFFC400  }
0x45: {  	[tilespmem:s25], [sflag:$0xB] =	stream.linear.gather [hbm4b:s20+s4], $0x280, $0x38;
	[tilespmem:$0x1C578] =	vst v63  }
0x46: {  	_ =	swait.ge [sflag:s21], $0x280  }
0x47: {  	[sflag:s21] =	ssyncset.done $0x0  }
0x48: {  	[sflag:s21] =	ssyncadd.s32 $0xFFFFFD80  }
0x49: {  	[spmem:s30] =	stream.linear.scatter [tilespmem:s25], [sflag:$0xB], $0x278, $0x38;
	[tilespmem:$0x1C578] =	vst v63  }
0x4a: {  	_ =	swait.ge [sflag:s21], $0x278  }
0x4b: {  	[sflag:s21] =	ssyncset.done $0x0  }
0x4c: {  	s30 =	rddreg [dreg:$0xb];
	[sflag:s21] =	ssyncadd.s32 $0xFFFFFD88  }
0x4d: {  	[tilespmem:s3], [sflag:$0xB] =	stream.linear.gather [hbm4b:s30+s4], $0x80, $0x38;
	[tilespmem:$0x1C578] =	vst v63  }
0x4e: {  	_ =	swait.ge [sflag:s21], $0x80  }
0x4f: {  	[sflag:s21] =	ssyncset.done $0x0  }
0x50: {  	[sflag:s21] =	ssyncadd.s32 $0xFFFFFF80  }
0x51: {  	[bflag:$0x0] =	sbarrier.arrive $0xFFFF  }
0x52: {  	s20 =	rddreg [dreg:$0x12]  }
0x53: {  	[tilespmem:s4], [sflag:$0xB] =	stream.linear.gather [hbm4b:s20+s4], $0x100, $0x38;
	[tilespmem:$0x1C578] =	vst v63  }
0x54: {  	_ =	swait.ge [sflag:s21], $0x100  }
0x55: {  	[sflag:s21] =	ssyncset.done $0x0  }
0x56: {  	[sflag:s21] =	ssyncadd.s32 $0xFFFFFF00  }
0x57: {  	[tilespmem:s8], [sflag:$0x1] =	stream.indirect.gather [hbm4b:s5+s7], $0x80, s4, s7, $0xb8;
	[tilespmem:$0x1C578] =	vst v63  }
0x58: {  	s25 =	rddreg [dreg:$0x16]  }
0x59: {  	[tilespmem:s9], [sflag:$0x8] =	stream.linear.gather [hbm4b:s25+s4], $0x100, $0x38;
	[tilespmem:$0x1C578] =	vst v63  }
0x5a: {  	s30 =	rddreg [dreg:$0x17]  }
0x5b: {  	[tilespmem:s10], [sflag:$0x9] =	stream.linear.gather [hbm4b:s30+s4], $0x100, $0x38;
	[tilespmem:$0x1C578] =	vst v63  }
0x5c: {  	_ =	swait.ge [sflag:s11], $0x4000  }
0x5d: {  	[sflag:s11] =	ssyncset.done $0x0  }
0x5e: {  	p1 =	por $0x1, $0x1;
	[sflag:s11] =	ssyncadd.s32 $0xFFFFC000  }
0x5f: {  	[spmem:s1] =	stream.indirect.scatter.add.f32 [tilespmem:s8], [sflag:$0x3], $0x80, s7, s7, $0xb8;
	[tilespmem:$0x1C578] =	vst v63  }
0x60: {  	s20 =	simm.s32 @!p1 $0x4  }
0x61: {  	[spmem:s2] =	stream.indirect.scatter.add.f32 [tilespmem:s3], [sflag:$0x5], $0x1, s7, s7, $0xb8;
	[tilespmem:$0x1C578] =	vst v63  }
0x62: {  	_ =	swait.ge @!p1 [sflag:s20], $0x4000  }
0x63: {  	[sflag:s20] =	ssyncset.done @!p1 $0x0  }
0x64: {  	s21 =	simm.s32 @!p1 $0x6;
	[sflag:s20] =	ssyncadd.s32 @!p1 $0xFFFFC000  }
0x65: {  	_ =	swait.ge @!p1 [sflag:s21], $0x80  }
0x66: {  	[sflag:s21] =	ssyncset.done @!p1 $0x0  }
0x67: {  	s25 =	rddreg [dreg:$0x15];
	[sflag:s21] =	ssyncadd.s32 @!p1 $0xFFFFFF80  }
0x68: {  	[tilespmem:s12], [sflag:$0xA] =	stream.linear.gather [hbm4b:s25+s4], $0x100, $0x38;
	[tilespmem:$0x1C578] =	vst v63  }
0x69: {  	_ =	swait.ge [sflag:s13], $0x100  }
0x6a: {  	[sflag:s13] =	ssyncset.done $0x0  }
0x6b: {  	[sflag:s13] =	ssyncadd.s32 $0xFFFFFF00  }
0x6c: {  	[tilespmem:s29], [sflag:$0x2] =	stream.indirect.gather [hbm4b:s5+s7], $0x80, s9, s7, $0xb8;
	[tilespmem:$0x1C578] =	vst v63  }
0x6d: {  	_ =	swait.ge [sflag:s31], $0x4000  }
0x6e: {  	[sflag:s31] =	ssyncset.done $0x0  }
0x6f: {  	[sflag:s31] =	ssyncadd.s32 $0xFFFFC000  }
0x70: {  	[spmem:s1] =	stream.indirect.scatter.add.f32 [tilespmem:s29], [sflag:$0x4], $0x80, s14, s7, $0xb8;
	[tilespmem:$0x1C578] =	vst v63  }
0x71: {  	_ = 	snop  }
0x72: {  	[spmem:s2] =	stream.indirect.scatter.add.f32 [tilespmem:s3], [sflag:$0x6], $0x1, s14, s7, $0xb8;
	[tilespmem:$0x1C578] =	vst v63  }
0x73: {  	_ =	swait.ge [sflag:s23], $0x4000  }
0x74: {  	s20 =	simm.s32 $0x400;
	p1 =	por $0x0, $0x0;
	[sflag:s23] =	ssyncset.done $0x0  }
0x75: {  	s20 =	simm.s32 @p1 $0x0;
	[sflag:s23] =	ssyncadd.s32 $0xFFFFC000  }
0x76: {  	s20 =	sadd.s32 s18, s20;
	_ =	swait.ge [sflag:s24], $0x80  }
0x77: {  	s20 =	sshrl.u32 s20, $0x3;
	[sflag:s24] =	ssyncset.done $0x0  }
0x78: {  	s20 =	sadd.s32 s6, s20;
	[sflag:s24] =	ssyncadd.s32 $0xFFFFFF80  }
0x79: {  	[tilespmem:s4], [sflag:$0x7] =	stream.linear.gather [hbm4b:s20+s4], $0x100, $0x38;
	[tilespmem:$0x1C578] =	vst v63  }
0x7a: {  	_ =	swait.ge [sflag:s0], $0x100  }
0x7b: {  	[sflag:s0] =	ssyncset.done $0x0  }
0x7c: {  	[sflag:s0] =	ssyncadd.s32 $0xFFFFFF00  }
0x7d: {  	[tilespmem:s8], [sflag:$0x1] =	stream.indirect.gather [hbm4b:s5+s7], $0x80, s10, s7, $0xb8;
	[tilespmem:$0x1C578] =	vst v63  }
0x7e: {  	_ =	swait.ge [sflag:s11], $0x4000  }
0x7f: {  	[sflag:s11] =	ssyncset.done $0x0  }
0x80: {  	[sflag:s11] =	ssyncadd.s32 $0xFFFFC000  }
0x81: {  	[spmem:s1] =	stream.indirect.scatter.add.f32 [tilespmem:s8], [sflag:$0x3], $0x80, s26, s7, $0xb8;
	[tilespmem:$0x1C578] =	vst v63  }
0x82: {  	_ = 	snop  }
0x83: {  	[spmem:s2] =	stream.indirect.scatter.add.f32 [tilespmem:s3], [sflag:$0x5], $0x1, s26, s7, $0xb8;
	[tilespmem:$0x1C578] =	vst v63  }
0x84: {  	_ =	swait.ge [sflag:s28], $0x4000  }
0x85: {  	s20 =	simm.s32 $0x500;
	[sflag:s28] =	ssyncset.done $0x0  }
0x86: {  	s20 =	simm.s32 @p1 $0x0;
	[sflag:s28] =	ssyncadd.s32 $0xFFFFC000  }
0x87: {  	s20 =	sadd.s32 s18, s20;
	_ =	swait.ge [sflag:s22], $0x80  }
0x88: {  	s20 =	sshrl.u32 s20, $0x3;
	[sflag:s22] =	ssyncset.done $0x0  }
0x89: {  	s20 =	sadd.s32 s6, s20;
	[sflag:s22] =	ssyncadd.s32 $0xFFFFFF80  }
0x8a: {  	[tilespmem:s9], [sflag:$0x8] =	stream.linear.gather [hbm4b:s20+s4], $0x100, $0x38;
	[tilespmem:$0x1C578] =	vst v63  }
0x8b: {  	_ =	swait.ge [sflag:s15], $0x100  }
0x8c: {  	[sflag:s15] =	ssyncset.done $0x0  }
0x8d: {  	[sflag:s15] =	ssyncadd.s32 $0xFFFFFF00  }
0x8e: {  	[tilespmem:s29], [sflag:$0x2] =	stream.indirect.gather [hbm4b:s5+s7], $0x80, s12, s7, $0xb8;
	[tilespmem:$0x1C578] =	vst v63  }
0x8f: {  	_ =	swait.ge [sflag:s31], $0x4000  }
0x90: {  	[sflag:s31] =	ssyncset.done $0x0  }
0x91: {  	[sflag:s31] =	ssyncadd.s32 $0xFFFFC000  }
0x92: {  	[spmem:s1] =	stream.indirect.scatter.add.f32 [tilespmem:s29], [sflag:$0x4], $0x80, s16, s7, $0xb8;
	[tilespmem:$0x1C578] =	vst v63  }
0x93: {  	_ = 	snop  }
0x94: {  	[spmem:s2] =	stream.indirect.scatter.add.f32 [tilespmem:s3], [sflag:$0x6], $0x1, s16, s7, $0xb8;
	[tilespmem:$0x1C578] =	vst v63  }
0x95: {  	_ =	swait.ge [sflag:s23], $0x4000  }
0x96: {  	s20 =	simm.s32 $0x600;
	[sflag:s23] =	ssyncset.done $0x0  }
0x97: {  	s20 =	simm.s32 @p1 $0x0;
	[sflag:s23] =	ssyncadd.s32 $0xFFFFC000  }
0x98: {  	s20 =	sadd.s32 s18, s20;
	_ =	swait.ge [sflag:s24], $0x80  }
0x99: {  	s20 =	sshrl.u32 s20, $0x3;
	[sflag:s24] =	ssyncset.done $0x0  }
0x9a: {  	s20 =	sadd.s32 s6, s20;
	[sflag:s24] =	ssyncadd.s32 $0xFFFFFF80  }
0x9b: {  	[tilespmem:s10], [sflag:$0x9] =	stream.linear.gather [hbm4b:s20+s4], $0x100, $0x38;
	[tilespmem:$0x1C578] =	vst v63  }
0x9c: {  	_ =	swait.ge [sflag:s17], $0x100  }
0x9d: {  	s20 =	simm.s32 $0xA00;
	[sflag:s17] =	ssyncset.done $0x0  }
.LBB2_2:
0x9e: {  	[sflag:s17] =	ssyncadd.s32 $0xFFFFFF00  }
0x9f: {  	s25 =	sadd.s32 $0x80, s25;
	s21 =	smov.u32 s20;
	s20 =	sadd.s32 $0x400, s20  }
0xa0: {  	[tilespmem:s8], [sflag:$0x1] =	stream.indirect.gather [hbm4b:s5+s7], $0x80, s4, s7, $0xb8;
	[tilespmem:$0x1C578] =	vst v63  }
0xa1: {  	p1 =	sne.s32 s20, $0x5600;
	_ =	swait.ge [sflag:s11], $0x4000  }
0xa2: {  	[sflag:s11] =	ssyncset.done $0x0  }
0xa3: {  	[sflag:s11] =	ssyncadd.s32 $0xFFFFC000  }
0xa4: {  	[spmem:s1] =	stream.indirect.scatter.add.f32 [tilespmem:s8], [sflag:$0x3], $0x80, s7, s7, $0xb8;
	[tilespmem:$0x1C578] =	vst v63  }
0xa5: {  	p2 =	seq.s32 s21, $0x600  }
0xa6: {  	[spmem:s2] =	stream.indirect.scatter.add.f32 [tilespmem:s3], [sflag:$0x5], $0x1, s7, s7, $0xb8;
	[tilespmem:$0x1C578] =	vst v63  }
0xa7: {  	s19 =	simm.s32 @!p2 $0x4  }
0xa8: {  	_ =	swait.ge @!p2 [sflag:s19], $0x4000  }
0xa9: {  	s30 =	simm.s32 @!p2 $0x6;
	[sflag:s19] =	ssyncset.done @!p2 $0x0  }
0xaa: {  	[sflag:s19] =	ssyncadd.s32 @!p2 $0xFFFFC000  }
0xab: {  	_ =	swait.ge @!p2 [sflag:s30], $0x80  }
0xac: {  	[sflag:s30] =	ssyncset.done @!p2 $0x0  }
0xad: {  	[sflag:s30] =	ssyncadd.s32 @!p2 $0xFFFFFF80  }
0xae: {  	[tilespmem:s12], [sflag:$0xA] =	stream.linear.gather [hbm4b:s25+s4], $0x100, $0x38;
	[tilespmem:$0x1C578] =	vst v63  }
0xaf: {  	_ =	swait.ge [sflag:s13], $0x100  }
0xb0: {  	[sflag:s13] =	ssyncset.done $0x0  }
0xb1: {  	[sflag:s13] =	ssyncadd.s32 $0xFFFFFF00  }
0xb2: {  	[tilespmem:s29], [sflag:$0x2] =	stream.indirect.gather [hbm4b:s5+s7], $0x80, s9, s7, $0xb8;
	[tilespmem:$0x1C578] =	vst v63  }
0xb3: {  	_ =	swait.ge [sflag:s31], $0x4000  }
0xb4: {  	[sflag:s31] =	ssyncset.done $0x0  }
0xb5: {  	[sflag:s31] =	ssyncadd.s32 $0xFFFFC000  }
0xb6: {  	[spmem:s1] =	stream.indirect.scatter.add.f32 [tilespmem:s29], [sflag:$0x4], $0x80, s14, s7, $0xb8;
	[tilespmem:$0x1C578] =	vst v63  }
0xb7: {  	s19 =	sadd.s32 $0xFFFFFF00, s21  }
0xb8: {  	[spmem:s2] =	stream.indirect.scatter.add.f32 [tilespmem:s3], [sflag:$0x6], $0x1, s14, s7, $0xb8;
	[tilespmem:$0x1C578] =	vst v63  }
0xb9: {  	p2 =	seq.s32 s21, $0x5200;
	s30 =	sadd.s32 $0xFFFFFE00, s21;
	_ =	swait.ge [sflag:s23], $0x4000  }
0xba: {  	s30 =	simm.s32 @p2 $0x0;
	s19 =	simm.s32 @p2 $0x0;
	[sflag:s23] =	ssyncset.done $0x0  }
0xbb: {  	s30 =	sadd.s32 s18, s30;
	s19 =	sadd.s32 s18, s19;
	[sflag:s23] =	ssyncadd.s32 $0xFFFFC000  }
0xbc: {  	s30 =	sshrl.u32 s30, $0x3;
	s19 =	sshrl.u32 s19, $0x3;
	_ =	swait.ge [sflag:s24], $0x80  }
0xbd: {  	s21 =	simm.s32 @p2 $0x0;
	s30 =	sadd.s32 s6, s30;
	[sflag:s24] =	ssyncset.done $0x0  }
0xbe: {  	s21 =	sadd.s32 s18, s21;
	[sflag:s24] =	ssyncadd.s32 $0xFFFFFF80  }
0xbf: {  	[tilespmem:s4], [sflag:$0x7] =	stream.linear.gather [hbm4b:s30+s4], $0x100, $0x38;
	[tilespmem:$0x1C578] =	vst v63  }
0xc0: {  	s21 =	sshrl.u32 s21, $0x3;
	_ =	swait.ge [sflag:s0], $0x100  }
0xc1: {  	[sflag:s0] =	ssyncset.done $0x0  }
0xc2: {  	[sflag:s0] =	ssyncadd.s32 $0xFFFFFF00  }
0xc3: {  	[tilespmem:s8], [sflag:$0x1] =	stream.indirect.gather [hbm4b:s5+s7], $0x80, s10, s7, $0xb8;
	[tilespmem:$0x1C578] =	vst v63  }
0xc4: {  	_ =	swait.ge [sflag:s11], $0x4000  }
0xc5: {  	[sflag:s11] =	ssyncset.done $0x0  }
0xc6: {  	[sflag:s11] =	ssyncadd.s32 $0xFFFFC000  }
0xc7: {  	[spmem:s1] =	stream.indirect.scatter.add.f32 [tilespmem:s8], [sflag:$0x3], $0x80, s26, s7, $0xb8;
	[tilespmem:$0x1C578] =	vst v63  }
0xc8: {  	_ = 	snop  }
0xc9: {  	[spmem:s2] =	stream.indirect.scatter.add.f32 [tilespmem:s3], [sflag:$0x5], $0x1, s26, s7, $0xb8;
	[tilespmem:$0x1C578] =	vst v63  }
0xca: {  	_ =	swait.ge [sflag:s28], $0x4000  }
0xcb: {  	[sflag:s28] =	ssyncset.done $0x0  }
0xcc: {  	[sflag:s28] =	ssyncadd.s32 $0xFFFFC000  }
0xcd: {  	_ =	swait.ge [sflag:s22], $0x80  }
0xce: {  	s19 =	sadd.s32 s6, s19;
	[sflag:s22] =	ssyncset.done $0x0  }
0xcf: {  	[sflag:s22] =	ssyncadd.s32 $0xFFFFFF80  }
0xd0: {  	[tilespmem:s9], [sflag:$0x8] =	stream.linear.gather [hbm4b:s19+s4], $0x100, $0x38;
	[tilespmem:$0x1C578] =	vst v63  }
0xd1: {  	_ =	swait.ge [sflag:s15], $0x100  }
0xd2: {  	[sflag:s15] =	ssyncset.done $0x0  }
0xd3: {  	[sflag:s15] =	ssyncadd.s32 $0xFFFFFF00  }
0xd4: {  	[tilespmem:s29], [sflag:$0x2] =	stream.indirect.gather [hbm4b:s5+s7], $0x80, s12, s7, $0xb8;
	[tilespmem:$0x1C578] =	vst v63  }
0xd5: {  	_ =	swait.ge [sflag:s31], $0x4000  }
0xd6: {  	[sflag:s31] =	ssyncset.done $0x0  }
0xd7: {  	[sflag:s31] =	ssyncadd.s32 $0xFFFFC000  }
0xd8: {  	[spmem:s1] =	stream.indirect.scatter.add.f32 [tilespmem:s29], [sflag:$0x4], $0x80, s16, s7, $0xb8;
	[tilespmem:$0x1C578] =	vst v63  }
0xd9: {  	_ = 	snop  }
0xda: {  	[spmem:s2] =	stream.indirect.scatter.add.f32 [tilespmem:s3], [sflag:$0x6], $0x1, s16, s7, $0xb8;
	[tilespmem:$0x1C578] =	vst v63  }
0xdb: {  	_ =	swait.ge [sflag:s23], $0x4000  }
0xdc: {  	[sflag:s23] =	ssyncset.done $0x0  }
0xdd: {  	[sflag:s23] =	ssyncadd.s32 $0xFFFFC000  }
0xde: {  	_ =	swait.ge [sflag:s24], $0x80  }
.Ltmp0:
0xdf: {  	[sflag:s24] =	ssyncset.done $0x0;
	(pc) =	sbr.rel @p1 .LBB2_2-.Ltmp0, $4  }
0xe0: {  	s19 =	sadd.s32 s6, s21;
	[sflag:s24] =	ssyncadd.s32 $0xFFFFFF80  }
0xe1: {  	[tilespmem:s10], [sflag:$0x9] =	stream.linear.gather [hbm4b:s19+s4], $0x100, $0x38;
	[tilespmem:$0x1C578] =	vst v63  }
0xe2: {  	_ =	swait.ge [sflag:s17], $0x100  }
0xe3: {  	[sflag:s17] =	ssyncset.done $0x0  }
0xe4: {  	[sflag:s17] =	ssyncadd.s32 $0xFFFFFF00  }
0xe5: {  	[tilespmem:s8], [sflag:$0x1] =	stream.indirect.gather [hbm4b:s5+s7], $0x80, s4, s7, $0xb8;
	[tilespmem:$0x1C578] =	vst v63  }
0xe6: {  	_ =	swait.ge [sflag:s11], $0x4000  }
0xe7: {  	[sflag:s11] =	ssyncset.done $0x0  }
0xe8: {  	[sflag:s11] =	ssyncadd.s32 $0xFFFFC000  }
0xe9: {  	_ =	swait.ge [sflag:s28], $0x4000  }
0xea: {  	[sflag:s28] =	ssyncset.done $0x0  }
0xeb: {  	[sflag:s28] =	ssyncadd.s32 $0xFFFFC000  }
0xec: {  	_ =	swait.ge [sflag:s22], $0x80  }
0xed: {  	[sflag:s22] =	ssyncset.done $0x0  }
0xee: {  	[sflag:s22] =	ssyncadd.s32 $0xFFFFFF80  }
0xef: {  	_ =	swait.ge [sflag:s13], $0x100  }
0xf0: {  	[sflag:s13] =	ssyncset.done $0x0  }
0xf1: {  	[sflag:s13] =	ssyncadd.s32 $0xFFFFFF00  }
0xf2: {  	_ =	swait.ge [sflag:s0], $0x100  }
0xf3: {  	[sflag:s0] =	ssyncset.done $0x0  }
0xf4: {  	[sflag:s0] =	ssyncadd.s32 $0xFFFFFF00  }
0xf5: {  	[bflag:$0x0] =	sbarrier.arrive $0xFFFF  }
0xf6: {  	s19 =	rddreg [dreg:$0xc]  }
0xf7: {  	[tilespmem:s8], [sflag:$0x1] =	stream.linear.gather [spmem:s19], $0x4000, $0x38;
	[tilespmem:$0x1C578] =	vst v63  }
0xf8: {  	s20 =	rddreg [dreg:$0xd]  }
0xf9: {  	[tilespmem:s29], [sflag:$0x2] =	stream.linear.gather [spmem:s20], $0x4000, $0x38;
	[tilespmem:$0x1C578] =	vst v63  }
0xfa: {  	_ =	swait.ge [sflag:s11], $0x4000  }
0xfb: {  	[sflag:s11] =	ssyncset.done $0x0  }
0xfc: {  	s21 =	rddreg [dreg:$0x5];
	[sflag:s11] =	ssyncadd.s32 $0xFFFFC000  }
0xfd: {  	[hbm4b:s21+s4] =	stream.linear.scatter [tilespmem:s8], [sflag:$0x1], $0x4000, $0x38;
	[tilespmem:$0x1C578] =	vst v63  }
0xfe: {  	_ =	swait.ge [sflag:s31], $0x4000  }
0xff: {  	[sflag:s31] =	ssyncset.done $0x0  }
0x100: {  	s25 =	rddreg [dreg:$0x6];
	[sflag:s31] =	ssyncadd.s32 $0xFFFFC000  }
0x101: {  	[hbm4b:s25+s4] =	stream.linear.scatter [tilespmem:s29], [sflag:$0x2], $0x4000, $0x38;
	[tilespmem:$0x1C578] =	vst v63  }
0x102: {  	_ =	swait.ge [sflag:s11], $0x4000  }
0x103: {  	[sflag:s11] =	ssyncset.done $0x0  }
0x104: {  	s20 =	rddreg [dreg:$0xe];
	[sflag:s11] =	ssyncadd.s32 $0xFFFFC000  }
0x105: {  	[tilespmem:s8], [sflag:$0x1] =	stream.linear.gather [spmem:s20], $0x4000, $0x38;
	[tilespmem:$0x1C578] =	vst v63  }
0x106: {  	_ =	swait.ge [sflag:s11], $0x4000  }
0x107: {  	[sflag:s11] =	ssyncset.done $0x0  }
0x108: {  	s21 =	rddreg [dreg:$0x7];
	[sflag:s11] =	ssyncadd.s32 $0xFFFFC000  }
0x109: {  	[hbm4b:s21+s4] =	stream.linear.scatter [tilespmem:s8], [sflag:$0x1], $0x4000, $0x38;
	[tilespmem:$0x1C578] =	vst v63  }
0x10a: {  	_ =	swait.ge [sflag:s31], $0x4000  }
0x10b: {  	[sflag:s31] =	ssyncset.done $0x0  }
0x10c: {  	s25 =	rddreg [dreg:$0xf];
	[sflag:s31] =	ssyncadd.s32 $0xFFFFC000  }
0x10d: {  	[tilespmem:s29], [sflag:$0x2] =	stream.linear.gather [spmem:s25], $0x4000, $0x38;
	[tilespmem:$0x1C578] =	vst v63  }
0x10e: {  	_ =	swait.ge [sflag:s31], $0x4000  }
0x10f: {  	[sflag:s31] =	ssyncset.done $0x0  }
0x110: {  	s20 =	rddreg [dreg:$0x8];
	[sflag:s31] =	ssyncadd.s32 $0xFFFFC000  }
0x111: {  	[hbm4b:s20+s4] =	stream.linear.scatter [tilespmem:s29], [sflag:$0x2], $0x4000, $0x38;
	[tilespmem:$0x1C578] =	vst v63  }
0x112: {  	_ =	swait.ge [sflag:s11], $0x4000  }
0x113: {  	[sflag:s11] =	ssyncset.done $0x0  }
0x114: {  	s21 =	rddreg [dreg:$0x10];
	[sflag:s11] =	ssyncadd.s32 $0xFFFFC000  }
0x115: {  	[tilespmem:s8], [sflag:$0x1] =	stream.linear.gather [spmem:s21], $0x3C00, $0x38;
	[tilespmem:$0x1C578] =	vst v63  }
0x116: {  	_ =	swait.ge [sflag:s11], $0x3C00  }
0x117: {  	[sflag:s11] =	ssyncset.done $0x0  }
0x118: {  	s25 =	rddreg [dreg:$0x9];
	[sflag:s11] =	ssyncadd.s32 $0xFFFFC400  }
0x119: {  	[hbm4b:s25+s4] =	stream.linear.scatter [tilespmem:s8], [sflag:$0x1], $0x3C00, $0x38;
	[tilespmem:$0x1C578] =	vst v63  }
0x11a: {  	_ =	swait.ge [sflag:s31], $0x4000  }
0x11b: {  	[sflag:s31] =	ssyncset.done $0x0  }
0x11c: {  	[sflag:s31] =	ssyncadd.s32 $0xFFFFC000  }
0x11d: {  	_ =	swait.ge [sflag:s11], $0x3C00  }
0x11e: {  	s19 =	simm.s32 @!p0 $0x8480;
	[sflag:s11] =	ssyncset.done $0x0  }
0x11f: {  	s20 =	simm.s32 @!p0 $0xB;
	s30 =	rddreg [dreg:$0x11];
	[sflag:s11] =	ssyncadd.s32 $0xFFFFC400  }
0x120: {  	[tilespmem:s19], [sflag:$0xB] =	stream.linear.gather @!p0 [spmem:s30], $0x278, $0x38;
	[tilespmem:$0x1C578] =	vst v63  }
0x121: {  	_ =	swait.ge @!p0 [sflag:s20], $0x278  }
0x122: {  	s21 =	simm.s32 @!p0 $0x0;
	[sflag:s20] =	ssyncset.done @!p0 $0x0  }
0x123: {  	s25 =	simm.s32 @!p0 $0x8480;
	s19 =	rddreg [dreg:$0x13];
	[sflag:s20] =	ssyncadd.s32 @!p0 $0xFFFFFD88  }
0x124: {  	[hbm4b:s19+s21] =	stream.linear.scatter @!p0 [tilespmem:s25], [sflag:$0xB], $0x278, $0x38;
	[tilespmem:$0x1C578] =	vst v63  }
0x125: {  	s25 =	rddreg [dreg:$0x10];
	_ =	swait.ge @!p0 [sflag:s20], $0x278  }
0x126: {  	s19 =	rddreg [dreg:$0x18]  }
0x127: {  	s21 =	sadd.s32 $0x1, s19;
	s19 =	rddreg [dreg:$0x14]  }
0x128: {  	p1 =	sne.s32 s21, s19  }
.Ltmp1:
0x129: {  	_ = 	snop;
	(pc) =	sbr.rel @p1 .LBB2_1-.Ltmp1, $3  }
0x12a: {  	_ =	sdelay $0x1  }
0x12b: {  	[sflag:s20] =	ssyncset.done @!p0 $0x0  }
0x12c: {  	[sflag:s20] =	ssyncadd.s32 @!p0 $0xFFFFFD88;
	s20 =	rddreg [dreg:$0xe]  }
0x12d: {  	_ =	sfence.sel $0x180000  }
0x12e: {  	[bflag:$0x0] =	sbarrier.arrive $0xFFFF  }
0x12f: {  	_ =	strace $0x90000047  }
0x130: {  	s0 =	stileid.u32;
	[bflag:$0x2] =	sbarrier.arrive $0xFFFF  }
0x131: {  	p0 =	sne.s32 s0, $0x0;
	s0 =	rddreg [dreg:$0x3]  }
0x132: {  	s0 =	sadd.s32 @!p0 $0x100000, s0  }
0x133: {  	[sflag:s0] =	ssyncadd.tile.s32 @!p0 $0x1;
	_ =	shalt  }
.Lfunc_end2:
_tile_overlayer_lowered:
.L_overlay_start_2:
0x134: {  	(tag) =	ssettag $0x2  }
0x135: {  	s0 =	rddreg [dreg:$0x0];
	s2 =	stileid.u32  }
0x136: {  	s1 =	rddreg [dreg:$0x1];
	p0 =	sne.s32 s2, $0x0  }
0x137: {  	s3 =	rddreg [dreg:$0x2];
	[bflag:$0x3] =	sbarrier.arrive $0xFFFF;
	s2 =	simm.s32 @!p0 $0x1C0B  }
0x138: {  	[timem:s3], [sflag:s2] =	dma.local @!p0 [hbm:s0], s1  }
0x139: {  	s0 =	simm.s32 @!p0 $0xB  }
0x13a: {  	_ =	swait.ge @!p0 [sflag:s0], s1  }
0x13b: {  	s1 =	ssub.s32 @!p0 $0x0, s1;
	[sflag:s0] =	ssyncset.done @!p0 $0x0  }
0x13c: {  	[sflag:s0] =	ssyncadd.s32 @!p0 s1  }
0x13d: {  	[bflag:$0x3] =	sbarrier.arrive $0xFFFF  }
0x13e: {  	_ =	shalt  }

</sc_bundles>
